<compile_context>
chip_gen: v7x
topology: tpu7x:2x2x1
jax: 0.10.2.dev20260603
libtpu: 0.0.44.dev20260713+nightly
codegen_flags: <defaults>
</compile_context>

<pallas_src>
import jax
import jax.numpy as jnp
from jax import lax
from jax.experimental import pallas as pl
from jax.experimental.pallas import tpu as pltpu
from jax.experimental.pallas import tpu_sc as plsc

N = 50000
M = 16
ORIG = 128
NBR = 16
AF = 64
NC = 3
HF = 128
N0 = 1000
APC = 50
EPS = 1e-5

NWORK = 32
TW = 128


def _make_sc_gather(n_ops, group, d):
    assert n_ops % NWORK == 0
    ops_w = n_ops // NWORK
    assert ops_w % (2 * group) == 0 and ops_w % 8 == 0
    n_ss = ops_w // (2 * group)
    rows_g = group * 128

    def body(table_hbm, idx_hbm, out_hbm, idx_v, rows0, rows1, a0, a1, b0, b1):
        wid = lax.axis_index("s") * 2 + lax.axis_index("c")
        op_base = wid * ops_w
        pltpu.sync_copy(idx_hbm.at[pl.ds(op_base, ops_w)], idx_v)
        bufs = (rows0, rows1)
        gsems = (a0, a1)
        wsems = (b0, b1)

        def wb_copy(buf, g, sem):
            row0 = (op_base + g * group) * 128
            return pltpu.make_async_copy(
                buf, out_hbm.at[pl.ds(row0, rows_g)], sem
            )

        def sstep(ss, carry):
            for t in range(2):
                g = ss * 2 + t

                @pl.when(ss > 0)
                def _():
                    wb_copy(bufs[t], g - 2, wsems[t]).wait()

                for j in range(group):
                    pltpu.async_copy(
                        table_hbm.at[idx_v.at[g * group + j]],
                        bufs[t].at[pl.ds(j * 128, 128)],
                        gsems[t],
                    )
            for t in range(2):
                g = ss * 2 + t
                for j in range(group):
                    pltpu.make_async_copy(
                        table_hbm.at[idx_v.at[g * group + j]],
                        bufs[t].at[pl.ds(j * 128, 128)],
                        gsems[t],
                    ).wait()
                wb_copy(bufs[t], g, wsems[t]).start()
            return carry

        lax.fori_loop(0, n_ss, sstep, 0)
        for t in range(2):
            wb_copy(bufs[t], (n_ss - 1) * 2 + t, wsems[t]).wait()

    def run(table, idx2d):
        mesh = plsc.VectorSubcoreMesh(core_axis_name="c", subcore_axis_name="s")
        k = pl.kernel(
            body,
            mesh=mesh,
            out_type=jax.ShapeDtypeStruct((n_ops * 128, d), jnp.float32),
            scratch_types=[
                pltpu.VMEM((ops_w, 128), jnp.int32),
                pltpu.VMEM((rows_g, d), jnp.float32),
                pltpu.VMEM((rows_g, d), jnp.float32),
                pltpu.SemaphoreType.DMA,
                pltpu.SemaphoreType.DMA,
                pltpu.SemaphoreType.DMA,
                pltpu.SemaphoreType.DMA,
            ],
        )
        return k(table, idx2d)

    return run


_NB_OPS = 6400
_NB_PAD = _NB_OPS * 128
_gather_nbr = _make_sc_gather(_NB_OPS, 2, TW)

_PL_OPS = 512
_PL_PAD = _PL_OPS * 128
_gather_pool = _make_sc_gather(_PL_OPS, 2, TW)


_BN_ROWS = 1000
_NBLK = N // _BN_ROWS


def _split_hl(a):
    hi = a.astype(jnp.bfloat16)
    lo = (a - hi.astype(jnp.float32)).astype(jnp.bfloat16)
    return hi, lo


def _dot1(a, wh_ref, _wl_ref):
    return jnp.dot(a.astype(jnp.bfloat16), wh_ref[...],
                   preferred_element_type=jnp.float32)


def _dot1b(a_bf16, wh_ref):
    return jnp.dot(a_bf16, wh_ref[...], preferred_element_type=jnp.float32)


def _embed_k(a_ref, wh, wl, b_ref, o_ref):
    o_ref[...] = _dot1(a_ref[...], wh, wl) + b_ref[...]


def _gated_block(x_ref, g_ref, e_ref, wsh, wsl, wnh, wnl, weh, wel, b_ref):
    p = _dot1(x_ref[...], wsh, wsl) + b_ref[...]
    gf = _dot1(g_ref[...], wnh, wnl)
    gf = gf + _dot1b(e_ref[...], weh)
    return gf.reshape(_BN_ROWS, M, 2 * AF) + p[:, None, :]


def _acc_update(i, acc, acc_out, s, s2):
    @pl.when(i == 0)
    def _():
        acc[...] = jnp.zeros_like(acc)

    acc[...] += jnp.concatenate([s, s2], axis=0)

    @pl.when(i == _NBLK - 1)
    def _():
        acc_out[...] = acc[...]


def _pass1_k(x_ref, g_ref, e_ref, wsh, wsl, wnh, wnl, weh, wel, b_ref,
             acc_out, acc):
    i = pl.program_id(0)
    g3 = _gated_block(x_ref, g_ref, e_ref, wsh, wsl, wnh, wnl, weh, wel, b_ref)
    s = jnp.sum(g3, axis=(0, 1))[None, :]
    s2 = jnp.sum(g3 * g3, axis=(0, 1))[None, :]
    _acc_update(i, acc, acc_out, s, s2)


def _pass2_k(x_ref, g_ref, e_ref, wsh, wsl, wnh, wnl, weh, wel, b_ref,
             s_ref, t_ref, ns_out, acc_out, acc):
    i = pl.program_id(0)
    g3 = _gated_block(x_ref, g_ref, e_ref, wsh, wsl, wnh, wnl, weh, wel, b_ref)
    g3 = g3 * s_ref[...][None, :, :] + t_ref[...][None, :, :]
    filt = jax.nn.sigmoid(g3[..., :AF])
    core = jax.nn.softplus(g3[..., AF:])
    ns = jnp.sum(filt * core, axis=1)
    ns_out[...] = ns
    s = jnp.sum(ns, axis=0)[None, :]
    s2 = jnp.sum(ns * ns, axis=0)[None, :]
    _acc_update(i, acc, acc_out, s, s2)


def _pass3_k(x_ref, ns_ref, s_ref, t_ref, o_ref):
    v = jax.nn.softplus(
        x_ref[:, :AF] + ns_ref[...] * s_ref[...] + t_ref[...]
    )
    o_ref[...] = jnp.concatenate(
        [v, jnp.zeros((_BN_ROWS, TW - AF), jnp.float32)], axis=1
    )


_BNC = 200
_NBLKC = N0 // _BNC


def _final_k(p_ref, w1t, b1_, wot, bo_, out_ref, crys_ref):
    pr = p_ref[:, :AF]
    cf = jnp.mean(pr.reshape(_BNC, APC, AF), axis=1)
    crys_ref[...] = cf
    h = jnp.dot(jax.nn.softplus(cf), w1t[...],
                preferred_element_type=jnp.float32) + b1_[...]
    h = jax.nn.softplus(h)
    out_ref[...] = jnp.dot(h, wot[...],
                           preferred_element_type=jnp.float32) + bo_[...]


def _tc_params():
    return pltpu.CompilerParams(dimension_semantics=("arbitrary",))


def _embed(atom_fea, W_embed, b_embed):
    wt = jnp.concatenate(
        [W_embed.T, jnp.zeros((ORIG, TW - AF), jnp.float32)], axis=1
    )
    wh, wl = _split_hl(wt)
    bp = jnp.concatenate([b_embed, jnp.zeros((TW - AF,), jnp.float32)])[None, :]
    return pl.pallas_call(
        _embed_k,
        grid=(_NBLK,),
        in_specs=[
            pl.BlockSpec((_BN_ROWS, ORIG), lambda i: (i, 0)),
            pl.BlockSpec((ORIG, TW), lambda i: (0, 0)),
            pl.BlockSpec((ORIG, TW), lambda i: (0, 0)),
            pl.BlockSpec((1, TW), lambda i: (0, 0)),
        ],
        out_specs=pl.BlockSpec((_BN_ROWS, TW), lambda i: (i, 0)),
        out_shape=jax.ShapeDtypeStruct((N, TW), jnp.float32),
        compiler_params=_tc_params(),
    )(atom_fea, wh, wl, bp)


def _conv_specs():
    return [
        pl.BlockSpec((_BN_ROWS, TW), lambda i: (i, 0)),
        pl.BlockSpec((_BN_ROWS * M, TW), lambda i: (i, 0)),
        pl.BlockSpec((_BN_ROWS * M, NBR), lambda i: (i, 0)),
        pl.BlockSpec((TW, 2 * AF), lambda i: (0, 0)),
        pl.BlockSpec((TW, 2 * AF), lambda i: (0, 0)),
        pl.BlockSpec((TW, 2 * AF), lambda i: (0, 0)),
        pl.BlockSpec((TW, 2 * AF), lambda i: (0, 0)),
        pl.BlockSpec((NBR, 2 * AF), lambda i: (0, 0)),
        pl.BlockSpec((NBR, 2 * AF), lambda i: (0, 0)),
        pl.BlockSpec((1, 2 * AF), lambda i: (0, 0)),
    ]


def _pass1(x, gpad, eflat, w6, bias):
    return pl.pallas_call(
        _pass1_k,
        grid=(_NBLK,),
        in_specs=_conv_specs(),
        out_specs=pl.BlockSpec((2, 2 * AF), lambda i: (0, 0)),
        out_shape=jax.ShapeDtypeStruct((2, 2 * AF), jnp.float32),
        scratch_shapes=[pltpu.VMEM((2, 2 * AF), jnp.float32)],
        compiler_params=_tc_params(),
    )(x, gpad, eflat, *w6, bias)


def _pass2(x, gpad, eflat, w6, bias, s1, t1):
    return pl.pallas_call(
        _pass2_k,
        grid=(_NBLK,),
        in_specs=_conv_specs() + [
            pl.BlockSpec((1, 2 * AF), lambda i: (0, 0)),
            pl.BlockSpec((1, 2 * AF), lambda i: (0, 0)),
        ],
        out_specs=[
            pl.BlockSpec((_BN_ROWS, AF), lambda i: (i, 0)),
            pl.BlockSpec((2, AF), lambda i: (0, 0)),
        ],
        out_shape=[
            jax.ShapeDtypeStruct((N, AF), jnp.float32),
            jax.ShapeDtypeStruct((2, AF), jnp.float32),
        ],
        scratch_shapes=[pltpu.VMEM((2, AF), jnp.float32)],
        compiler_params=_tc_params(),
    )(x, gpad, eflat, *w6, bias, s1, t1)


def _pass3(x, ns, s2, t2):
    return pl.pallas_call(
        _pass3_k,
        grid=(_NBLK,),
        in_specs=[
            pl.BlockSpec((_BN_ROWS, TW), lambda i: (i, 0)),
            pl.BlockSpec((_BN_ROWS, AF), lambda i: (i, 0)),
            pl.BlockSpec((1, AF), lambda i: (0, 0)),
            pl.BlockSpec((1, AF), lambda i: (0, 0)),
        ],
        out_specs=pl.BlockSpec((_BN_ROWS, TW), lambda i: (i, 0)),
        out_shape=jax.ShapeDtypeStruct((N, TW), jnp.float32),
        compiler_params=_tc_params(),
    )(x, ns, s2, t2)


def _final(pooled, W1, b1, Wo, bo):
    return pl.pallas_call(
        _final_k,
        grid=(_NBLKC,),
        in_specs=[
            pl.BlockSpec((_BNC * APC, TW), lambda i: (i, 0)),
            pl.BlockSpec((AF, HF), lambda i: (0, 0)),
            pl.BlockSpec((1, HF), lambda i: (0, 0)),
            pl.BlockSpec((HF, 1), lambda i: (0, 0)),
            pl.BlockSpec((1, 1), lambda i: (0, 0)),
        ],
        out_specs=[
            pl.BlockSpec((_BNC, 1), lambda i: (i, 0)),
            pl.BlockSpec((_BNC, AF), lambda i: (i, 0)),
        ],
        out_shape=[
            jax.ShapeDtypeStruct((N0, 1), jnp.float32),
            jax.ShapeDtypeStruct((N0, AF), jnp.float32),
        ],
        compiler_params=_tc_params(),
    )(pooled, W1.T, b1[None, :], Wo.T, bo[None, :])


def _bn_affine(acc, g, b, rows):
    mean = acc[0] / rows
    var = acc[1] / rows - mean * mean
    s = g * lax.rsqrt(var + EPS)
    t = b - mean * s
    return s, t


def _pad_rows(w):
    return jnp.concatenate([w, jnp.zeros((TW - AF, w.shape[1]), w.dtype)], axis=0)


def kernel(atom_fea, nbr_fea, nbr_fea_idx, crystal_atom_idx, W_embed, b_embed,
           convW, convB, conv_g1, conv_b1, conv_g2, conv_b2, W1, b1, Wo, bo):
    eflat = nbr_fea.reshape(N * M, NBR).astype(jnp.bfloat16)
    nb_idx = jnp.concatenate(
        [nbr_fea_idx.reshape(-1),
         jnp.arange(_NB_PAD - N * M, dtype=jnp.int32) % N]
    ).reshape(_NB_OPS, 128)
    pool_idx = jnp.concatenate(
        [crystal_atom_idx.reshape(-1),
         jnp.arange(_PL_PAD - N0 * APC, dtype=jnp.int32) % N]
    ).reshape(_PL_OPS, 128)

    x = _embed(atom_fea, W_embed, b_embed)

    for i in range(NC):
        W = convW[i]
        bvec = convB[i]
        wst = _pad_rows(W[:, :AF].T)
        wnt = _pad_rows(W[:, AF:2 * AF].T)
        wet = W[:, 2 * AF:].T
        w6 = _split_hl(wst) + _split_hl(wnt) + _split_hl(wet)

        gpad = _gather_nbr(x, nb_idx)
        acc1 = _pass1(x, gpad, eflat, w6, bvec[None, :])
        s1, t1 = _bn_affine(acc1, conv_g1[i], conv_b1[i], float(N * M))

        ns, acc2 = _pass2(x, gpad, eflat, w6, bvec[None, :],
                          s1[None, :], t1[None, :])
        s2, t2 = _bn_affine(acc2, conv_g2[i], conv_b2[i], float(N))
        x = _pass3(x, ns, s2[None, :], t2[None, :])

    pooled = _gather_pool(x, pool_idx)
    out, crys_fea = _final(pooled, W1, b1, Wo, bo)
    return (out, crys_fea)

# --- scband reference (transcript-rebuilt; emitter-appended) ---
"""Pipeline reference for scband-mtcgcnn-49323404427326 (READ-ONLY COPY).

The authoritative reference and input builder live on the scoring server;
editing this copy changes nothing except your own understanding.
"""

import jax, jax.numpy as jnp
import numpy as np

N = 50000; M = 16; ORIG = 128; NBR = 16; AF = 64; NC = 3; HF = 128; N0 = 1000; APC = 50
EPS = 1e-5


def _bn(x, g, b):
    mean = x.mean(axis=0)
    var = x.var(axis=0)
    return (x - mean) / jnp.sqrt(var + EPS) * g + b


def _conv_layer(atom_in, nbr_fea, nbr_idx, W, b, g1, be1, g2, be2):
    n, m = nbr_idx.shape
    atom_nbr = atom_in[nbr_idx, :]
    self_fea = jnp.broadcast_to(atom_in[:, None, :], (n, m, AF))
    total = jnp.concatenate([self_fea, atom_nbr, nbr_fea], axis=2)
    gated = total @ W.T + b
    flat = gated.reshape(-1, 2 * AF)
    flat = _bn(flat, g1, be1)
    gated = flat.reshape(n, m, 2 * AF)
    nbr_filter = jax.nn.sigmoid(gated[..., :AF])
    nbr_core = jax.nn.softplus(gated[..., AF:])
    nbr_sumed = jnp.sum(nbr_filter * nbr_core, axis=1)
    nbr_sumed = _bn(nbr_sumed, g2, be2)
    return jax.nn.softplus(atom_in + nbr_sumed)


def setup_inputs(seed: int = 0) -> dict:
    key = jax.random.key(seed)
    ks = jax.random.split(key, 16)
    inp = {}
    inp['atom_fea'] = jax.random.normal(ks[0], (N, ORIG), dtype=jnp.float32)
    inp['nbr_fea'] = jax.random.normal(ks[1], (N, M, NBR), dtype=jnp.float32)
    inp['nbr_fea_idx'] = jax.random.randint(ks[2], (N, M), 0, N, dtype=jnp.int32)
    inp['crystal_atom_idx'] = jax.random.randint(ks[3], (N0, APC), 0, N, dtype=jnp.int32)
    inp['W_embed'] = jax.random.normal(ks[4], (AF, ORIG), dtype=jnp.float32) * 0.05
    inp['b_embed'] = jnp.zeros((AF,), dtype=jnp.float32)
    inp['convW'] = jax.random.normal(ks[5], (NC, 2 * AF, 2 * AF + NBR), dtype=jnp.float32) * 0.05
    inp['convB'] = jnp.zeros((NC, 2 * AF), dtype=jnp.float32)
    inp['conv_g1'] = jnp.ones((NC, 2 * AF), dtype=jnp.float32)
    inp['conv_b1'] = jnp.zeros((NC, 2 * AF), dtype=jnp.float32)
    inp['conv_g2'] = jnp.ones((NC, AF), dtype=jnp.float32)
    inp['conv_b2'] = jnp.zeros((NC, AF), dtype=jnp.float32)
    inp['W1'] = jax.random.normal(ks[6], (HF, AF), dtype=jnp.float32) * 0.05
    inp['b1'] = jnp.zeros((HF,), dtype=jnp.float32)
    inp['Wo'] = jax.random.normal(ks[7], (1, HF), dtype=jnp.float32) * 0.05
    inp['bo'] = jnp.zeros((1,), dtype=jnp.float32)
    return inp


def reference(atom_fea, nbr_fea, nbr_fea_idx, crystal_atom_idx, W_embed, b_embed, convW, convB, conv_g1, conv_b1, conv_g2, conv_b2, W1, b1, Wo, bo):
    x = atom_fea @ W_embed.T + b_embed
    for i in range(NC):
        x = _conv_layer(x, nbr_fea, nbr_fea_idx, convW[i], convB[i], conv_g1[i], conv_b1[i], conv_g2[i], conv_b2[i])
    # pooling: mean of atom features per crystal (each crystal has APC atoms)
    crys_fea = x[crystal_atom_idx].mean(axis=1)
    # dropout p=0 is identity
    h = jax.nn.softplus(crys_fea) @ W1.T + b1
    h = jax.nn.softplus(h)
    out = h @ Wo.T + bo
    return (out, crys_fea)

if __name__ == "__main__":
    import jax
    _d = setup_inputs()
    print(jax.jit(kernel)(*tuple(_d.values())))

</pallas_src>

<mosaic_0001>
#map = affine_map<(d0, d1) -> (0, 0)>
module attributes {stable_mosaic.version = 14 : i64} {
  func.func @body(%arg0: i32, %arg1: i32, %arg2: memref<50000x128xf32, #tpu.memory_space<hbm>>, %arg3: memref<6400x128xi32, #tpu.memory_space<hbm>>, %arg4: memref<819200x128xf32, #tpu.memory_space<hbm>>, %arg5: memref<200x128xi32, #tpu.memory_space<vmem>>, %arg6: memref<256x128xf32, #tpu.memory_space<vmem>>, %arg7: memref<256x128xf32, #tpu.memory_space<vmem>>, %arg8: memref<!tpu.dma_semaphore, #tpu.memory_space<semaphore_mem>>, %arg9: memref<!tpu.dma_semaphore, #tpu.memory_space<semaphore_mem>>, %arg10: memref<!tpu.dma_semaphore, #tpu.memory_space<semaphore_mem>>, %arg11: memref<!tpu.dma_semaphore, #tpu.memory_space<semaphore_mem>>) attributes {dimension_semantics = [#tpu.dimension_semantics<core_parallel>, #tpu.dimension_semantics<subcore_parallel>], iteration_bounds = array<i64: 2, 16>, scalar_prefetch = 0 : i64, scratch_operands = 7 : i64, tpu.core_type = #tpu.core_type<sc_vector_subcore>, window_params = [{transform_indices = #map}, {transform_indices = #map}, {transform_indices = #map}]} {
    %mul3A = arith.constant 2 : i32
    %mul3A_0 = arith.muli %arg1, %mul3A : i32
    %add3A = arith.addi %mul3A_0, %arg0 : i32
    %mul3A_1 = arith.constant 200 : i32
    %mul3A_2 = arith.muli %add3A, %mul3A_1 : i32
    "tpu.region"() ({
      %run_scoped3A = tpu.sem_alloc : memref<!tpu.dma_semaphore, #tpu.memory_space<semaphore_mem>>
      %dma_start3A = arith.constant 0 : i32
      %dma_start3A_23 = tpu.memref_slice %arg3[%mul3A_2, %dma_start3A] : memref<6400x128xi32, #tpu.memory_space<hbm>> -> memref<200x128xi32, #tpu.memory_space<hbm>>
      %dma_start3A_24 = arith.constant 0 : i32
      %dma_start3A_25 = tpu.memref_slice %arg3[%mul3A_2, %dma_start3A_24] : memref<6400x128xi32, #tpu.memory_space<hbm>> -> memref<200x128xi32, #tpu.memory_space<hbm>>
      tpu.enqueue_dma source(%dma_start3A_25 : memref<200x128xi32, #tpu.memory_space<hbm>>) target(%arg5 : memref<200x128xi32, #tpu.memory_space<vmem>>) target_semaphore(%run_scoped3A : memref<!tpu.dma_semaphore, #tpu.memory_space<semaphore_mem>>)
      %dma_wait3A_26 = arith.constant 0 : i32
      %dma_wait3A_27 = tpu.memref_slice %arg3[%mul3A_2, %dma_wait3A_26] : memref<6400x128xi32, #tpu.memory_space<hbm>> -> memref<200x128xi32, #tpu.memory_space<hbm>>
      %dma_wait3A_28 = arith.constant 0 : i32
      %dma_wait3A_29 = tpu.memref_slice %arg3[%mul3A_2, %dma_wait3A_28] : memref<6400x128xi32, #tpu.memory_space<hbm>> -> memref<200x128xi32, #tpu.memory_space<hbm>>
      tpu.wait_dma2 semaphore(%run_scoped3A : memref<!tpu.dma_semaphore, #tpu.memory_space<semaphore_mem>>) src(%dma_wait3A_29 : memref<200x128xi32, #tpu.memory_space<hbm>>) dst(%arg5 : memref<200x128xi32, #tpu.memory_space<vmem>>)
      tpu.yield
    }) : () -> ()
    %scan3A = arith.constant 0 : i32
    %scan3A_3 = arith.constant 0 : i32
    %scan3A_4 = arith.constant 50 : i32
    %scan3A_5 = arith.addi %scan3A_3, %scan3A_4 : i32
    %scan3A_6 = arith.constant 1 : i32
    scf.for %scan3A_23 = %scan3A_3 to %scan3A_5 step %scan3A_6  : i32 {
      %mul3A_24 = arith.constant 2 : i32
      %mul3A_25 = arith.muli %scan3A_23, %mul3A_24 : i32
      %add3A_26 = arith.constant 0 : i32
      %add3A_27 = arith.addi %mul3A_25, %add3A_26 : i32
      %gt3A = arith.constant 0 : i32
      %gt3A_28 = arith.cmpi sgt, %scan3A_23, %gt3A : i32
      %convert_element_type3A = arith.extui %gt3A_28 : i1 to i32
      %cond3A = arith.constant 0 : i32
      %cond3A_29 = arith.cmpi ne, %convert_element_type3A, %cond3A : i32
      scf.if %cond3A_29 {
        %sub3A = arith.constant 2 : i32
        %sub3A_168 = arith.subi %add3A_27, %sub3A : i32
        %mul3A_169 = arith.constant 2 : i32
        %mul3A_170 = arith.muli %sub3A_168, %mul3A_169 : i32
        %add3A_171 = arith.addi %mul3A_2, %mul3A_170 : i32
        %mul3A_172 = arith.constant 128 : i32
        %mul3A_173 = arith.muli %add3A_171, %mul3A_172 : i32
        %dma_wait3A_174 = arith.constant 0 : i32
        %dma_wait3A_175 = tpu.memref_slice %arg4[%mul3A_173, %dma_wait3A_174] : memref<819200x128xf32, #tpu.memory_space<hbm>> -> memref<256x128xf32, #tpu.memory_space<hbm>>
        %dma_wait3A_176 = arith.constant 0 : i32
        %dma_wait3A_177 = tpu.memref_slice %arg4[%mul3A_173, %dma_wait3A_176] : memref<819200x128xf32, #tpu.memory_space<hbm>> -> memref<256x128xf32, #tpu.memory_space<hbm>>
        tpu.wait_dma2 semaphore(%arg10 : memref<!tpu.dma_semaphore, #tpu.memory_space<semaphore_mem>>) src(%arg6 : memref<256x128xf32, #tpu.memory_space<vmem>>) dst(%dma_wait3A_177 : memref<256x128xf32, #tpu.memory_space<hbm>>)
      } else {
      }
      %mul3A_30 = arith.constant 2 : i32
      %mul3A_31 = arith.muli %add3A_27, %mul3A_30 : i32
      %add3A_32 = arith.constant 0 : i32
      %add3A_33 = arith.addi %mul3A_31, %add3A_32 : i32
      %dma_start3A = arith.constant 0 : i32
      %dma_start3A_34 = arith.constant 0 : i32
      %dma_start3A_35 = tpu.memref_slice %arg6[%dma_start3A, %dma_start3A_34] : memref<256x128xf32, #tpu.memory_space<vmem>> -> memref<128x128xf32, #tpu.memory_space<vmem>>
      %dma_start3A_36 = arith.constant 0 : i32
      %dma_start3A_37 = tpu.memref_slice %arg5[%add3A_33, %dma_start3A_36] : memref<200x128xi32, #tpu.memory_space<vmem>> -> memref<1x128xi32, #tpu.memory_space<vmem>>
      %dma_start3A_38 = tpu.memref_squeeze %dma_start3A_37 : memref<1x128xi32, #tpu.memory_space<vmem>> -> memref<128xi32, #tpu.memory_space<vmem>>
      %dma_start3A_39 = arith.constant 0 : i32
      %dma_start3A_40 = arith.constant 0 : i32
      %dma_start3A_41 = tpu.memref_slice %arg2[%dma_start3A_39, %dma_start3A_40] : memref<50000x128xf32, #tpu.memory_space<hbm>> -> memref<50000x128xf32, #tpu.memory_space<hbm>>
      tpu.enqueue_indirect_dma source(%dma_start3A_41 : memref<50000x128xf32, #tpu.memory_space<hbm>>) target(%dma_start3A_35 : memref<128x128xf32, #tpu.memory_space<vmem>>) offsets(%dma_start3A_38 : memref<128xi32, #tpu.memory_space<vmem>>) semaphore(%arg8 : memref<!tpu.dma_semaphore, #tpu.memory_space<semaphore_mem>>)
      %mul3A_42 = arith.constant 2 : i32
      %mul3A_43 = arith.muli %add3A_27, %mul3A_42 : i32
      %add3A_44 = arith.constant 1 : i32
      %add3A_45 = arith.addi %mul3A_43, %add3A_44 : i32
      %dma_start3A_46 = arith.constant 128 : i32
      %dma_start3A_47 = arith.constant 0 : i32
      %dma_start3A_48 = tpu.memref_slice %arg6[%dma_start3A_46, %dma_start3A_47] : memref<256x128xf32, #tpu.memory_space<vmem>> -> memref<128x128xf32, #tpu.memory_space<vmem>>
      %dma_start3A_49 = arith.constant 0 : i32
      %dma_start3A_50 = tpu.memref_slice %arg5[%add3A_45, %dma_start3A_49] : memref<200x128xi32, #tpu.memory_space<vmem>> -> memref<1x128xi32, #tpu.memory_space<vmem>>
      %dma_start3A_51 = tpu.memref_squeeze %dma_start3A_50 : memref<1x128xi32, #tpu.memory_space<vmem>> -> memref<128xi32, #tpu.memory_space<vmem>>
      %dma_start3A_52 = arith.constant 0 : i32
      %dma_start3A_53 = arith.constant 0 : i32
      %dma_start3A_54 = tpu.memref_slice %arg2[%dma_start3A_52, %dma_start3A_53] : memref<50000x128xf32, #tpu.memory_space<hbm>> -> memref<50000x128xf32, #tpu.memory_space<hbm>>
      tpu.enqueue_indirect_dma source(%dma_start3A_54 : memref<50000x128xf32, #tpu.memory_space<hbm>>) target(%dma_start3A_48 : memref<128x128xf32, #tpu.memory_space<vmem>>) offsets(%dma_start3A_51 : memref<128xi32, #tpu.memory_space<vmem>>) semaphore(%arg8 : memref<!tpu.dma_semaphore, #tpu.memory_space<semaphore_mem>>)
      %mul3A_55 = arith.constant 2 : i32
      %mul3A_56 = arith.muli %scan3A_23, %mul3A_55 : i32
      %add3A_57 = arith.constant 1 : i32
      %add3A_58 = arith.addi %mul3A_56, %add3A_57 : i32
      %gt3A_59 = arith.constant 0 : i32
      %gt3A_60 = arith.cmpi sgt, %scan3A_23, %gt3A_59 : i32
      %convert_element_type3A_61 = arith.extui %gt3A_60 : i1 to i32
      %cond3A_62 = arith.constant 0 : i32
      %cond3A_63 = arith.cmpi ne, %convert_element_type3A_61, %cond3A_62 : i32
      scf.if %cond3A_63 {
        %sub3A = arith.constant 2 : i32
        %sub3A_168 = arith.subi %add3A_58, %sub3A : i32
        %mul3A_169 = arith.constant 2 : i32
        %mul3A_170 = arith.muli %sub3A_168, %mul3A_169 : i32
        %add3A_171 = arith.addi %mul3A_2, %mul3A_170 : i32
        %mul3A_172 = arith.constant 128 : i32
        %mul3A_173 = arith.muli %add3A_171, %mul3A_172 : i32
        %dma_wait3A_174 = arith.constant 0 : i32
        %dma_wait3A_175 = tpu.memref_slice %arg4[%mul3A_173, %dma_wait3A_174] : memref<819200x128xf32, #tpu.memory_space<hbm>> -> memref<256x128xf32, #tpu.memory_space<hbm>>
        %dma_wait3A_176 = arith.constant 0 : i32
        %dma_wait3A_177 = tpu.memref_slice %arg4[%mul3A_173, %dma_wait3A_176] : memref<819200x128xf32, #tpu.memory_space<hbm>> -> memref<256x128xf32, #tpu.memory_space<hbm>>
        tpu.wait_dma2 semaphore(%arg11 : memref<!tpu.dma_semaphore, #tpu.memory_space<semaphore_mem>>) src(%arg7 : memref<256x128xf32, #tpu.memory_space<vmem>>) dst(%dma_wait3A_177 : memref<256x128xf32, #tpu.memory_space<hbm>>)
      } else {
      }
      %mul3A_64 = arith.constant 2 : i32
      %mul3A_65 = arith.muli %add3A_58, %mul3A_64 : i32
      %add3A_66 = arith.constant 0 : i32
      %add3A_67 = arith.addi %mul3A_65, %add3A_66 : i32
      %dma_start3A_68 = arith.constant 0 : i32
      %dma_start3A_69 = arith.constant 0 : i32
      %dma_start3A_70 = tpu.memref_slice %arg7[%dma_start3A_68, %dma_start3A_69] : memref<256x128xf32, #tpu.memory_space<vmem>> -> memref<128x128xf32, #tpu.memory_space<vmem>>
      %dma_start3A_71 = arith.constant 0 : i32
      %dma_start3A_72 = tpu.memref_slice %arg5[%add3A_67, %dma_start3A_71] : memref<200x128xi32, #tpu.memory_space<vmem>> -> memref<1x128xi32, #tpu.memory_space<vmem>>
      %dma_start3A_73 = tpu.memref_squeeze %dma_start3A_72 : memref<1x128xi32, #tpu.memory_space<vmem>> -> memref<128xi32, #tpu.memory_space<vmem>>
      %dma_start3A_74 = arith.constant 0 : i32
      %dma_start3A_75 = arith.constant 0 : i32
      %dma_start3A_76 = tpu.memref_slice %arg2[%dma_start3A_74, %dma_start3A_75] : memref<50000x128xf32, #tpu.memory_space<hbm>> -> memref<50000x128xf32, #tpu.memory_space<hbm>>
      tpu.enqueue_indirect_dma source(%dma_start3A_76 : memref<50000x128xf32, #tpu.memory_space<hbm>>) target(%dma_start3A_70 : memref<128x128xf32, #tpu.memory_space<vmem>>) offsets(%dma_start3A_73 : memref<128xi32, #tpu.memory_space<vmem>>) semaphore(%arg9 : memref<!tpu.dma_semaphore, #tpu.memory_space<semaphore_mem>>)
      %mul3A_77 = arith.constant 2 : i32
      %mul3A_78 = arith.muli %add3A_58, %mul3A_77 : i32
      %add3A_79 = arith.constant 1 : i32
      %add3A_80 = arith.addi %mul3A_78, %add3A_79 : i32
      %dma_start3A_81 = arith.constant 128 : i32
      %dma_start3A_82 = arith.constant 0 : i32
      %dma_start3A_83 = tpu.memref_slice %arg7[%dma_start3A_81, %dma_start3A_82] : memref<256x128xf32, #tpu.memory_space<vmem>> -> memref<128x128xf32, #tpu.memory_space<vmem>>
      %dma_start3A_84 = arith.constant 0 : i32
      %dma_start3A_85 = tpu.memref_slice %arg5[%add3A_80, %dma_start3A_84] : memref<200x128xi32, #tpu.memory_space<vmem>> -> memref<1x128xi32, #tpu.memory_space<vmem>>
      %dma_start3A_86 = tpu.memref_squeeze %dma_start3A_85 : memref<1x128xi32, #tpu.memory_space<vmem>> -> memref<128xi32, #tpu.memory_space<vmem>>
      %dma_start3A_87 = arith.constant 0 : i32
      %dma_start3A_88 = arith.constant 0 : i32
      %dma_start3A_89 = tpu.memref_slice %arg2[%dma_start3A_87, %dma_start3A_88] : memref<50000x128xf32, #tpu.memory_space<hbm>> -> memref<50000x128xf32, #tpu.memory_space<hbm>>
      tpu.enqueue_indirect_dma source(%dma_start3A_89 : memref<50000x128xf32, #tpu.memory_space<hbm>>) target(%dma_start3A_83 : memref<128x128xf32, #tpu.memory_space<vmem>>) offsets(%dma_start3A_86 : memref<128xi32, #tpu.memory_space<vmem>>) semaphore(%arg9 : memref<!tpu.dma_semaphore, #tpu.memory_space<semaphore_mem>>)
      %mul3A_90 = arith.constant 2 : i32
      %mul3A_91 = arith.muli %scan3A_23, %mul3A_90 : i32
      %add3A_92 = arith.constant 0 : i32
      %add3A_93 = arith.addi %mul3A_91, %add3A_92 : i32
      %mul3A_94 = arith.constant 2 : i32
      %mul3A_95 = arith.muli %add3A_93, %mul3A_94 : i32
      %add3A_96 = arith.constant 0 : i32
      %add3A_97 = arith.addi %mul3A_95, %add3A_96 : i32
      %dma_wait3A_98 = arith.constant 0 : i32
      %dma_wait3A_99 = arith.constant 0 : i32
      %dma_wait3A_100 = tpu.memref_slice %arg6[%dma_wait3A_98, %dma_wait3A_99] : memref<256x128xf32, #tpu.memory_space<vmem>> -> memref<128x128xf32, #tpu.memory_space<vmem>>
      %dma_wait3A_101 = arith.constant 0 : i32
      %dma_wait3A_102 = tpu.memref_slice %arg5[%add3A_97, %dma_wait3A_101] : memref<200x128xi32, #tpu.memory_space<vmem>> -> memref<1x128xi32, #tpu.memory_space<vmem>>
      %dma_wait3A_103 = tpu.memref_squeeze %dma_wait3A_102 : memref<1x128xi32, #tpu.memory_space<vmem>> -> memref<128xi32, #tpu.memory_space<vmem>>
      %dma_wait3A_104 = arith.constant 0 : i32
      %dma_wait3A_105 = arith.constant 0 : i32
      %dma_wait3A_106 = tpu.memref_slice %arg2[%dma_wait3A_104, %dma_wait3A_105] : memref<50000x128xf32, #tpu.memory_space<hbm>> -> memref<50000x128xf32, #tpu.memory_space<hbm>>
      tpu.wait_indirect_dma semaphore(%arg8 : memref<!tpu.dma_semaphore, #tpu.memory_space<semaphore_mem>>) src(%dma_wait3A_106 : memref<50000x128xf32, #tpu.memory_space<hbm>>) dst(%dma_wait3A_100 : memref<128x128xf32, #tpu.memory_space<vmem>>)
      %mul3A_107 = arith.constant 2 : i32
      %mul3A_108 = arith.muli %add3A_93, %mul3A_107 : i32
      %add3A_109 = arith.constant 1 : i32
      %add3A_110 = arith.addi %mul3A_108, %add3A_109 : i32
      %dma_wait3A_111 = arith.constant 128 : i32
      %dma_wait3A_112 = arith.constant 0 : i32
      %dma_wait3A_113 = tpu.memref_slice %arg6[%dma_wait3A_111, %dma_wait3A_112] : memref<256x128xf32, #tpu.memory_space<vmem>> -> memref<128x128xf32, #tpu.memory_space<vmem>>
      %dma_wait3A_114 = arith.constant 0 : i32
      %dma_wait3A_115 = tpu.memref_slice %arg5[%add3A_110, %dma_wait3A_114] : memref<200x128xi32, #tpu.memory_space<vmem>> -> memref<1x128xi32, #tpu.memory_space<vmem>>
      %dma_wait3A_116 = tpu.memref_squeeze %dma_wait3A_115 : memref<1x128xi32, #tpu.memory_space<vmem>> -> memref<128xi32, #tpu.memory_space<vmem>>
      %dma_wait3A_117 = arith.constant 0 : i32
      %dma_wait3A_118 = arith.constant 0 : i32
      %dma_wait3A_119 = tpu.memref_slice %arg2[%dma_wait3A_117, %dma_wait3A_118] : memref<50000x128xf32, #tpu.memory_space<hbm>> -> memref<50000x128xf32, #tpu.memory_space<hbm>>
      tpu.wait_indirect_dma semaphore(%arg8 : memref<!tpu.dma_semaphore, #tpu.memory_space<semaphore_mem>>) src(%dma_wait3A_119 : memref<50000x128xf32, #tpu.memory_space<hbm>>) dst(%dma_wait3A_113 : memref<128x128xf32, #tpu.memory_space<vmem>>)
      %mul3A_120 = arith.constant 2 : i32
      %mul3A_121 = arith.muli %add3A_93, %mul3A_120 : i32
      %add3A_122 = arith.addi %mul3A_2, %mul3A_121 : i32
      %mul3A_123 = arith.constant 128 : i32
      %mul3A_124 = arith.muli %add3A_122, %mul3A_123 : i32
      %dma_start3A_125 = arith.constant 0 : i32
      %dma_start3A_126 = tpu.memref_slice %arg4[%mul3A_124, %dma_start3A_125] : memref<819200x128xf32, #tpu.memory_space<hbm>> -> memref<256x128xf32, #tpu.memory_space<hbm>>
      %dma_start3A_127 = arith.constant 0 : i32
      %dma_start3A_128 = tpu.memref_slice %arg4[%mul3A_124, %dma_start3A_127] : memref<819200x128xf32, #tpu.memory_space<hbm>> -> memref<256x128xf32, #tpu.memory_space<hbm>>
      tpu.enqueue_dma source(%arg6 : memref<256x128xf32, #tpu.memory_space<vmem>>) target(%dma_start3A_128 : memref<256x128xf32, #tpu.memory_space<hbm>>) target_semaphore(%arg10 : memref<!tpu.dma_semaphore, #tpu.memory_space<semaphore_mem>>)
      %mul3A_129 = arith.constant 2 : i32
      %mul3A_130 = arith.muli %scan3A_23, %mul3A_129 : i32
      %add3A_131 = arith.constant 1 : i32
      %add3A_132 = arith.addi %mul3A_130, %add3A_131 : i32
      %mul3A_133 = arith.constant 2 : i32
      %mul3A_134 = arith.muli %add3A_132, %mul3A_133 : i32
      %add3A_135 = arith.constant 0 : i32
      %add3A_136 = arith.addi %mul3A_134, %add3A_135 : i32
      %dma_wait3A_137 = arith.constant 0 : i32
      %dma_wait3A_138 = arith.constant 0 : i32
      %dma_wait3A_139 = tpu.memref_slice %arg7[%dma_wait3A_137, %dma_wait3A_138] : memref<256x128xf32, #tpu.memory_space<vmem>> -> memref<128x128xf32, #tpu.memory_space<vmem>>
      %dma_wait3A_140 = arith.constant 0 : i32
      %dma_wait3A_141 = tpu.memref_slice %arg5[%add3A_136, %dma_wait3A_140] : memref<200x128xi32, #tpu.memory_space<vmem>> -> memref<1x128xi32, #tpu.memory_space<vmem>>
      %dma_wait3A_142 = tpu.memref_squeeze %dma_wait3A_141 : memref<1x128xi32, #tpu.memory_space<vmem>> -> memref<128xi32, #tpu.memory_space<vmem>>
      %dma_wait3A_143 = arith.constant 0 : i32
      %dma_wait3A_144 = arith.constant 0 : i32
      %dma_wait3A_145 = tpu.memref_slice %arg2[%dma_wait3A_143, %dma_wait3A_144] : memref<50000x128xf32, #tpu.memory_space<hbm>> -> memref<50000x128xf32, #tpu.memory_space<hbm>>
      tpu.wait_indirect_dma semaphore(%arg9 : memref<!tpu.dma_semaphore, #tpu.memory_space<semaphore_mem>>) src(%dma_wait3A_145 : memref<50000x128xf32, #tpu.memory_space<hbm>>) dst(%dma_wait3A_139 : memref<128x128xf32, #tpu.memory_space<vmem>>)
      %mul3A_146 = arith.constant 2 : i32
      %mul3A_147 = arith.muli %add3A_132, %mul3A_146 : i32
      %add3A_148 = arith.constant 1 : i32
      %add3A_149 = arith.addi %mul3A_147, %add3A_148 : i32
      %dma_wait3A_150 = arith.constant 128 : i32
      %dma_wait3A_151 = arith.constant 0 : i32
      %dma_wait3A_152 = tpu.memref_slice %arg7[%dma_wait3A_150, %dma_wait3A_151] : memref<256x128xf32, #tpu.memory_space<vmem>> -> memref<128x128xf32, #tpu.memory_space<vmem>>
      %dma_wait3A_153 = arith.constant 0 : i32
      %dma_wait3A_154 = tpu.memref_slice %arg5[%add3A_149, %dma_wait3A_153] : memref<200x128xi32, #tpu.memory_space<vmem>> -> memref<1x128xi32, #tpu.memory_space<vmem>>
      %dma_wait3A_155 = tpu.memref_squeeze %dma_wait3A_154 : memref<1x128xi32, #tpu.memory_space<vmem>> -> memref<128xi32, #tpu.memory_space<vmem>>
      %dma_wait3A_156 = arith.constant 0 : i32
      %dma_wait3A_157 = arith.constant 0 : i32
      %dma_wait3A_158 = tpu.memref_slice %arg2[%dma_wait3A_156, %dma_wait3A_157] : memref<50000x128xf32, #tpu.memory_space<hbm>> -> memref<50000x128xf32, #tpu.memory_space<hbm>>
      tpu.wait_indirect_dma semaphore(%arg9 : memref<!tpu.dma_semaphore, #tpu.memory_space<semaphore_mem>>) src(%dma_wait3A_158 : memref<50000x128xf32, #tpu.memory_space<hbm>>) dst(%dma_wait3A_152 : memref<128x128xf32, #tpu.memory_space<vmem>>)
      %mul3A_159 = arith.constant 2 : i32
      %mul3A_160 = arith.muli %add3A_132, %mul3A_159 : i32
      %add3A_161 = arith.addi %mul3A_2, %mul3A_160 : i32
      %mul3A_162 = arith.constant 128 : i32
      %mul3A_163 = arith.muli %add3A_161, %mul3A_162 : i32
      %dma_start3A_164 = arith.constant 0 : i32
      %dma_start3A_165 = tpu.memref_slice %arg4[%mul3A_163, %dma_start3A_164] : memref<819200x128xf32, #tpu.memory_space<hbm>> -> memref<256x128xf32, #tpu.memory_space<hbm>>
      %dma_start3A_166 = arith.constant 0 : i32
      %dma_start3A_167 = tpu.memref_slice %arg4[%mul3A_163, %dma_start3A_166] : memref<819200x128xf32, #tpu.memory_space<hbm>> -> memref<256x128xf32, #tpu.memory_space<hbm>>
      tpu.enqueue_dma source(%arg7 : memref<256x128xf32, #tpu.memory_space<vmem>>) target(%dma_start3A_167 : memref<256x128xf32, #tpu.memory_space<hbm>>) target_semaphore(%arg11 : memref<!tpu.dma_semaphore, #tpu.memory_space<semaphore_mem>>)
    }
    %scan3A_7 = arith.constant 50 : i32
    %add3A_8 = arith.constant 196 : i32
    %add3A_9 = arith.addi %mul3A_2, %add3A_8 : i32
    %mul3A_10 = arith.constant 128 : i32
    %mul3A_11 = arith.muli %add3A_9, %mul3A_10 : i32
    %dma_wait3A = arith.constant 0 : i32
    %dma_wait3A_12 = tpu.memref_slice %arg4[%mul3A_11, %dma_wait3A] : memref<819200x128xf32, #tpu.memory_space<hbm>> -> memref<256x128xf32, #tpu.memory_space<hbm>>
    %dma_wait3A_13 = arith.constant 0 : i32
    %dma_wait3A_14 = tpu.memref_slice %arg4[%mul3A_11, %dma_wait3A_13] : memref<819200x128xf32, #tpu.memory_space<hbm>> -> memref<256x128xf32, #tpu.memory_space<hbm>>
    tpu.wait_dma2 semaphore(%arg10 : memref<!tpu.dma_semaphore, #tpu.memory_space<semaphore_mem>>) src(%arg6 : memref<256x128xf32, #tpu.memory_space<vmem>>) dst(%dma_wait3A_14 : memref<256x128xf32, #tpu.memory_space<hbm>>)
    %add3A_15 = arith.constant 198 : i32
    %add3A_16 = arith.addi %mul3A_2, %add3A_15 : i32
    %mul3A_17 = arith.constant 128 : i32
    %mul3A_18 = arith.muli %add3A_16, %mul3A_17 : i32
    %dma_wait3A_19 = arith.constant 0 : i32
    %dma_wait3A_20 = tpu.memref_slice %arg4[%mul3A_18, %dma_wait3A_19] : memref<819200x128xf32, #tpu.memory_space<hbm>> -> memref<256x128xf32, #tpu.memory_space<hbm>>
    %dma_wait3A_21 = arith.constant 0 : i32
    %dma_wait3A_22 = tpu.memref_slice %arg4[%mul3A_18, %dma_wait3A_21] : memref<819200x128xf32, #tpu.memory_space<hbm>> -> memref<256x128xf32, #tpu.memory_space<hbm>>
    tpu.wait_dma2 semaphore(%arg11 : memref<!tpu.dma_semaphore, #tpu.memory_space<semaphore_mem>>) src(%arg7 : memref<256x128xf32, #tpu.memory_space<vmem>>) dst(%dma_wait3A_22 : memref<256x128xf32, #tpu.memory_space<hbm>>)
    return
  }
}

#map = affine_map<(d0, d1) -> (0, 0)>
module attributes {stable_mosaic.version = 14 : i64} {
  func.func @body(%arg0: i32, %arg1: i32, %arg2: memref<50000x128xf32, #tpu.memory_space<hbm>>, %arg3: memref<6400x128xi32, #tpu.memory_space<hbm>>, %arg4: memref<819200x128xf32, #tpu.memory_space<hbm>>, %arg5: memref<200x128xi32, #tpu.memory_space<vmem>>, %arg6: memref<256x128xf32, #tpu.memory_space<vmem>>, %arg7: memref<256x128xf32, #tpu.memory_space<vmem>>, %arg8: memref<!tpu.dma_semaphore, #tpu.memory_space<semaphore_mem>>, %arg9: memref<!tpu.dma_semaphore, #tpu.memory_space<semaphore_mem>>, %arg10: memref<!tpu.dma_semaphore, #tpu.memory_space<semaphore_mem>>, %arg11: memref<!tpu.dma_semaphore, #tpu.memory_space<semaphore_mem>>) attributes {dimension_semantics = [#tpu.dimension_semantics<core_parallel>, #tpu.dimension_semantics<subcore_parallel>], iteration_bounds = array<i64: 2, 16>, scalar_prefetch = 0 : i64, scratch_operands = 7 : i64, tpu.core_type = #tpu.core_type<sc_vector_subcore>, window_params = [{transform_indices = #map}, {transform_indices = #map}, {transform_indices = #map}]} {
    %mul3A = arith.constant 2 : i32
    %mul3A_0 = arith.muli %arg1, %mul3A : i32
    %add3A = arith.addi %mul3A_0, %arg0 : i32
    %mul3A_1 = arith.constant 200 : i32
    %mul3A_2 = arith.muli %add3A, %mul3A_1 : i32
    "tpu.region"() ({
      %run_scoped3A = tpu.sem_alloc : memref<!tpu.dma_semaphore, #tpu.memory_space<semaphore_mem>>
      %dma_start3A = arith.constant 0 : i32
      %dma_start3A_23 = tpu.memref_slice %arg3[%mul3A_2, %dma_start3A] : memref<6400x128xi32, #tpu.memory_space<hbm>> -> memref<200x128xi32, #tpu.memory_space<hbm>>
      %dma_start3A_24 = arith.constant 0 : i32
      %dma_start3A_25 = tpu.memref_slice %arg3[%mul3A_2, %dma_start3A_24] : memref<6400x128xi32, #tpu.memory_space<hbm>> -> memref<200x128xi32, #tpu.memory_space<hbm>>
      tpu.enqueue_dma source(%dma_start3A_25 : memref<200x128xi32, #tpu.memory_space<hbm>>) target(%arg5 : memref<200x128xi32, #tpu.memory_space<vmem>>) target_semaphore(%run_scoped3A : memref<!tpu.dma_semaphore, #tpu.memory_space<semaphore_mem>>)
      %dma_wait3A_26 = arith.constant 0 : i32
      %dma_wait3A_27 = tpu.memref_slice %arg3[%mul3A_2, %dma_wait3A_26] : memref<6400x128xi32, #tpu.memory_space<hbm>> -> memref<200x128xi32, #tpu.memory_space<hbm>>
      %dma_wait3A_28 = arith.constant 0 : i32
      %dma_wait3A_29 = tpu.memref_slice %arg3[%mul3A_2, %dma_wait3A_28] : memref<6400x128xi32, #tpu.memory_space<hbm>> -> memref<200x128xi32, #tpu.memory_space<hbm>>
      tpu.wait_dma2 semaphore(%run_scoped3A : memref<!tpu.dma_semaphore, #tpu.memory_space<semaphore_mem>>) src(%dma_wait3A_29 : memref<200x128xi32, #tpu.memory_space<hbm>>) dst(%arg5 : memref<200x128xi32, #tpu.memory_space<vmem>>)
      tpu.yield
    }) : () -> ()
    %scan3A = arith.constant 0 : i32
    %scan3A_3 = arith.constant 0 : i32
    %scan3A_4 = arith.constant 50 : i32
    %scan3A_5 = arith.addi %scan3A_3, %scan3A_4 : i32
    %scan3A_6 = arith.constant 1 : i32
    scf.for %scan3A_23 = %scan3A_3 to %scan3A_5 step %scan3A_6  : i32 {
      %mul3A_24 = arith.constant 2 : i32
      %mul3A_25 = arith.muli %scan3A_23, %mul3A_24 : i32
      %add3A_26 = arith.constant 0 : i32
      %add3A_27 = arith.addi %mul3A_25, %add3A_26 : i32
      %gt3A = arith.constant 0 : i32
      %gt3A_28 = arith.cmpi sgt, %scan3A_23, %gt3A : i32
      %convert_element_type3A = arith.extui %gt3A_28 : i1 to i32
      %cond3A = arith.constant 0 : i32
      %cond3A_29 = arith.cmpi ne, %convert_element_type3A, %cond3A : i32
      scf.if %cond3A_29 {
        %sub3A = arith.constant 2 : i32
        %sub3A_168 = arith.subi %add3A_27, %sub3A : i32
        %mul3A_169 = arith.constant 2 : i32
        %mul3A_170 = arith.muli %sub3A_168, %mul3A_169 : i32
        %add3A_171 = arith.addi %mul3A_2, %mul3A_170 : i32
        %mul3A_172 = arith.constant 128 : i32
        %mul3A_173 = arith.muli %add3A_171, %mul3A_172 : i32
        %dma_wait3A_174 = arith.constant 0 : i32
        %dma_wait3A_175 = tpu.memref_slice %arg4[%mul3A_173, %dma_wait3A_174] : memref<819200x128xf32, #tpu.memory_space<hbm>> -> memref<256x128xf32, #tpu.memory_space<hbm>>
        %dma_wait3A_176 = arith.constant 0 : i32
        %dma_wait3A_177 = tpu.memref_slice %arg4[%mul3A_173, %dma_wait3A_176] : memref<819200x128xf32, #tpu.memory_space<hbm>> -> memref<256x128xf32, #tpu.memory_space<hbm>>
        tpu.wait_dma2 semaphore(%arg10 : memref<!tpu.dma_semaphore, #tpu.memory_space<semaphore_mem>>) src(%arg6 : memref<256x128xf32, #tpu.memory_space<vmem>>) dst(%dma_wait3A_177 : memref<256x128xf32, #tpu.memory_space<hbm>>)
      } else {
      }
      %mul3A_30 = arith.constant 2 : i32
      %mul3A_31 = arith.muli %add3A_27, %mul3A_30 : i32
      %add3A_32 = arith.constant 0 : i32
      %add3A_33 = arith.addi %mul3A_31, %add3A_32 : i32
      %dma_start3A = arith.constant 0 : i32
      %dma_start3A_34 = arith.constant 0 : i32
      %dma_start3A_35 = tpu.memref_slice %arg6[%dma_start3A, %dma_start3A_34] : memref<256x128xf32, #tpu.memory_space<vmem>> -> memref<128x128xf32, #tpu.memory_space<vmem>>
      %dma_start3A_36 = arith.constant 0 : i32
      %dma_start3A_37 = tpu.memref_slice %arg5[%add3A_33, %dma_start3A_36] : memref<200x128xi32, #tpu.memory_space<vmem>> -> memref<1x128xi32, #tpu.memory_space<vmem>>
      %dma_start3A_38 = tpu.memref_squeeze %dma_start3A_37 : memref<1x128xi32, #tpu.memory_space<vmem>> -> memref<128xi32, #tpu.memory_space<vmem>>
      %dma_start3A_39 = arith.constant 0 : i32
      %dma_start3A_40 = arith.constant 0 : i32
      %dma_start3A_41 = tpu.memref_slice %arg2[%dma_start3A_39, %dma_start3A_40] : memref<50000x128xf32, #tpu.memory_space<hbm>> -> memref<50000x128xf32, #tpu.memory_space<hbm>>
      tpu.enqueue_indirect_dma source(%dma_start3A_41 : memref<50000x128xf32, #tpu.memory_space<hbm>>) target(%dma_start3A_35 : memref<128x128xf32, #tpu.memory_space<vmem>>) offsets(%dma_start3A_38 : memref<128xi32, #tpu.memory_space<vmem>>) semaphore(%arg8 : memref<!tpu.dma_semaphore, #tpu.memory_space<semaphore_mem>>)
      %mul3A_42 = arith.constant 2 : i32
      %mul3A_43 = arith.muli %add3A_27, %mul3A_42 : i32
      %add3A_44 = arith.constant 1 : i32
      %add3A_45 = arith.addi %mul3A_43, %add3A_44 : i32
      %dma_start3A_46 = arith.constant 128 : i32
      %dma_start3A_47 = arith.constant 0 : i32
      %dma_start3A_48 = tpu.memref_slice %arg6[%dma_start3A_46, %dma_start3A_47] : memref<256x128xf32, #tpu.memory_space<vmem>> -> memref<128x128xf32, #tpu.memory_space<vmem>>
      %dma_start3A_49 = arith.constant 0 : i32
      %dma_start3A_50 = tpu.memref_slice %arg5[%add3A_45, %dma_start3A_49] : memref<200x128xi32, #tpu.memory_space<vmem>> -> memref<1x128xi32, #tpu.memory_space<vmem>>
      %dma_start3A_51 = tpu.memref_squeeze %dma_start3A_50 : memref<1x128xi32, #tpu.memory_space<vmem>> -> memref<128xi32, #tpu.memory_space<vmem>>
      %dma_start3A_52 = arith.constant 0 : i32
      %dma_start3A_53 = arith.constant 0 : i32
      %dma_start3A_54 = tpu.memref_slice %arg2[%dma_start3A_52, %dma_start3A_53] : memref<50000x128xf32, #tpu.memory_space<hbm>> -> memref<50000x128xf32, #tpu.memory_space<hbm>>
      tpu.enqueue_indirect_dma source(%dma_start3A_54 : memref<50000x128xf32, #tpu.memory_space<hbm>>) target(%dma_start3A_48 : memref<128x128xf32, #tpu.memory_space<vmem>>) offsets(%dma_start3A_51 : memref<128xi32, #tpu.memory_space<vmem>>) semaphore(%arg8 : memref<!tpu.dma_semaphore, #tpu.memory_space<semaphore_mem>>)
      %mul3A_55 = arith.constant 2 : i32
      %mul3A_56 = arith.muli %scan3A_23, %mul3A_55 : i32
      %add3A_57 = arith.constant 1 : i32
      %add3A_58 = arith.addi %mul3A_56, %add3A_57 : i32
      %gt3A_59 = arith.constant 0 : i32
      %gt3A_60 = arith.cmpi sgt, %scan3A_23, %gt3A_59 : i32
      %convert_element_type3A_61 = arith.extui %gt3A_60 : i1 to i32
      %cond3A_62 = arith.constant 0 : i32
      %cond3A_63 = arith.cmpi ne, %convert_element_type3A_61, %cond3A_62 : i32
      scf.if %cond3A_63 {
        %sub3A = arith.constant 2 : i32
        %sub3A_168 = arith.subi %add3A_58, %sub3A : i32
        %mul3A_169 = arith.constant 2 : i32
        %mul3A_170 = arith.muli %sub3A_168, %mul3A_169 : i32
        %add3A_171 = arith.addi %mul3A_2, %mul3A_170 : i32
        %mul3A_172 = arith.constant 128 : i32
        %mul3A_173 = arith.muli %add3A_171, %mul3A_172 : i32
        %dma_wait3A_174 = arith.constant 0 : i32
        %dma_wait3A_175 = tpu.memref_slice %arg4[%mul3A_173, %dma_wait3A_174] : memref<819200x128xf32, #tpu.memory_space<hbm>> -> memref<256x128xf32, #tpu.memory_space<hbm>>
        %dma_wait3A_176 = arith.constant 0 : i32
        %dma_wait3A_177 = tpu.memref_slice %arg4[%mul3A_173, %dma_wait3A_176] : memref<819200x128xf32, #tpu.memory_space<hbm>> -> memref<256x128xf32, #tpu.memory_space<hbm>>
        tpu.wait_dma2 semaphore(%arg11 : memref<!tpu.dma_semaphore, #tpu.memory_space<semaphore_mem>>) src(%arg7 : memref<256x128xf32, #tpu.memory_space<vmem>>) dst(%dma_wait3A_177 : memref<256x128xf32, #tpu.memory_space<hbm>>)
      } else {
      }
      %mul3A_64 = arith.constant 2 : i32
      %mul3A_65 = arith.muli %add3A_58, %mul3A_64 : i32
      %add3A_66 = arith.constant 0 : i32
      %add3A_67 = arith.addi %mul3A_65, %add3A_66 : i32
      %dma_start3A_68 = arith.constant 0 : i32
      %dma_start3A_69 = arith.constant 0 : i32
      %dma_start3A_70 = tpu.memref_slice %arg7[%dma_start3A_68, %dma_start3A_69] : memref<256x128xf32, #tpu.memory_space<vmem>> -> memref<128x128xf32, #tpu.memory_space<vmem>>
      %dma_start3A_71 = arith.constant 0 : i32
      %dma_start3A_72 = tpu.memref_slice %arg5[%add3A_67, %dma_start3A_71] : memref<200x128xi32, #tpu.memory_space<vmem>> -> memref<1x128xi32, #tpu.memory_space<vmem>>
      %dma_start3A_73 = tpu.memref_squeeze %dma_start3A_72 : memref<1x128xi32, #tpu.memory_space<vmem>> -> memref<128xi32, #tpu.memory_space<vmem>>
      %dma_start3A_74 = arith.constant 0 : i32
      %dma_start3A_75 = arith.constant 0 : i32
      %dma_start3A_76 = tpu.memref_slice %arg2[%dma_start3A_74, %dma_start3A_75] : memref<50000x128xf32, #tpu.memory_space<hbm>> -> memref<50000x128xf32, #tpu.memory_space<hbm>>
      tpu.enqueue_indirect_dma source(%dma_start3A_76 : memref<50000x128xf32, #tpu.memory_space<hbm>>) target(%dma_start3A_70 : memref<128x128xf32, #tpu.memory_space<vmem>>) offsets(%dma_start3A_73 : memref<128xi32, #tpu.memory_space<vmem>>) semaphore(%arg9 : memref<!tpu.dma_semaphore, #tpu.memory_space<semaphore_mem>>)
      %mul3A_77 = arith.constant 2 : i32
      %mul3A_78 = arith.muli %add3A_58, %mul3A_77 : i32
      %add3A_79 = arith.constant 1 : i32
      %add3A_80 = arith.addi %mul3A_78, %add3A_79 : i32
      %dma_start3A_81 = arith.constant 128 : i32
      %dma_start3A_82 = arith.constant 0 : i32
      %dma_start3A_83 = tpu.memref_slice %arg7[%dma_start3A_81, %dma_start3A_82] : memref<256x128xf32, #tpu.memory_space<vmem>> -> memref<128x128xf32, #tpu.memory_space<vmem>>
      %dma_start3A_84 = arith.constant 0 : i32
      %dma_start3A_85 = tpu.memref_slice %arg5[%add3A_80, %dma_start3A_84] : memref<200x128xi32, #tpu.memory_space<vmem>> -> memref<1x128xi32, #tpu.memory_space<vmem>>
      %dma_start3A_86 = tpu.memref_squeeze %dma_start3A_85 : memref<1x128xi32, #tpu.memory_space<vmem>> -> memref<128xi32, #tpu.memory_space<vmem>>
      %dma_start3A_87 = arith.constant 0 : i32
      %dma_start3A_88 = arith.constant 0 : i32
      %dma_start3A_89 = tpu.memref_slice %arg2[%dma_start3A_87, %dma_start3A_88] : memref<50000x128xf32, #tpu.memory_space<hbm>> -> memref<50000x128xf32, #tpu.memory_space<hbm>>
      tpu.enqueue_indirect_dma source(%dma_start3A_89 : memref<50000x128xf32, #tpu.memory_space<hbm>>) target(%dma_start3A_83 : memref<128x128xf32, #tpu.memory_space<vmem>>) offsets(%dma_start3A_86 : memref<128xi32, #tpu.memory_space<vmem>>) semaphore(%arg9 : memref<!tpu.dma_semaphore, #tpu.memory_space<semaphore_mem>>)
      %mul3A_90 = arith.constant 2 : i32
      %mul3A_91 = arith.muli %scan3A_23, %mul3A_90 : i32
      %add3A_92 = arith.constant 0 : i32
      %add3A_93 = arith.addi %mul3A_91, %add3A_92 : i32
      %mul3A_94 = arith.constant 2 : i32
      %mul3A_95 = arith.muli %add3A_93, %mul3A_94 : i32
      %add3A_96 = arith.constant 0 : i32
      %add3A_97 = arith.addi %mul3A_95, %add3A_96 : i32
      %dma_wait3A_98 = arith.constant 0 : i32
      %dma_wait3A_99 = arith.constant 0 : i32
      %dma_wait3A_100 = tpu.memref_slice %arg6[%dma_wait3A_98, %dma_wait3A_99] : memref<256x128xf32, #tpu.memory_space<vmem>> -> memref<128x128xf32, #tpu.memory_space<vmem>>
      %dma_wait3A_101 = arith.constant 0 : i32
      %dma_wait3A_102 = tpu.memref_slice %arg5[%add3A_97, %dma_wait3A_101] : memref<200x128xi32, #tpu.memory_space<vmem>> -> memref<1x128xi32, #tpu.memory_space<vmem>>
      %dma_wait3A_103 = tpu.memref_squeeze %dma_wait3A_102 : memref<1x128xi32, #tpu.memory_space<vmem>> -> memref<128xi32, #tpu.memory_space<vmem>>
      %dma_wait3A_104 = arith.constant 0 : i32
      %dma_wait3A_105 = arith.constant 0 : i32
      %dma_wait3A_106 = tpu.memref_slice %arg2[%dma_wait3A_104, %dma_wait3A_105] : memref<50000x128xf32, #tpu.memory_space<hbm>> -> memref<50000x128xf32, #tpu.memory_space<hbm>>
      tpu.wait_indirect_dma semaphore(%arg8 : memref<!tpu.dma_semaphore, #tpu.memory_space<semaphore_mem>>) src(%dma_wait3A_106 : memref<50000x128xf32, #tpu.memory_space<hbm>>) dst(%dma_wait3A_100 : memref<128x128xf32, #tpu.memory_space<vmem>>)
      %mul3A_107 = arith.constant 2 : i32
      %mul3A_108 = arith.muli %add3A_93, %mul3A_107 : i32
      %add3A_109 = arith.constant 1 : i32
      %add3A_110 = arith.addi %mul3A_108, %add3A_109 : i32
      %dma_wait3A_111 = arith.constant 128 : i32
      %dma_wait3A_112 = arith.constant 0 : i32
      %dma_wait3A_113 = tpu.memref_slice %arg6[%dma_wait3A_111, %dma_wait3A_112] : memref<256x128xf32, #tpu.memory_space<vmem>> -> memref<128x128xf32, #tpu.memory_space<vmem>>
      %dma_wait3A_114 = arith.constant 0 : i32
      %dma_wait3A_115 = tpu.memref_slice %arg5[%add3A_110, %dma_wait3A_114] : memref<200x128xi32, #tpu.memory_space<vmem>> -> memref<1x128xi32, #tpu.memory_space<vmem>>
      %dma_wait3A_116 = tpu.memref_squeeze %dma_wait3A_115 : memref<1x128xi32, #tpu.memory_space<vmem>> -> memref<128xi32, #tpu.memory_space<vmem>>
      %dma_wait3A_117 = arith.constant 0 : i32
      %dma_wait3A_118 = arith.constant 0 : i32
      %dma_wait3A_119 = tpu.memref_slice %arg2[%dma_wait3A_117, %dma_wait3A_118] : memref<50000x128xf32, #tpu.memory_space<hbm>> -> memref<50000x128xf32, #tpu.memory_space<hbm>>
      tpu.wait_indirect_dma semaphore(%arg8 : memref<!tpu.dma_semaphore, #tpu.memory_space<semaphore_mem>>) src(%dma_wait3A_119 : memref<50000x128xf32, #tpu.memory_space<hbm>>) dst(%dma_wait3A_113 : memref<128x128xf32, #tpu.memory_space<vmem>>)
      %mul3A_120 = arith.constant 2 : i32
      %mul3A_121 = arith.muli %add3A_93, %mul3A_120 : i32
      %add3A_122 = arith.addi %mul3A_2, %mul3A_121 : i32
      %mul3A_123 = arith.constant 128 : i32
      %mul3A_124 = arith.muli %add3A_122, %mul3A_123 : i32
      %dma_start3A_125 = arith.constant 0 : i32
      %dma_start3A_126 = tpu.memref_slice %arg4[%mul3A_124, %dma_start3A_125] : memref<819200x128xf32, #tpu.memory_space<hbm>> -> memref<256x128xf32, #tpu.memory_space<hbm>>
      %dma_start3A_127 = arith.constant 0 : i32
      %dma_start3A_128 = tpu.memref_slice %arg4[%mul3A_124, %dma_start3A_127] : memref<819200x128xf32, #tpu.memory_space<hbm>> -> memref<256x128xf32, #tpu.memory_space<hbm>>
      tpu.enqueue_dma source(%arg6 : memref<256x128xf32, #tpu.memory_space<vmem>>) target(%dma_start3A_128 : memref<256x128xf32, #tpu.memory_space<hbm>>) target_semaphore(%arg10 : memref<!tpu.dma_semaphore, #tpu.memory_space<semaphore_mem>>)
      %mul3A_129 = arith.constant 2 : i32
      %mul3A_130 = arith.muli %scan3A_23, %mul3A_129 : i32
      %add3A_131 = arith.constant 1 : i32
      %add3A_132 = arith.addi %mul3A_130, %add3A_131 : i32
      %mul3A_133 = arith.constant 2 : i32
      %mul3A_134 = arith.muli %add3A_132, %mul3A_133 : i32
      %add3A_135 = arith.constant 0 : i32
      %add3A_136 = arith.addi %mul3A_134, %add3A_135 : i32
      %dma_wait3A_137 = arith.constant 0 : i32
      %dma_wait3A_138 = arith.constant 0 : i32
      %dma_wait3A_139 = tpu.memref_slice %arg7[%dma_wait3A_137, %dma_wait3A_138] : memref<256x128xf32, #tpu.memory_space<vmem>> -> memref<128x128xf32, #tpu.memory_space<vmem>>
      %dma_wait3A_140 = arith.constant 0 : i32
      %dma_wait3A_141 = tpu.memref_slice %arg5[%add3A_136, %dma_wait3A_140] : memref<200x128xi32, #tpu.memory_space<vmem>> -> memref<1x128xi32, #tpu.memory_space<vmem>>
      %dma_wait3A_142 = tpu.memref_squeeze %dma_wait3A_141 : memref<1x128xi32, #tpu.memory_space<vmem>> -> memref<128xi32, #tpu.memory_space<vmem>>
      %dma_wait3A_143 = arith.constant 0 : i32
      %dma_wait3A_144 = arith.constant 0 : i32
      %dma_wait3A_145 = tpu.memref_slice %arg2[%dma_wait3A_143, %dma_wait3A_144] : memref<50000x128xf32, #tpu.memory_space<hbm>> -> memref<50000x128xf32, #tpu.memory_space<hbm>>
      tpu.wait_indirect_dma semaphore(%arg9 : memref<!tpu.dma_semaphore, #tpu.memory_space<semaphore_mem>>) src(%dma_wait3A_145 : memref<50000x128xf32, #tpu.memory_space<hbm>>) dst(%dma_wait3A_139 : memref<128x128xf32, #tpu.memory_space<vmem>>)
      %mul3A_146 = arith.constant 2 : i32
      %mul3A_147 = arith.muli %add3A_132, %mul3A_146 : i32
      %add3A_148 = arith.constant 1 : i32
      %add3A_149 = arith.addi %mul3A_147, %add3A_148 : i32
      %dma_wait3A_150 = arith.constant 128 : i32
      %dma_wait3A_151 = arith.constant 0 : i32
      %dma_wait3A_152 = tpu.memref_slice %arg7[%dma_wait3A_150, %dma_wait3A_151] : memref<256x128xf32, #tpu.memory_space<vmem>> -> memref<128x128xf32, #tpu.memory_space<vmem>>
      %dma_wait3A_153 = arith.constant 0 : i32
      %dma_wait3A_154 = tpu.memref_slice %arg5[%add3A_149, %dma_wait3A_153] : memref<200x128xi32, #tpu.memory_space<vmem>> -> memref<1x128xi32, #tpu.memory_space<vmem>>
      %dma_wait3A_155 = tpu.memref_squeeze %dma_wait3A_154 : memref<1x128xi32, #tpu.memory_space<vmem>> -> memref<128xi32, #tpu.memory_space<vmem>>
      %dma_wait3A_156 = arith.constant 0 : i32
      %dma_wait3A_157 = arith.constant 0 : i32
      %dma_wait3A_158 = tpu.memref_slice %arg2[%dma_wait3A_156, %dma_wait3A_157] : memref<50000x128xf32, #tpu.memory_space<hbm>> -> memref<50000x128xf32, #tpu.memory_space<hbm>>
      tpu.wait_indirect_dma semaphore(%arg9 : memref<!tpu.dma_semaphore, #tpu.memory_space<semaphore_mem>>) src(%dma_wait3A_158 : memref<50000x128xf32, #tpu.memory_space<hbm>>) dst(%dma_wait3A_152 : memref<128x128xf32, #tpu.memory_space<vmem>>)
      %mul3A_159 = arith.constant 2 : i32
      %mul3A_160 = arith.muli %add3A_132, %mul3A_159 : i32
      %add3A_161 = arith.addi %mul3A_2, %mul3A_160 : i32
      %mul3A_162 = arith.constant 128 : i32
      %mul3A_163 = arith.muli %add3A_161, %mul3A_162 : i32
      %dma_start3A_164 = arith.constant 0 : i32
      %dma_start3A_165 = tpu.memref_slice %arg4[%mul3A_163, %dma_start3A_164] : memref<819200x128xf32, #tpu.memory_space<hbm>> -> memref<256x128xf32, #tpu.memory_space<hbm>>
      %dma_start3A_166 = arith.constant 0 : i32
      %dma_start3A_167 = tpu.memref_slice %arg4[%mul3A_163, %dma_start3A_166] : memref<819200x128xf32, #tpu.memory_space<hbm>> -> memref<256x128xf32, #tpu.memory_space<hbm>>
      tpu.enqueue_dma source(%arg7 : memref<256x128xf32, #tpu.memory_space<vmem>>) target(%dma_start3A_167 : memref<256x128xf32, #tpu.memory_space<hbm>>) target_semaphore(%arg11 : memref<!tpu.dma_semaphore, #tpu.memory_space<semaphore_mem>>)
    }
    %scan3A_7 = arith.constant 50 : i32
    %add3A_8 = arith.constant 196 : i32
    %add3A_9 = arith.addi %mul3A_2, %add3A_8 : i32
    %mul3A_10 = arith.constant 128 : i32
    %mul3A_11 = arith.muli %add3A_9, %mul3A_10 : i32
    %dma_wait3A = arith.constant 0 : i32
    %dma_wait3A_12 = tpu.memref_slice %arg4[%mul3A_11, %dma_wait3A] : memref<819200x128xf32, #tpu.memory_space<hbm>> -> memref<256x128xf32, #tpu.memory_space<hbm>>
    %dma_wait3A_13 = arith.constant 0 : i32
    %dma_wait3A_14 = tpu.memref_slice %arg4[%mul3A_11, %dma_wait3A_13] : memref<819200x128xf32, #tpu.memory_space<hbm>> -> memref<256x128xf32, #tpu.memory_space<hbm>>
    tpu.wait_dma2 semaphore(%arg10 : memref<!tpu.dma_semaphore, #tpu.memory_space<semaphore_mem>>) src(%arg6 : memref<256x128xf32, #tpu.memory_space<vmem>>) dst(%dma_wait3A_14 : memref<256x128xf32, #tpu.memory_space<hbm>>)
    %add3A_15 = arith.constant 198 : i32
    %add3A_16 = arith.addi %mul3A_2, %add3A_15 : i32
    %mul3A_17 = arith.constant 128 : i32
    %mul3A_18 = arith.muli %add3A_16, %mul3A_17 : i32
    %dma_wait3A_19 = arith.constant 0 : i32
    %dma_wait3A_20 = tpu.memref_slice %arg4[%mul3A_18, %dma_wait3A_19] : memref<819200x128xf32, #tpu.memory_space<hbm>> -> memref<256x128xf32, #tpu.memory_space<hbm>>
    %dma_wait3A_21 = arith.constant 0 : i32
    %dma_wait3A_22 = tpu.memref_slice %arg4[%mul3A_18, %dma_wait3A_21] : memref<819200x128xf32, #tpu.memory_space<hbm>> -> memref<256x128xf32, #tpu.memory_space<hbm>>
    tpu.wait_dma2 semaphore(%arg11 : memref<!tpu.dma_semaphore, #tpu.memory_space<semaphore_mem>>) src(%arg7 : memref<256x128xf32, #tpu.memory_space<vmem>>) dst(%dma_wait3A_22 : memref<256x128xf32, #tpu.memory_space<hbm>>)
    return
  }
}

#map = affine_map<(d0, d1) -> (0, 0)>
module attributes {stable_mosaic.version = 14 : i64} {
  func.func @body(%arg0: i32, %arg1: i32, %arg2: memref<50000x128xf32, #tpu.memory_space<hbm>>, %arg3: memref<6400x128xi32, #tpu.memory_space<hbm>>, %arg4: memref<819200x128xf32, #tpu.memory_space<hbm>>, %arg5: memref<200x128xi32, #tpu.memory_space<vmem>>, %arg6: memref<256x128xf32, #tpu.memory_space<vmem>>, %arg7: memref<256x128xf32, #tpu.memory_space<vmem>>, %arg8: memref<!tpu.dma_semaphore, #tpu.memory_space<semaphore_mem>>, %arg9: memref<!tpu.dma_semaphore, #tpu.memory_space<semaphore_mem>>, %arg10: memref<!tpu.dma_semaphore, #tpu.memory_space<semaphore_mem>>, %arg11: memref<!tpu.dma_semaphore, #tpu.memory_space<semaphore_mem>>) attributes {dimension_semantics = [#tpu.dimension_semantics<core_parallel>, #tpu.dimension_semantics<subcore_parallel>], iteration_bounds = array<i64: 2, 16>, scalar_prefetch = 0 : i64, scratch_operands = 7 : i64, tpu.core_type = #tpu.core_type<sc_vector_subcore>, window_params = [{transform_indices = #map}, {transform_indices = #map}, {transform_indices = #map}]} {
    %mul3A = arith.constant 2 : i32
    %mul3A_0 = arith.muli %arg1, %mul3A : i32
    %add3A = arith.addi %mul3A_0, %arg0 : i32
    %mul3A_1 = arith.constant 200 : i32
    %mul3A_2 = arith.muli %add3A, %mul3A_1 : i32
    "tpu.region"() ({
      %run_scoped3A = tpu.sem_alloc : memref<!tpu.dma_semaphore, #tpu.memory_space<semaphore_mem>>
      %dma_start3A = arith.constant 0 : i32
      %dma_start3A_23 = tpu.memref_slice %arg3[%mul3A_2, %dma_start3A] : memref<6400x128xi32, #tpu.memory_space<hbm>> -> memref<200x128xi32, #tpu.memory_space<hbm>>
      %dma_start3A_24 = arith.constant 0 : i32
      %dma_start3A_25 = tpu.memref_slice %arg3[%mul3A_2, %dma_start3A_24] : memref<6400x128xi32, #tpu.memory_space<hbm>> -> memref<200x128xi32, #tpu.memory_space<hbm>>
      tpu.enqueue_dma source(%dma_start3A_25 : memref<200x128xi32, #tpu.memory_space<hbm>>) target(%arg5 : memref<200x128xi32, #tpu.memory_space<vmem>>) target_semaphore(%run_scoped3A : memref<!tpu.dma_semaphore, #tpu.memory_space<semaphore_mem>>)
      %dma_wait3A_26 = arith.constant 0 : i32
      %dma_wait3A_27 = tpu.memref_slice %arg3[%mul3A_2, %dma_wait3A_26] : memref<6400x128xi32, #tpu.memory_space<hbm>> -> memref<200x128xi32, #tpu.memory_space<hbm>>
      %dma_wait3A_28 = arith.constant 0 : i32
      %dma_wait3A_29 = tpu.memref_slice %arg3[%mul3A_2, %dma_wait3A_28] : memref<6400x128xi32, #tpu.memory_space<hbm>> -> memref<200x128xi32, #tpu.memory_space<hbm>>
      tpu.wait_dma2 semaphore(%run_scoped3A : memref<!tpu.dma_semaphore, #tpu.memory_space<semaphore_mem>>) src(%dma_wait3A_29 : memref<200x128xi32, #tpu.memory_space<hbm>>) dst(%arg5 : memref<200x128xi32, #tpu.memory_space<vmem>>)
      tpu.yield
    }) : () -> ()
    %scan3A = arith.constant 0 : i32
    %scan3A_3 = arith.constant 0 : i32
    %scan3A_4 = arith.constant 50 : i32
    %scan3A_5 = arith.addi %scan3A_3, %scan3A_4 : i32
    %scan3A_6 = arith.constant 1 : i32
    scf.for %scan3A_23 = %scan3A_3 to %scan3A_5 step %scan3A_6  : i32 {
      %mul3A_24 = arith.constant 2 : i32
      %mul3A_25 = arith.muli %scan3A_23, %mul3A_24 : i32
      %add3A_26 = arith.constant 0 : i32
      %add3A_27 = arith.addi %mul3A_25, %add3A_26 : i32
      %gt3A = arith.constant 0 : i32
      %gt3A_28 = arith.cmpi sgt, %scan3A_23, %gt3A : i32
      %convert_element_type3A = arith.extui %gt3A_28 : i1 to i32
      %cond3A = arith.constant 0 : i32
      %cond3A_29 = arith.cmpi ne, %convert_element_type3A, %cond3A : i32
      scf.if %cond3A_29 {
        %sub3A = arith.constant 2 : i32
        %sub3A_168 = arith.subi %add3A_27, %sub3A : i32
        %mul3A_169 = arith.constant 2 : i32
        %mul3A_170 = arith.muli %sub3A_168, %mul3A_169 : i32
        %add3A_171 = arith.addi %mul3A_2, %mul3A_170 : i32
        %mul3A_172 = arith.constant 128 : i32
        %mul3A_173 = arith.muli %add3A_171, %mul3A_172 : i32
        %dma_wait3A_174 = arith.constant 0 : i32
        %dma_wait3A_175 = tpu.memref_slice %arg4[%mul3A_173, %dma_wait3A_174] : memref<819200x128xf32, #tpu.memory_space<hbm>> -> memref<256x128xf32, #tpu.memory_space<hbm>>
        %dma_wait3A_176 = arith.constant 0 : i32
        %dma_wait3A_177 = tpu.memref_slice %arg4[%mul3A_173, %dma_wait3A_176] : memref<819200x128xf32, #tpu.memory_space<hbm>> -> memref<256x128xf32, #tpu.memory_space<hbm>>
        tpu.wait_dma2 semaphore(%arg10 : memref<!tpu.dma_semaphore, #tpu.memory_space<semaphore_mem>>) src(%arg6 : memref<256x128xf32, #tpu.memory_space<vmem>>) dst(%dma_wait3A_177 : memref<256x128xf32, #tpu.memory_space<hbm>>)
      } else {
      }
      %mul3A_30 = arith.constant 2 : i32
      %mul3A_31 = arith.muli %add3A_27, %mul3A_30 : i32
      %add3A_32 = arith.constant 0 : i32
      %add3A_33 = arith.addi %mul3A_31, %add3A_32 : i32
      %dma_start3A = arith.constant 0 : i32
      %dma_start3A_34 = arith.constant 0 : i32
      %dma_start3A_35 = tpu.memref_slice %arg6[%dma_start3A, %dma_start3A_34] : memref<256x128xf32, #tpu.memory_space<vmem>> -> memref<128x128xf32, #tpu.memory_space<vmem>>
      %dma_start3A_36 = arith.constant 0 : i32
      %dma_start3A_37 = tpu.memref_slice %arg5[%add3A_33, %dma_start3A_36] : memref<200x128xi32, #tpu.memory_space<vmem>> -> memref<1x128xi32, #tpu.memory_space<vmem>>
      %dma_start3A_38 = tpu.memref_squeeze %dma_start3A_37 : memref<1x128xi32, #tpu.memory_space<vmem>> -> memref<128xi32, #tpu.memory_space<vmem>>
      %dma_start3A_39 = arith.constant 0 : i32
      %dma_start3A_40 = arith.constant 0 : i32
      %dma_start3A_41 = tpu.memref_slice %arg2[%dma_start3A_39, %dma_start3A_40] : memref<50000x128xf32, #tpu.memory_space<hbm>> -> memref<50000x128xf32, #tpu.memory_space<hbm>>
      tpu.enqueue_indirect_dma source(%dma_start3A_41 : memref<50000x128xf32, #tpu.memory_space<hbm>>) target(%dma_start3A_35 : memref<128x128xf32, #tpu.memory_space<vmem>>) offsets(%dma_start3A_38 : memref<128xi32, #tpu.memory_space<vmem>>) semaphore(%arg8 : memref<!tpu.dma_semaphore, #tpu.memory_space<semaphore_mem>>)
      %mul3A_42 = arith.constant 2 : i32
      %mul3A_43 = arith.muli %add3A_27, %mul3A_42 : i32
      %add3A_44 = arith.constant 1 : i32
      %add3A_45 = arith.addi %mul3A_43, %add3A_44 : i32
      %dma_start3A_46 = arith.constant 128 : i32
      %dma_start3A_47 = arith.constant 0 : i32
      %dma_start3A_48 = tpu.memref_slice %arg6[%dma_start3A_46, %dma_start3A_47] : memref<256x128xf32, #tpu.memory_space<vmem>> -> memref<128x128xf32, #tpu.memory_space<vmem>>
      %dma_start3A_49 = arith.constant 0 : i32
      %dma_start3A_50 = tpu.memref_slice %arg5[%add3A_45, %dma_start3A_49] : memref<200x128xi32, #tpu.memory_space<vmem>> -> memref<1x128xi32, #tpu.memory_space<vmem>>
      %dma_start3A_51 = tpu.memref_squeeze %dma_start3A_50 : memref<1x128xi32, #tpu.memory_space<vmem>> -> memref<128xi32, #tpu.memory_space<vmem>>
      %dma_start3A_52 = arith.constant 0 : i32
      %dma_start3A_53 = arith.constant 0 : i32
      %dma_start3A_54 = tpu.memref_slice %arg2[%dma_start3A_52, %dma_start3A_53] : memref<50000x128xf32, #tpu.memory_space<hbm>> -> memref<50000x128xf32, #tpu.memory_space<hbm>>
      tpu.enqueue_indirect_dma source(%dma_start3A_54 : memref<50000x128xf32, #tpu.memory_space<hbm>>) target(%dma_start3A_48 : memref<128x128xf32, #tpu.memory_space<vmem>>) offsets(%dma_start3A_51 : memref<128xi32, #tpu.memory_space<vmem>>) semaphore(%arg8 : memref<!tpu.dma_semaphore, #tpu.memory_space<semaphore_mem>>)
      %mul3A_55 = arith.constant 2 : i32
      %mul3A_56 = arith.muli %scan3A_23, %mul3A_55 : i32
      %add3A_57 = arith.constant 1 : i32
      %add3A_58 = arith.addi %mul3A_56, %add3A_57 : i32
      %gt3A_59 = arith.constant 0 : i32
      %gt3A_60 = arith.cmpi sgt, %scan3A_23, %gt3A_59 : i32
      %convert_element_type3A_61 = arith.extui %gt3A_60 : i1 to i32
      %cond3A_62 = arith.constant 0 : i32
      %cond3A_63 = arith.cmpi ne, %convert_element_type3A_61, %cond3A_62 : i32
      scf.if %cond3A_63 {
        %sub3A = arith.constant 2 : i32
        %sub3A_168 = arith.subi %add3A_58, %sub3A : i32
        %mul3A_169 = arith.constant 2 : i32
        %mul3A_170 = arith.muli %sub3A_168, %mul3A_169 : i32
        %add3A_171 = arith.addi %mul3A_2, %mul3A_170 : i32
        %mul3A_172 = arith.constant 128 : i32
        %mul3A_173 = arith.muli %add3A_171, %mul3A_172 : i32
        %dma_wait3A_174 = arith.constant 0 : i32
        %dma_wait3A_175 = tpu.memref_slice %arg4[%mul3A_173, %dma_wait3A_174] : memref<819200x128xf32, #tpu.memory_space<hbm>> -> memref<256x128xf32, #tpu.memory_space<hbm>>
        %dma_wait3A_176 = arith.constant 0 : i32
        %dma_wait3A_177 = tpu.memref_slice %arg4[%mul3A_173, %dma_wait3A_176] : memref<819200x128xf32, #tpu.memory_space<hbm>> -> memref<256x128xf32, #tpu.memory_space<hbm>>
        tpu.wait_dma2 semaphore(%arg11 : memref<!tpu.dma_semaphore, #tpu.memory_space<semaphore_mem>>) src(%arg7 : memref<256x128xf32, #tpu.memory_space<vmem>>) dst(%dma_wait3A_177 : memref<256x128xf32, #tpu.memory_space<hbm>>)
      } else {
      }
      %mul3A_64 = arith.constant 2 : i32
      %mul3A_65 = arith.muli %add3A_58, %mul3A_64 : i32
      %add3A_66 = arith.constant 0 : i32
      %add3A_67 = arith.addi %mul3A_65, %add3A_66 : i32
      %dma_start3A_68 = arith.constant 0 : i32
      %dma_start3A_69 = arith.constant 0 : i32
      %dma_start3A_70 = tpu.memref_slice %arg7[%dma_start3A_68, %dma_start3A_69] : memref<256x128xf32, #tpu.memory_space<vmem>> -> memref<128x128xf32, #tpu.memory_space<vmem>>
      %dma_start3A_71 = arith.constant 0 : i32
      %dma_start3A_72 = tpu.memref_slice %arg5[%add3A_67, %dma_start3A_71] : memref<200x128xi32, #tpu.memory_space<vmem>> -> memref<1x128xi32, #tpu.memory_space<vmem>>
      %dma_start3A_73 = tpu.memref_squeeze %dma_start3A_72 : memref<1x128xi32, #tpu.memory_space<vmem>> -> memref<128xi32, #tpu.memory_space<vmem>>
      %dma_start3A_74 = arith.constant 0 : i32
      %dma_start3A_75 = arith.constant 0 : i32
      %dma_start3A_76 = tpu.memref_slice %arg2[%dma_start3A_74, %dma_start3A_75] : memref<50000x128xf32, #tpu.memory_space<hbm>> -> memref<50000x128xf32, #tpu.memory_space<hbm>>
      tpu.enqueue_indirect_dma source(%dma_start3A_76 : memref<50000x128xf32, #tpu.memory_space<hbm>>) target(%dma_start3A_70 : memref<128x128xf32, #tpu.memory_space<vmem>>) offsets(%dma_start3A_73 : memref<128xi32, #tpu.memory_space<vmem>>) semaphore(%arg9 : memref<!tpu.dma_semaphore, #tpu.memory_space<semaphore_mem>>)
      %mul3A_77 = arith.constant 2 : i32
      %mul3A_78 = arith.muli %add3A_58, %mul3A_77 : i32
      %add3A_79 = arith.constant 1 : i32
      %add3A_80 = arith.addi %mul3A_78, %add3A_79 : i32
      %dma_start3A_81 = arith.constant 128 : i32
      %dma_start3A_82 = arith.constant 0 : i32
      %dma_start3A_83 = tpu.memref_slice %arg7[%dma_start3A_81, %dma_start3A_82] : memref<256x128xf32, #tpu.memory_space<vmem>> -> memref<128x128xf32, #tpu.memory_space<vmem>>
      %dma_start3A_84 = arith.constant 0 : i32
      %dma_start3A_85 = tpu.memref_slice %arg5[%add3A_80, %dma_start3A_84] : memref<200x128xi32, #tpu.memory_space<vmem>> -> memref<1x128xi32, #tpu.memory_space<vmem>>
      %dma_start3A_86 = tpu.memref_squeeze %dma_start3A_85 : memref<1x128xi32, #tpu.memory_space<vmem>> -> memref<128xi32, #tpu.memory_space<vmem>>
      %dma_start3A_87 = arith.constant 0 : i32
      %dma_start3A_88 = arith.constant 0 : i32
      %dma_start3A_89 = tpu.memref_slice %arg2[%dma_start3A_87, %dma_start3A_88] : memref<50000x128xf32, #tpu.memory_space<hbm>> -> memref<50000x128xf32, #tpu.memory_space<hbm>>
      tpu.enqueue_indirect_dma source(%dma_start3A_89 : memref<50000x128xf32, #tpu.memory_space<hbm>>) target(%dma_start3A_83 : memref<128x128xf32, #tpu.memory_space<vmem>>) offsets(%dma_start3A_86 : memref<128xi32, #tpu.memory_space<vmem>>) semaphore(%arg9 : memref<!tpu.dma_semaphore, #tpu.memory_space<semaphore_mem>>)
      %mul3A_90 = arith.constant 2 : i32
      %mul3A_91 = arith.muli %scan3A_23, %mul3A_90 : i32
      %add3A_92 = arith.constant 0 : i32
      %add3A_93 = arith.addi %mul3A_91, %add3A_92 : i32
      %mul3A_94 = arith.constant 2 : i32
      %mul3A_95 = arith.muli %add3A_93, %mul3A_94 : i32
      %add3A_96 = arith.constant 0 : i32
      %add3A_97 = arith.addi %mul3A_95, %add3A_96 : i32
      %dma_wait3A_98 = arith.constant 0 : i32
      %dma_wait3A_99 = arith.constant 0 : i32
      %dma_wait3A_100 = tpu.memref_slice %arg6[%dma_wait3A_98, %dma_wait3A_99] : memref<256x128xf32, #tpu.memory_space<vmem>> -> memref<128x128xf32, #tpu.memory_space<vmem>>
      %dma_wait3A_101 = arith.constant 0 : i32
      %dma_wait3A_102 = tpu.memref_slice %arg5[%add3A_97, %dma_wait3A_101] : memref<200x128xi32, #tpu.memory_space<vmem>> -> memref<1x128xi32, #tpu.memory_space<vmem>>
      %dma_wait3A_103 = tpu.memref_squeeze %dma_wait3A_102 : memref<1x128xi32, #tpu.memory_space<vmem>> -> memref<128xi32, #tpu.memory_space<vmem>>
      %dma_wait3A_104 = arith.constant 0 : i32
      %dma_wait3A_105 = arith.constant 0 : i32
      %dma_wait3A_106 = tpu.memref_slice %arg2[%dma_wait3A_104, %dma_wait3A_105] : memref<50000x128xf32, #tpu.memory_space<hbm>> -> memref<50000x128xf32, #tpu.memory_space<hbm>>
      tpu.wait_indirect_dma semaphore(%arg8 : memref<!tpu.dma_semaphore, #tpu.memory_space<semaphore_mem>>) src(%dma_wait3A_106 : memref<50000x128xf32, #tpu.memory_space<hbm>>) dst(%dma_wait3A_100 : memref<128x128xf32, #tpu.memory_space<vmem>>)
      %mul3A_107 = arith.constant 2 : i32
      %mul3A_108 = arith.muli %add3A_93, %mul3A_107 : i32
      %add3A_109 = arith.constant 1 : i32
      %add3A_110 = arith.addi %mul3A_108, %add3A_109 : i32
      %dma_wait3A_111 = arith.constant 128 : i32
      %dma_wait3A_112 = arith.constant 0 : i32
      %dma_wait3A_113 = tpu.memref_slice %arg6[%dma_wait3A_111, %dma_wait3A_112] : memref<256x128xf32, #tpu.memory_space<vmem>> -> memref<128x128xf32, #tpu.memory_space<vmem>>
      %dma_wait3A_114 = arith.constant 0 : i32
      %dma_wait3A_115 = tpu.memref_slice %arg5[%add3A_110, %dma_wait3A_114] : memref<200x128xi32, #tpu.memory_space<vmem>> -> memref<1x128xi32, #tpu.memory_space<vmem>>
      %dma_wait3A_116 = tpu.memref_squeeze %dma_wait3A_115 : memref<1x128xi32, #tpu.memory_space<vmem>> -> memref<128xi32, #tpu.memory_space<vmem>>
      %dma_wait3A_117 = arith.constant 0 : i32
      %dma_wait3A_118 = arith.constant 0 : i32
      %dma_wait3A_119 = tpu.memref_slice %arg2[%dma_wait3A_117, %dma_wait3A_118] : memref<50000x128xf32, #tpu.memory_space<hbm>> -> memref<50000x128xf32, #tpu.memory_space<hbm>>
      tpu.wait_indirect_dma semaphore(%arg8 : memref<!tpu.dma_semaphore, #tpu.memory_space<semaphore_mem>>) src(%dma_wait3A_119 : memref<50000x128xf32, #tpu.memory_space<hbm>>) dst(%dma_wait3A_113 : memref<128x128xf32, #tpu.memory_space<vmem>>)
      %mul3A_120 = arith.constant 2 : i32
      %mul3A_121 = arith.muli %add3A_93, %mul3A_120 : i32
      %add3A_122 = arith.addi %mul3A_2, %mul3A_121 : i32
      %mul3A_123 = arith.constant 128 : i32
      %mul3A_124 = arith.muli %add3A_122, %mul3A_123 : i32
      %dma_start3A_125 = arith.constant 0 : i32
      %dma_start3A_126 = tpu.memref_slice %arg4[%mul3A_124, %dma_start3A_125] : memref<819200x128xf32, #tpu.memory_space<hbm>> -> memref<256x128xf32, #tpu.memory_space<hbm>>
      %dma_start3A_127 = arith.constant 0 : i32
      %dma_start3A_128 = tpu.memref_slice %arg4[%mul3A_124, %dma_start3A_127] : memref<819200x128xf32, #tpu.memory_space<hbm>> -> memref<256x128xf32, #tpu.memory_space<hbm>>
      tpu.enqueue_dma source(%arg6 : memref<256x128xf32, #tpu.memory_space<vmem>>) target(%dma_start3A_128 : memref<256x128xf32, #tpu.memory_space<hbm>>) target_semaphore(%arg10 : memref<!tpu.dma_semaphore, #tpu.memory_space<semaphore_mem>>)
      %mul3A_129 = arith.constant 2 : i32
      %mul3A_130 = arith.muli %scan3A_23, %mul3A_129 : i32
      %add3A_131 = arith.constant 1 : i32
      %add3A_132 = arith.addi %mul3A_130, %add3A_131 : i32
      %mul3A_133 = arith.constant 2 : i32
      %mul3A_134 = arith.muli %add3A_132, %mul3A_133 : i32
      %add3A_135 = arith.constant 0 : i32
      %add3A_136 = arith.addi %mul3A_134, %add3A_135 : i32
      %dma_wait3A_137 = arith.constant 0 : i32
      %dma_wait3A_138 = arith.constant 0 : i32
      %dma_wait3A_139 = tpu.memref_slice %arg7[%dma_wait3A_137, %dma_wait3A_138] : memref<256x128xf32, #tpu.memory_space<vmem>> -> memref<128x128xf32, #tpu.memory_space<vmem>>
      %dma_wait3A_140 = arith.constant 0 : i32
      %dma_wait3A_141 = tpu.memref_slice %arg5[%add3A_136, %dma_wait3A_140] : memref<200x128xi32, #tpu.memory_space<vmem>> -> memref<1x128xi32, #tpu.memory_space<vmem>>
      %dma_wait3A_142 = tpu.memref_squeeze %dma_wait3A_141 : memref<1x128xi32, #tpu.memory_space<vmem>> -> memref<128xi32, #tpu.memory_space<vmem>>
      %dma_wait3A_143 = arith.constant 0 : i32
      %dma_wait3A_144 = arith.constant 0 : i32
      %dma_wait3A_145 = tpu.memref_slice %arg2[%dma_wait3A_143, %dma_wait3A_144] : memref<50000x128xf32, #tpu.memory_space<hbm>> -> memref<50000x128xf32, #tpu.memory_space<hbm>>
      tpu.wait_indirect_dma semaphore(%arg9 : memref<!tpu.dma_semaphore, #tpu.memory_space<semaphore_mem>>) src(%dma_wait3A_145 : memref<50000x128xf32, #tpu.memory_space<hbm>>) dst(%dma_wait3A_139 : memref<128x128xf32, #tpu.memory_space<vmem>>)
      %mul3A_146 = arith.constant 2 : i32
      %mul3A_147 = arith.muli %add3A_132, %mul3A_146 : i32
      %add3A_148 = arith.constant 1 : i32
      %add3A_149 = arith.addi %mul3A_147, %add3A_148 : i32
      %dma_wait3A_150 = arith.constant 128 : i32
      %dma_wait3A_151 = arith.constant 0 : i32
      %dma_wait3A_152 = tpu.memref_slice %arg7[%dma_wait3A_150, %dma_wait3A_151] : memref<256x128xf32, #tpu.memory_space<vmem>> -> memref<128x128xf32, #tpu.memory_space<vmem>>
      %dma_wait3A_153 = arith.constant 0 : i32
      %dma_wait3A_154 = tpu.memref_slice %arg5[%add3A_149, %dma_wait3A_153] : memref<200x128xi32, #tpu.memory_space<vmem>> -> memref<1x128xi32, #tpu.memory_space<vmem>>
      %dma_wait3A_155 = tpu.memref_squeeze %dma_wait3A_154 : memref<1x128xi32, #tpu.memory_space<vmem>> -> memref<128xi32, #tpu.memory_space<vmem>>
      %dma_wait3A_156 = arith.constant 0 : i32
      %dma_wait3A_157 = arith.constant 0 : i32
      %dma_wait3A_158 = tpu.memref_slice %arg2[%dma_wait3A_156, %dma_wait3A_157] : memref<50000x128xf32, #tpu.memory_space<hbm>> -> memref<50000x128xf32, #tpu.memory_space<hbm>>
      tpu.wait_indirect_dma semaphore(%arg9 : memref<!tpu.dma_semaphore, #tpu.memory_space<semaphore_mem>>) src(%dma_wait3A_158 : memref<50000x128xf32, #tpu.memory_space<hbm>>) dst(%dma_wait3A_152 : memref<128x128xf32, #tpu.memory_space<vmem>>)
      %mul3A_159 = arith.constant 2 : i32
      %mul3A_160 = arith.muli %add3A_132, %mul3A_159 : i32
      %add3A_161 = arith.addi %mul3A_2, %mul3A_160 : i32
      %mul3A_162 = arith.constant 128 : i32
      %mul3A_163 = arith.muli %add3A_161, %mul3A_162 : i32
      %dma_start3A_164 = arith.constant 0 : i32
      %dma_start3A_165 = tpu.memref_slice %arg4[%mul3A_163, %dma_start3A_164] : memref<819200x128xf32, #tpu.memory_space<hbm>> -> memref<256x128xf32, #tpu.memory_space<hbm>>
      %dma_start3A_166 = arith.constant 0 : i32
      %dma_start3A_167 = tpu.memref_slice %arg4[%mul3A_163, %dma_start3A_166] : memref<819200x128xf32, #tpu.memory_space<hbm>> -> memref<256x128xf32, #tpu.memory_space<hbm>>
      tpu.enqueue_dma source(%arg7 : memref<256x128xf32, #tpu.memory_space<vmem>>) target(%dma_start3A_167 : memref<256x128xf32, #tpu.memory_space<hbm>>) target_semaphore(%arg11 : memref<!tpu.dma_semaphore, #tpu.memory_space<semaphore_mem>>)
    }
    %scan3A_7 = arith.constant 50 : i32
    %add3A_8 = arith.constant 196 : i32
    %add3A_9 = arith.addi %mul3A_2, %add3A_8 : i32
    %mul3A_10 = arith.constant 128 : i32
    %mul3A_11 = arith.muli %add3A_9, %mul3A_10 : i32
    %dma_wait3A = arith.constant 0 : i32
    %dma_wait3A_12 = tpu.memref_slice %arg4[%mul3A_11, %dma_wait3A] : memref<819200x128xf32, #tpu.memory_space<hbm>> -> memref<256x128xf32, #tpu.memory_space<hbm>>
    %dma_wait3A_13 = arith.constant 0 : i32
    %dma_wait3A_14 = tpu.memref_slice %arg4[%mul3A_11, %dma_wait3A_13] : memref<819200x128xf32, #tpu.memory_space<hbm>> -> memref<256x128xf32, #tpu.memory_space<hbm>>
    tpu.wait_dma2 semaphore(%arg10 : memref<!tpu.dma_semaphore, #tpu.memory_space<semaphore_mem>>) src(%arg6 : memref<256x128xf32, #tpu.memory_space<vmem>>) dst(%dma_wait3A_14 : memref<256x128xf32, #tpu.memory_space<hbm>>)
    %add3A_15 = arith.constant 198 : i32
    %add3A_16 = arith.addi %mul3A_2, %add3A_15 : i32
    %mul3A_17 = arith.constant 128 : i32
    %mul3A_18 = arith.muli %add3A_16, %mul3A_17 : i32
    %dma_wait3A_19 = arith.constant 0 : i32
    %dma_wait3A_20 = tpu.memref_slice %arg4[%mul3A_18, %dma_wait3A_19] : memref<819200x128xf32, #tpu.memory_space<hbm>> -> memref<256x128xf32, #tpu.memory_space<hbm>>
    %dma_wait3A_21 = arith.constant 0 : i32
    %dma_wait3A_22 = tpu.memref_slice %arg4[%mul3A_18, %dma_wait3A_21] : memref<819200x128xf32, #tpu.memory_space<hbm>> -> memref<256x128xf32, #tpu.memory_space<hbm>>
    tpu.wait_dma2 semaphore(%arg11 : memref<!tpu.dma_semaphore, #tpu.memory_space<semaphore_mem>>) src(%arg7 : memref<256x128xf32, #tpu.memory_space<vmem>>) dst(%dma_wait3A_22 : memref<256x128xf32, #tpu.memory_space<hbm>>)
    return
  }
}

#map = affine_map<(d0, d1) -> (0, 0)>
module attributes {stable_mosaic.version = 14 : i64} {
  func.func @body(%arg0: i32, %arg1: i32, %arg2: memref<50000x128xf32, #tpu.memory_space<hbm>>, %arg3: memref<512x128xi32, #tpu.memory_space<hbm>>, %arg4: memref<65536x128xf32, #tpu.memory_space<hbm>>, %arg5: memref<16x128xi32, #tpu.memory_space<vmem>>, %arg6: memref<256x128xf32, #tpu.memory_space<vmem>>, %arg7: memref<256x128xf32, #tpu.memory_space<vmem>>, %arg8: memref<!tpu.dma_semaphore, #tpu.memory_space<semaphore_mem>>, %arg9: memref<!tpu.dma_semaphore, #tpu.memory_space<semaphore_mem>>, %arg10: memref<!tpu.dma_semaphore, #tpu.memory_space<semaphore_mem>>, %arg11: memref<!tpu.dma_semaphore, #tpu.memory_space<semaphore_mem>>) attributes {dimension_semantics = [#tpu.dimension_semantics<core_parallel>, #tpu.dimension_semantics<subcore_parallel>], iteration_bounds = array<i64: 2, 16>, scalar_prefetch = 0 : i64, scratch_operands = 7 : i64, tpu.core_type = #tpu.core_type<sc_vector_subcore>, window_params = [{transform_indices = #map}, {transform_indices = #map}, {transform_indices = #map}]} {
    %mul3A = arith.constant 2 : i32
    %mul3A_0 = arith.muli %arg1, %mul3A : i32
    %add3A = arith.addi %mul3A_0, %arg0 : i32
    %mul3A_1 = arith.constant 16 : i32
    %mul3A_2 = arith.muli %add3A, %mul3A_1 : i32
    "tpu.region"() ({
      %run_scoped3A = tpu.sem_alloc : memref<!tpu.dma_semaphore, #tpu.memory_space<semaphore_mem>>
      %dma_start3A = arith.constant 0 : i32
      %dma_start3A_23 = tpu.memref_slice %arg3[%mul3A_2, %dma_start3A] : memref<512x128xi32, #tpu.memory_space<hbm>> -> memref<16x128xi32, #tpu.memory_space<hbm>>
      %dma_start3A_24 = arith.constant 0 : i32
      %dma_start3A_25 = tpu.memref_slice %arg3[%mul3A_2, %dma_start3A_24] : memref<512x128xi32, #tpu.memory_space<hbm>> -> memref<16x128xi32, #tpu.memory_space<hbm>>
      tpu.enqueue_dma source(%dma_start3A_25 : memref<16x128xi32, #tpu.memory_space<hbm>>) target(%arg5 : memref<16x128xi32, #tpu.memory_space<vmem>>) target_semaphore(%run_scoped3A : memref<!tpu.dma_semaphore, #tpu.memory_space<semaphore_mem>>)
      %dma_wait3A_26 = arith.constant 0 : i32
      %dma_wait3A_27 = tpu.memref_slice %arg3[%mul3A_2, %dma_wait3A_26] : memref<512x128xi32, #tpu.memory_space<hbm>> -> memref<16x128xi32, #tpu.memory_space<hbm>>
      %dma_wait3A_28 = arith.constant 0 : i32
      %dma_wait3A_29 = tpu.memref_slice %arg3[%mul3A_2, %dma_wait3A_28] : memref<512x128xi32, #tpu.memory_space<hbm>> -> memref<16x128xi32, #tpu.memory_space<hbm>>
      tpu.wait_dma2 semaphore(%run_scoped3A : memref<!tpu.dma_semaphore, #tpu.memory_space<semaphore_mem>>) src(%dma_wait3A_29 : memref<16x128xi32, #tpu.memory_space<hbm>>) dst(%arg5 : memref<16x128xi32, #tpu.memory_space<vmem>>)
      tpu.yield
    }) : () -> ()
    %scan3A = arith.constant 0 : i32
    %scan3A_3 = arith.constant 0 : i32
    %scan3A_4 = arith.constant 4 : i32
    %scan3A_5 = arith.addi %scan3A_3, %scan3A_4 : i32
    %scan3A_6 = arith.constant 1 : i32
    scf.for %scan3A_23 = %scan3A_3 to %scan3A_5 step %scan3A_6  : i32 {
      %mul3A_24 = arith.constant 2 : i32
      %mul3A_25 = arith.muli %scan3A_23, %mul3A_24 : i32
      %add3A_26 = arith.constant 0 : i32
      %add3A_27 = arith.addi %mul3A_25, %add3A_26 : i32
      %gt3A = arith.constant 0 : i32
      %gt3A_28 = arith.cmpi sgt, %scan3A_23, %gt3A : i32
      %convert_element_type3A = arith.extui %gt3A_28 : i1 to i32
      %cond3A = arith.constant 0 : i32
      %cond3A_29 = arith.cmpi ne, %convert_element_type3A, %cond3A : i32
      scf.if %cond3A_29 {
        %sub3A = arith.constant 2 : i32
        %sub3A_168 = arith.subi %add3A_27, %sub3A : i32
        %mul3A_169 = arith.constant 2 : i32
        %mul3A_170 = arith.muli %sub3A_168, %mul3A_169 : i32
        %add3A_171 = arith.addi %mul3A_2, %mul3A_170 : i32
        %mul3A_172 = arith.constant 128 : i32
        %mul3A_173 = arith.muli %add3A_171, %mul3A_172 : i32
        %dma_wait3A_174 = arith.constant 0 : i32
        %dma_wait3A_175 = tpu.memref_slice %arg4[%mul3A_173, %dma_wait3A_174] : memref<65536x128xf32, #tpu.memory_space<hbm>> -> memref<256x128xf32, #tpu.memory_space<hbm>>
        %dma_wait3A_176 = arith.constant 0 : i32
        %dma_wait3A_177 = tpu.memref_slice %arg4[%mul3A_173, %dma_wait3A_176] : memref<65536x128xf32, #tpu.memory_space<hbm>> -> memref<256x128xf32, #tpu.memory_space<hbm>>
        tpu.wait_dma2 semaphore(%arg10 : memref<!tpu.dma_semaphore, #tpu.memory_space<semaphore_mem>>) src(%arg6 : memref<256x128xf32, #tpu.memory_space<vmem>>) dst(%dma_wait3A_177 : memref<256x128xf32, #tpu.memory_space<hbm>>)
      } else {
      }
      %mul3A_30 = arith.constant 2 : i32
      %mul3A_31 = arith.muli %add3A_27, %mul3A_30 : i32
      %add3A_32 = arith.constant 0 : i32
      %add3A_33 = arith.addi %mul3A_31, %add3A_32 : i32
      %dma_start3A = arith.constant 0 : i32
      %dma_start3A_34 = arith.constant 0 : i32
      %dma_start3A_35 = tpu.memref_slice %arg6[%dma_start3A, %dma_start3A_34] : memref<256x128xf32, #tpu.memory_space<vmem>> -> memref<128x128xf32, #tpu.memory_space<vmem>>
      %dma_start3A_36 = arith.constant 0 : i32
      %dma_start3A_37 = tpu.memref_slice %arg5[%add3A_33, %dma_start3A_36] : memref<16x128xi32, #tpu.memory_space<vmem>> -> memref<1x128xi32, #tpu.memory_space<vmem>>
      %dma_start3A_38 = tpu.memref_squeeze %dma_start3A_37 : memref<1x128xi32, #tpu.memory_space<vmem>> -> memref<128xi32, #tpu.memory_space<vmem>>
      %dma_start3A_39 = arith.constant 0 : i32
      %dma_start3A_40 = arith.constant 0 : i32
      %dma_start3A_41 = tpu.memref_slice %arg2[%dma_start3A_39, %dma_start3A_40] : memref<50000x128xf32, #tpu.memory_space<hbm>> -> memref<50000x128xf32, #tpu.memory_space<hbm>>
      tpu.enqueue_indirect_dma source(%dma_start3A_41 : memref<50000x128xf32, #tpu.memory_space<hbm>>) target(%dma_start3A_35 : memref<128x128xf32, #tpu.memory_space<vmem>>) offsets(%dma_start3A_38 : memref<128xi32, #tpu.memory_space<vmem>>) semaphore(%arg8 : memref<!tpu.dma_semaphore, #tpu.memory_space<semaphore_mem>>)
      %mul3A_42 = arith.constant 2 : i32
      %mul3A_43 = arith.muli %add3A_27, %mul3A_42 : i32
      %add3A_44 = arith.constant 1 : i32
      %add3A_45 = arith.addi %mul3A_43, %add3A_44 : i32
      %dma_start3A_46 = arith.constant 128 : i32
      %dma_start3A_47 = arith.constant 0 : i32
      %dma_start3A_48 = tpu.memref_slice %arg6[%dma_start3A_46, %dma_start3A_47] : memref<256x128xf32, #tpu.memory_space<vmem>> -> memref<128x128xf32, #tpu.memory_space<vmem>>
      %dma_start3A_49 = arith.constant 0 : i32
      %dma_start3A_50 = tpu.memref_slice %arg5[%add3A_45, %dma_start3A_49] : memref<16x128xi32, #tpu.memory_space<vmem>> -> memref<1x128xi32, #tpu.memory_space<vmem>>
      %dma_start3A_51 = tpu.memref_squeeze %dma_start3A_50 : memref<1x128xi32, #tpu.memory_space<vmem>> -> memref<128xi32, #tpu.memory_space<vmem>>
      %dma_start3A_52 = arith.constant 0 : i32
      %dma_start3A_53 = arith.constant 0 : i32
      %dma_start3A_54 = tpu.memref_slice %arg2[%dma_start3A_52, %dma_start3A_53] : memref<50000x128xf32, #tpu.memory_space<hbm>> -> memref<50000x128xf32, #tpu.memory_space<hbm>>
      tpu.enqueue_indirect_dma source(%dma_start3A_54 : memref<50000x128xf32, #tpu.memory_space<hbm>>) target(%dma_start3A_48 : memref<128x128xf32, #tpu.memory_space<vmem>>) offsets(%dma_start3A_51 : memref<128xi32, #tpu.memory_space<vmem>>) semaphore(%arg8 : memref<!tpu.dma_semaphore, #tpu.memory_space<semaphore_mem>>)
      %mul3A_55 = arith.constant 2 : i32
      %mul3A_56 = arith.muli %scan3A_23, %mul3A_55 : i32
      %add3A_57 = arith.constant 1 : i32
      %add3A_58 = arith.addi %mul3A_56, %add3A_57 : i32
      %gt3A_59 = arith.constant 0 : i32
      %gt3A_60 = arith.cmpi sgt, %scan3A_23, %gt3A_59 : i32
      %convert_element_type3A_61 = arith.extui %gt3A_60 : i1 to i32
      %cond3A_62 = arith.constant 0 : i32
      %cond3A_63 = arith.cmpi ne, %convert_element_type3A_61, %cond3A_62 : i32
      scf.if %cond3A_63 {
        %sub3A = arith.constant 2 : i32
        %sub3A_168 = arith.subi %add3A_58, %sub3A : i32
        %mul3A_169 = arith.constant 2 : i32
        %mul3A_170 = arith.muli %sub3A_168, %mul3A_169 : i32
        %add3A_171 = arith.addi %mul3A_2, %mul3A_170 : i32
        %mul3A_172 = arith.constant 128 : i32
        %mul3A_173 = arith.muli %add3A_171, %mul3A_172 : i32
        %dma_wait3A_174 = arith.constant 0 : i32
        %dma_wait3A_175 = tpu.memref_slice %arg4[%mul3A_173, %dma_wait3A_174] : memref<65536x128xf32, #tpu.memory_space<hbm>> -> memref<256x128xf32, #tpu.memory_space<hbm>>
        %dma_wait3A_176 = arith.constant 0 : i32
        %dma_wait3A_177 = tpu.memref_slice %arg4[%mul3A_173, %dma_wait3A_176] : memref<65536x128xf32, #tpu.memory_space<hbm>> -> memref<256x128xf32, #tpu.memory_space<hbm>>
        tpu.wait_dma2 semaphore(%arg11 : memref<!tpu.dma_semaphore, #tpu.memory_space<semaphore_mem>>) src(%arg7 : memref<256x128xf32, #tpu.memory_space<vmem>>) dst(%dma_wait3A_177 : memref<256x128xf32, #tpu.memory_space<hbm>>)
      } else {
      }
      %mul3A_64 = arith.constant 2 : i32
      %mul3A_65 = arith.muli %add3A_58, %mul3A_64 : i32
      %add3A_66 = arith.constant 0 : i32
      %add3A_67 = arith.addi %mul3A_65, %add3A_66 : i32
      %dma_start3A_68 = arith.constant 0 : i32
      %dma_start3A_69 = arith.constant 0 : i32
      %dma_start3A_70 = tpu.memref_slice %arg7[%dma_start3A_68, %dma_start3A_69] : memref<256x128xf32, #tpu.memory_space<vmem>> -> memref<128x128xf32, #tpu.memory_space<vmem>>
      %dma_start3A_71 = arith.constant 0 : i32
      %dma_start3A_72 = tpu.memref_slice %arg5[%add3A_67, %dma_start3A_71] : memref<16x128xi32, #tpu.memory_space<vmem>> -> memref<1x128xi32, #tpu.memory_space<vmem>>
      %dma_start3A_73 = tpu.memref_squeeze %dma_start3A_72 : memref<1x128xi32, #tpu.memory_space<vmem>> -> memref<128xi32, #tpu.memory_space<vmem>>
      %dma_start3A_74 = arith.constant 0 : i32
      %dma_start3A_75 = arith.constant 0 : i32
      %dma_start3A_76 = tpu.memref_slice %arg2[%dma_start3A_74, %dma_start3A_75] : memref<50000x128xf32, #tpu.memory_space<hbm>> -> memref<50000x128xf32, #tpu.memory_space<hbm>>
      tpu.enqueue_indirect_dma source(%dma_start3A_76 : memref<50000x128xf32, #tpu.memory_space<hbm>>) target(%dma_start3A_70 : memref<128x128xf32, #tpu.memory_space<vmem>>) offsets(%dma_start3A_73 : memref<128xi32, #tpu.memory_space<vmem>>) semaphore(%arg9 : memref<!tpu.dma_semaphore, #tpu.memory_space<semaphore_mem>>)
      %mul3A_77 = arith.constant 2 : i32
      %mul3A_78 = arith.muli %add3A_58, %mul3A_77 : i32
      %add3A_79 = arith.constant 1 : i32
      %add3A_80 = arith.addi %mul3A_78, %add3A_79 : i32
      %dma_start3A_81 = arith.constant 128 : i32
      %dma_start3A_82 = arith.constant 0 : i32
      %dma_start3A_83 = tpu.memref_slice %arg7[%dma_start3A_81, %dma_start3A_82] : memref<256x128xf32, #tpu.memory_space<vmem>> -> memref<128x128xf32, #tpu.memory_space<vmem>>
      %dma_start3A_84 = arith.constant 0 : i32
      %dma_start3A_85 = tpu.memref_slice %arg5[%add3A_80, %dma_start3A_84] : memref<16x128xi32, #tpu.memory_space<vmem>> -> memref<1x128xi32, #tpu.memory_space<vmem>>
      %dma_start3A_86 = tpu.memref_squeeze %dma_start3A_85 : memref<1x128xi32, #tpu.memory_space<vmem>> -> memref<128xi32, #tpu.memory_space<vmem>>
      %dma_start3A_87 = arith.constant 0 : i32
      %dma_start3A_88 = arith.constant 0 : i32
      %dma_start3A_89 = tpu.memref_slice %arg2[%dma_start3A_87, %dma_start3A_88] : memref<50000x128xf32, #tpu.memory_space<hbm>> -> memref<50000x128xf32, #tpu.memory_space<hbm>>
      tpu.enqueue_indirect_dma source(%dma_start3A_89 : memref<50000x128xf32, #tpu.memory_space<hbm>>) target(%dma_start3A_83 : memref<128x128xf32, #tpu.memory_space<vmem>>) offsets(%dma_start3A_86 : memref<128xi32, #tpu.memory_space<vmem>>) semaphore(%arg9 : memref<!tpu.dma_semaphore, #tpu.memory_space<semaphore_mem>>)
      %mul3A_90 = arith.constant 2 : i32
      %mul3A_91 = arith.muli %scan3A_23, %mul3A_90 : i32
      %add3A_92 = arith.constant 0 : i32
      %add3A_93 = arith.addi %mul3A_91, %add3A_92 : i32
      %mul3A_94 = arith.constant 2 : i32
      %mul3A_95 = arith.muli %add3A_93, %mul3A_94 : i32
      %add3A_96 = arith.constant 0 : i32
      %add3A_97 = arith.addi %mul3A_95, %add3A_96 : i32
      %dma_wait3A_98 = arith.constant 0 : i32
      %dma_wait3A_99 = arith.constant 0 : i32
      %dma_wait3A_100 = tpu.memref_slice %arg6[%dma_wait3A_98, %dma_wait3A_99] : memref<256x128xf32, #tpu.memory_space<vmem>> -> memref<128x128xf32, #tpu.memory_space<vmem>>
      %dma_wait3A_101 = arith.constant 0 : i32
      %dma_wait3A_102 = tpu.memref_slice %arg5[%add3A_97, %dma_wait3A_101] : memref<16x128xi32, #tpu.memory_space<vmem>> -> memref<1x128xi32, #tpu.memory_space<vmem>>
      %dma_wait3A_103 = tpu.memref_squeeze %dma_wait3A_102 : memref<1x128xi32, #tpu.memory_space<vmem>> -> memref<128xi32, #tpu.memory_space<vmem>>
      %dma_wait3A_104 = arith.constant 0 : i32
      %dma_wait3A_105 = arith.constant 0 : i32
      %dma_wait3A_106 = tpu.memref_slice %arg2[%dma_wait3A_104, %dma_wait3A_105] : memref<50000x128xf32, #tpu.memory_space<hbm>> -> memref<50000x128xf32, #tpu.memory_space<hbm>>
      tpu.wait_indirect_dma semaphore(%arg8 : memref<!tpu.dma_semaphore, #tpu.memory_space<semaphore_mem>>) src(%dma_wait3A_106 : memref<50000x128xf32, #tpu.memory_space<hbm>>) dst(%dma_wait3A_100 : memref<128x128xf32, #tpu.memory_space<vmem>>)
      %mul3A_107 = arith.constant 2 : i32
      %mul3A_108 = arith.muli %add3A_93, %mul3A_107 : i32
      %add3A_109 = arith.constant 1 : i32
      %add3A_110 = arith.addi %mul3A_108, %add3A_109 : i32
      %dma_wait3A_111 = arith.constant 128 : i32
      %dma_wait3A_112 = arith.constant 0 : i32
      %dma_wait3A_113 = tpu.memref_slice %arg6[%dma_wait3A_111, %dma_wait3A_112] : memref<256x128xf32, #tpu.memory_space<vmem>> -> memref<128x128xf32, #tpu.memory_space<vmem>>
      %dma_wait3A_114 = arith.constant 0 : i32
      %dma_wait3A_115 = tpu.memref_slice %arg5[%add3A_110, %dma_wait3A_114] : memref<16x128xi32, #tpu.memory_space<vmem>> -> memref<1x128xi32, #tpu.memory_space<vmem>>
      %dma_wait3A_116 = tpu.memref_squeeze %dma_wait3A_115 : memref<1x128xi32, #tpu.memory_space<vmem>> -> memref<128xi32, #tpu.memory_space<vmem>>
      %dma_wait3A_117 = arith.constant 0 : i32
      %dma_wait3A_118 = arith.constant 0 : i32
      %dma_wait3A_119 = tpu.memref_slice %arg2[%dma_wait3A_117, %dma_wait3A_118] : memref<50000x128xf32, #tpu.memory_space<hbm>> -> memref<50000x128xf32, #tpu.memory_space<hbm>>
      tpu.wait_indirect_dma semaphore(%arg8 : memref<!tpu.dma_semaphore, #tpu.memory_space<semaphore_mem>>) src(%dma_wait3A_119 : memref<50000x128xf32, #tpu.memory_space<hbm>>) dst(%dma_wait3A_113 : memref<128x128xf32, #tpu.memory_space<vmem>>)
      %mul3A_120 = arith.constant 2 : i32
      %mul3A_121 = arith.muli %add3A_93, %mul3A_120 : i32
      %add3A_122 = arith.addi %mul3A_2, %mul3A_121 : i32
      %mul3A_123 = arith.constant 128 : i32
      %mul3A_124 = arith.muli %add3A_122, %mul3A_123 : i32
      %dma_start3A_125 = arith.constant 0 : i32
      %dma_start3A_126 = tpu.memref_slice %arg4[%mul3A_124, %dma_start3A_125] : memref<65536x128xf32, #tpu.memory_space<hbm>> -> memref<256x128xf32, #tpu.memory_space<hbm>>
      %dma_start3A_127 = arith.constant 0 : i32
      %dma_start3A_128 = tpu.memref_slice %arg4[%mul3A_124, %dma_start3A_127] : memref<65536x128xf32, #tpu.memory_space<hbm>> -> memref<256x128xf32, #tpu.memory_space<hbm>>
      tpu.enqueue_dma source(%arg6 : memref<256x128xf32, #tpu.memory_space<vmem>>) target(%dma_start3A_128 : memref<256x128xf32, #tpu.memory_space<hbm>>) target_semaphore(%arg10 : memref<!tpu.dma_semaphore, #tpu.memory_space<semaphore_mem>>)
      %mul3A_129 = arith.constant 2 : i32
      %mul3A_130 = arith.muli %scan3A_23, %mul3A_129 : i32
      %add3A_131 = arith.constant 1 : i32
      %add3A_132 = arith.addi %mul3A_130, %add3A_131 : i32
      %mul3A_133 = arith.constant 2 : i32
      %mul3A_134 = arith.muli %add3A_132, %mul3A_133 : i32
      %add3A_135 = arith.constant 0 : i32
      %add3A_136 = arith.addi %mul3A_134, %add3A_135 : i32
      %dma_wait3A_137 = arith.constant 0 : i32
      %dma_wait3A_138 = arith.constant 0 : i32
      %dma_wait3A_139 = tpu.memref_slice %arg7[%dma_wait3A_137, %dma_wait3A_138] : memref<256x128xf32, #tpu.memory_space<vmem>> -> memref<128x128xf32, #tpu.memory_space<vmem>>
      %dma_wait3A_140 = arith.constant 0 : i32
      %dma_wait3A_141 = tpu.memref_slice %arg5[%add3A_136, %dma_wait3A_140] : memref<16x128xi32, #tpu.memory_space<vmem>> -> memref<1x128xi32, #tpu.memory_space<vmem>>
      %dma_wait3A_142 = tpu.memref_squeeze %dma_wait3A_141 : memref<1x128xi32, #tpu.memory_space<vmem>> -> memref<128xi32, #tpu.memory_space<vmem>>
      %dma_wait3A_143 = arith.constant 0 : i32
      %dma_wait3A_144 = arith.constant 0 : i32
      %dma_wait3A_145 = tpu.memref_slice %arg2[%dma_wait3A_143, %dma_wait3A_144] : memref<50000x128xf32, #tpu.memory_space<hbm>> -> memref<50000x128xf32, #tpu.memory_space<hbm>>
      tpu.wait_indirect_dma semaphore(%arg9 : memref<!tpu.dma_semaphore, #tpu.memory_space<semaphore_mem>>) src(%dma_wait3A_145 : memref<50000x128xf32, #tpu.memory_space<hbm>>) dst(%dma_wait3A_139 : memref<128x128xf32, #tpu.memory_space<vmem>>)
      %mul3A_146 = arith.constant 2 : i32
      %mul3A_147 = arith.muli %add3A_132, %mul3A_146 : i32
      %add3A_148 = arith.constant 1 : i32
      %add3A_149 = arith.addi %mul3A_147, %add3A_148 : i32
      %dma_wait3A_150 = arith.constant 128 : i32
      %dma_wait3A_151 = arith.constant 0 : i32
      %dma_wait3A_152 = tpu.memref_slice %arg7[%dma_wait3A_150, %dma_wait3A_151] : memref<256x128xf32, #tpu.memory_space<vmem>> -> memref<128x128xf32, #tpu.memory_space<vmem>>
      %dma_wait3A_153 = arith.constant 0 : i32
      %dma_wait3A_154 = tpu.memref_slice %arg5[%add3A_149, %dma_wait3A_153] : memref<16x128xi32, #tpu.memory_space<vmem>> -> memref<1x128xi32, #tpu.memory_space<vmem>>
      %dma_wait3A_155 = tpu.memref_squeeze %dma_wait3A_154 : memref<1x128xi32, #tpu.memory_space<vmem>> -> memref<128xi32, #tpu.memory_space<vmem>>
      %dma_wait3A_156 = arith.constant 0 : i32
      %dma_wait3A_157 = arith.constant 0 : i32
      %dma_wait3A_158 = tpu.memref_slice %arg2[%dma_wait3A_156, %dma_wait3A_157] : memref<50000x128xf32, #tpu.memory_space<hbm>> -> memref<50000x128xf32, #tpu.memory_space<hbm>>
      tpu.wait_indirect_dma semaphore(%arg9 : memref<!tpu.dma_semaphore, #tpu.memory_space<semaphore_mem>>) src(%dma_wait3A_158 : memref<50000x128xf32, #tpu.memory_space<hbm>>) dst(%dma_wait3A_152 : memref<128x128xf32, #tpu.memory_space<vmem>>)
      %mul3A_159 = arith.constant 2 : i32
      %mul3A_160 = arith.muli %add3A_132, %mul3A_159 : i32
      %add3A_161 = arith.addi %mul3A_2, %mul3A_160 : i32
      %mul3A_162 = arith.constant 128 : i32
      %mul3A_163 = arith.muli %add3A_161, %mul3A_162 : i32
      %dma_start3A_164 = arith.constant 0 : i32
      %dma_start3A_165 = tpu.memref_slice %arg4[%mul3A_163, %dma_start3A_164] : memref<65536x128xf32, #tpu.memory_space<hbm>> -> memref<256x128xf32, #tpu.memory_space<hbm>>
      %dma_start3A_166 = arith.constant 0 : i32
      %dma_start3A_167 = tpu.memref_slice %arg4[%mul3A_163, %dma_start3A_166] : memref<65536x128xf32, #tpu.memory_space<hbm>> -> memref<256x128xf32, #tpu.memory_space<hbm>>
      tpu.enqueue_dma source(%arg7 : memref<256x128xf32, #tpu.memory_space<vmem>>) target(%dma_start3A_167 : memref<256x128xf32, #tpu.memory_space<hbm>>) target_semaphore(%arg11 : memref<!tpu.dma_semaphore, #tpu.memory_space<semaphore_mem>>)
    }
    %scan3A_7 = arith.constant 4 : i32
    %add3A_8 = arith.constant 12 : i32
    %add3A_9 = arith.addi %mul3A_2, %add3A_8 : i32
    %mul3A_10 = arith.constant 128 : i32
    %mul3A_11 = arith.muli %add3A_9, %mul3A_10 : i32
    %dma_wait3A = arith.constant 0 : i32
    %dma_wait3A_12 = tpu.memref_slice %arg4[%mul3A_11, %dma_wait3A] : memref<65536x128xf32, #tpu.memory_space<hbm>> -> memref<256x128xf32, #tpu.memory_space<hbm>>
    %dma_wait3A_13 = arith.constant 0 : i32
    %dma_wait3A_14 = tpu.memref_slice %arg4[%mul3A_11, %dma_wait3A_13] : memref<65536x128xf32, #tpu.memory_space<hbm>> -> memref<256x128xf32, #tpu.memory_space<hbm>>
    tpu.wait_dma2 semaphore(%arg10 : memref<!tpu.dma_semaphore, #tpu.memory_space<semaphore_mem>>) src(%arg6 : memref<256x128xf32, #tpu.memory_space<vmem>>) dst(%dma_wait3A_14 : memref<256x128xf32, #tpu.memory_space<hbm>>)
    %add3A_15 = arith.constant 14 : i32
    %add3A_16 = arith.addi %mul3A_2, %add3A_15 : i32
    %mul3A_17 = arith.constant 128 : i32
    %mul3A_18 = arith.muli %add3A_16, %mul3A_17 : i32
    %dma_wait3A_19 = arith.constant 0 : i32
    %dma_wait3A_20 = tpu.memref_slice %arg4[%mul3A_18, %dma_wait3A_19] : memref<65536x128xf32, #tpu.memory_space<hbm>> -> memref<256x128xf32, #tpu.memory_space<hbm>>
    %dma_wait3A_21 = arith.constant 0 : i32
    %dma_wait3A_22 = tpu.memref_slice %arg4[%mul3A_18, %dma_wait3A_21] : memref<65536x128xf32, #tpu.memory_space<hbm>> -> memref<256x128xf32, #tpu.memory_space<hbm>>
    tpu.wait_dma2 semaphore(%arg11 : memref<!tpu.dma_semaphore, #tpu.memory_space<semaphore_mem>>) src(%arg7 : memref<256x128xf32, #tpu.memory_space<vmem>>) dst(%dma_wait3A_22 : memref<256x128xf32, #tpu.memory_space<hbm>>)
    return
  }
}

module attributes {stable_mosaic.version = 14 : i64} {
  func.func @_embed_k(%arg0: i32, %arg1: memref<1000x128xf32, #tpu.memory_space<vmem>>, %arg2: memref<128x128xbf16, #tpu.memory_space<vmem>>, %arg3: memref<128x128xbf16, #tpu.memory_space<vmem>>, %arg4: memref<1x128xf32, #tpu.memory_space<vmem>>, %arg5: memref<1000x128xf32, #tpu.memory_space<vmem>>) attributes {dimension_semantics = [#tpu.dimension_semantics<arbitrary>], iteration_bounds = array<i64: 50>, scalar_prefetch = 0 : i64, scratch_operands = 0 : i64, tpu.core_type = #tpu.core_type<tc>, window_params = [{transform_indices = @transform_0, window_bounds = array<i64: 1000, 128>}, {pipeline_mode = #tpu.pipeline_mode<synchronous>, transform_indices = @transform_1, window_bounds = array<i64: 128, 128>}, {pipeline_mode = #tpu.pipeline_mode<synchronous>, transform_indices = @transform_2, window_bounds = array<i64: 128, 128>}, {pipeline_mode = #tpu.pipeline_mode<synchronous>, transform_indices = @transform_3, window_bounds = array<i64: 1, 128>}, {transform_indices = @transform_4, window_bounds = array<i64: 1000, 128>}]} {
    %get3A = arith.constant 0 : index
    %get3A_0 = arith.constant 0 : index
    %get3A_1 = vector.load %arg1[%get3A, %get3A_0] : memref<1000x128xf32, #tpu.memory_space<vmem>>, vector<1000x128xf32>
    %convert_element_type3A = arith.truncf %get3A_1 : vector<1000x128xf32> to vector<1000x128xbf16>
    %get3A_2 = arith.constant 0 : index
    %get3A_3 = arith.constant 0 : index
    %get3A_4 = vector.load %arg2[%get3A_2, %get3A_3] : memref<128x128xbf16, #tpu.memory_space<vmem>>, vector<128x128xbf16>
    %dot_general3A = arith.constant dense<0.000000e+00> : vector<1000x128xf32>
    %dot_general3A_5 = tpu.matmul %convert_element_type3A, %get3A_4, %dot_general3A {dimension_numbers = #tpu.dot_dimension_numbers<[1], [0], [0], [1], [0, 0, 1, 1], [], []>, transpose_lhs_hint = false} : vector<1000x128xbf16>, vector<128x128xbf16>, vector<1000x128xf32> -> vector<1000x128xf32>
    %get3A_6 = arith.constant 0 : index
    %get3A_7 = arith.constant 0 : index
    %get3A_8 = vector.load %arg4[%get3A_6, %get3A_7] : memref<1x128xf32, #tpu.memory_space<vmem>>, vector<1x128xf32>
    %add3A = vector.broadcast %get3A_8 : vector<1x128xf32> to vector<1000x128xf32>
    %add3A_9 = arith.addf %dot_general3A_5, %add3A : vector<1000x128xf32>
    %swap3A = arith.constant 0 : index
    %swap3A_10 = arith.constant 0 : index
    %swap3A_11 = vector.load %arg5[%swap3A, %swap3A_10] : memref<1000x128xf32, #tpu.memory_space<vmem>>, vector<1000x128xf32>
    tpu.vector_store %arg5[%swap3A, %swap3A_10], %add3A_9 {strides = array<i32>} : memref<1000x128xf32, #tpu.memory_space<vmem>>, vector<1000x128xf32>,
    return
  }
  func.func @transform_0(%arg0: i32) -> (i32, i32) {
    %c0_i32 = arith.constant 0 : i32
    %c0_i32_0 = arith.constant 0 : i32
    return %arg0, %c0_i32 : i32, i32
  }
  func.func @transform_1(%arg0: i32) -> (i32, i32) {
    %c0_i32 = arith.constant 0 : i32
    %c0_i32_0 = arith.constant 0 : i32
    %c0_i32_1 = arith.constant 0 : i32
    return %c0_i32, %c0_i32_0 : i32, i32
  }
  func.func @transform_2(%arg0: i32) -> (i32, i32) {
    %c0_i32 = arith.constant 0 : i32
    %c0_i32_0 = arith.constant 0 : i32
    %c0_i32_1 = arith.constant 0 : i32
    return %c0_i32, %c0_i32_0 : i32, i32
  }
  func.func @transform_3(%arg0: i32) -> (i32, i32) {
    %c0_i32 = arith.constant 0 : i32
    %c0_i32_0 = arith.constant 0 : i32
    %c0_i32_1 = arith.constant 0 : i32
    return %c0_i32, %c0_i32_0 : i32, i32
  }
  func.func @transform_4(%arg0: i32) -> (i32, i32) {
    %c0_i32 = arith.constant 0 : i32
    %c0_i32_0 = arith.constant 0 : i32
    return %arg0, %c0_i32 : i32, i32
  }
}

module attributes {stable_mosaic.version = 14 : i64} {
  func.func @_pass1_k(%arg0: i32, %arg1: memref<1000x128xf32, #tpu.memory_space<vmem>>, %arg2: memref<16000x128xf32, #tpu.memory_space<vmem>>, %arg3: memref<16000x16xbf16, #tpu.memory_space<vmem>>, %arg4: memref<128x128xbf16, #tpu.memory_space<vmem>>, %arg5: memref<128x128xbf16, #tpu.memory_space<vmem>>, %arg6: memref<128x128xbf16, #tpu.memory_space<vmem>>, %arg7: memref<128x128xbf16, #tpu.memory_space<vmem>>, %arg8: memref<16x128xbf16, #tpu.memory_space<vmem>>, %arg9: memref<16x128xbf16, #tpu.memory_space<vmem>>, %arg10: memref<1x128xf32, #tpu.memory_space<vmem>>, %arg11: memref<2x128xf32, #tpu.memory_space<vmem>>, %arg12: memref<2x128xf32, #tpu.memory_space<vmem>>) attributes {dimension_semantics = [#tpu.dimension_semantics<arbitrary>], iteration_bounds = array<i64: 50>, scalar_prefetch = 0 : i64, scratch_operands = 1 : i64, tpu.core_type = #tpu.core_type<tc>, window_params = [{transform_indices = @transform_0, window_bounds = array<i64: 1000, 128>}, {transform_indices = @transform_1, window_bounds = array<i64: 16000, 128>}, {transform_indices = @transform_2, window_bounds = array<i64: 16000, 16>}, {pipeline_mode = #tpu.pipeline_mode<synchronous>, transform_indices = @transform_3, window_bounds = array<i64: 128, 128>}, {pipeline_mode = #tpu.pipeline_mode<synchronous>, transform_indices = @transform_4, window_bounds = array<i64: 128, 128>}, {pipeline_mode = #tpu.pipeline_mode<synchronous>, transform_indices = @transform_5, window_bounds = array<i64: 128, 128>}, {pipeline_mode = #tpu.pipeline_mode<synchronous>, transform_indices = @transform_6, window_bounds = array<i64: 128, 128>}, {pipeline_mode = #tpu.pipeline_mode<synchronous>, transform_indices = @transform_7, window_bounds = array<i64: 16, 128>}, {pipeline_mode = #tpu.pipeline_mode<synchronous>, transform_indices = @transform_8, window_bounds = array<i64: 16, 128>}, {pipeline_mode = #tpu.pipeline_mode<synchronous>, transform_indices = @transform_9, window_bounds = array<i64: 1, 128>}, {pipeline_mode = #tpu.pipeline_mode<synchronous>, transform_indices = @transform_10, window_bounds = array<i64: 2, 128>}]} {
    %get3A = arith.constant 0 : index
    %get3A_0 = arith.constant 0 : index
    %get3A_1 = vector.load %arg1[%get3A, %get3A_0] : memref<1000x128xf32, #tpu.memory_space<vmem>>, vector<1000x128xf32>
    %convert_element_type3A = arith.truncf %get3A_1 : vector<1000x128xf32> to vector<1000x128xbf16>
    %get3A_2 = arith.constant 0 : index
    %get3A_3 = arith.constant 0 : index
    %get3A_4 = vector.load %arg4[%get3A_2, %get3A_3] : memref<128x128xbf16, #tpu.memory_space<vmem>>, vector<128x128xbf16>
    %dot_general3A = arith.constant dense<0.000000e+00> : vector<1000x128xf32>
    %dot_general3A_5 = tpu.matmul %convert_element_type3A, %get3A_4, %dot_general3A {dimension_numbers = #tpu.dot_dimension_numbers<[1], [0], [0], [1], [0, 0, 1, 1], [], []>, transpose_lhs_hint = false} : vector<1000x128xbf16>, vector<128x128xbf16>, vector<1000x128xf32> -> vector<1000x128xf32>
    %get3A_6 = arith.constant 0 : index
    %get3A_7 = arith.constant 0 : index
    %get3A_8 = vector.load %arg10[%get3A_6, %get3A_7] : memref<1x128xf32, #tpu.memory_space<vmem>>, vector<1x128xf32>
    %add3A = vector.broadcast %get3A_8 : vector<1x128xf32> to vector<1000x128xf32>
    %add3A_9 = arith.addf %dot_general3A_5, %add3A : vector<1000x128xf32>
    %get3A_10 = arith.constant 0 : index
    %get3A_11 = arith.constant 0 : index
    %get3A_12 = vector.load %arg2[%get3A_10, %get3A_11] : memref<16000x128xf32, #tpu.memory_space<vmem>>, vector<16000x128xf32>
    %convert_element_type3A_13 = arith.truncf %get3A_12 : vector<16000x128xf32> to vector<16000x128xbf16>
    %get3A_14 = arith.constant 0 : index
    %get3A_15 = arith.constant 0 : index
    %get3A_16 = vector.load %arg6[%get3A_14, %get3A_15] : memref<128x128xbf16, #tpu.memory_space<vmem>>, vector<128x128xbf16>
    %dot_general3A_17 = arith.constant dense<0.000000e+00> : vector<16000x128xf32>
    %dot_general3A_18 = tpu.matmul %convert_element_type3A_13, %get3A_16, %dot_general3A_17 {dimension_numbers = #tpu.dot_dimension_numbers<[1], [0], [0], [1], [0, 0, 1, 1], [], []>, transpose_lhs_hint = false} : vector<16000x128xbf16>, vector<128x128xbf16>, vector<16000x128xf32> -> vector<16000x128xf32>
    %get3A_19 = arith.constant 0 : index
    %get3A_20 = arith.constant 0 : index
    %get3A_21 = vector.load %arg3[%get3A_19, %get3A_20] : memref<16000x16xbf16, #tpu.memory_space<vmem>>, vector<16000x16xbf16>
    %get3A_22 = arith.constant 0 : index
    %get3A_23 = arith.constant 0 : index
    %get3A_24 = vector.load %arg8[%get3A_22, %get3A_23] : memref<16x128xbf16, #tpu.memory_space<vmem>>, vector<16x128xbf16>
    %dot_general3A_25 = arith.constant dense<0.000000e+00> : vector<16000x128xf32>
    %dot_general3A_26 = tpu.matmul %get3A_21, %get3A_24, %dot_general3A_25 {dimension_numbers = #tpu.dot_dimension_numbers<[1], [0], [0], [1], [0, 0, 1, 1], [], []>, transpose_lhs_hint = false} : vector<16000x16xbf16>, vector<16x128xbf16>, vector<16000x128xf32> -> vector<16000x128xf32>
    %add3A_27 = arith.addf %dot_general3A_18, %dot_general3A_26 : vector<16000x128xf32>
    %reshape3A = vector.shape_cast %add3A_27 : vector<16000x128xf32> to vector<1000x16x128xf32>
    %broadcast_in_dim3A = vector.shape_cast %add3A_9 : vector<1000x128xf32> to vector<1000x1x128xf32>
    %add3A_28 = vector.broadcast %broadcast_in_dim3A : vector<1000x1x128xf32> to vector<1000x16x128xf32>
    %add3A_29 = arith.addf %reshape3A, %add3A_28 : vector<1000x16x128xf32>
    %reduce_sum3A = arith.constant dense<0.000000e+00> : vector<128xf32>
    %reduce_sum3A_30 = vector.multi_reduction <add>, %add3A_29, %reduce_sum3A [0, 1] : vector<1000x16x128xf32> to vector<128xf32>
    %broadcast_in_dim3A_31 = vector.shape_cast %reduce_sum3A_30 : vector<128xf32> to vector<1x128xf32>
    %mul3A = arith.mulf %add3A_29, %add3A_29 : vector<1000x16x128xf32>
    %reduce_sum3A_32 = arith.constant dense<0.000000e+00> : vector<128xf32>
    %reduce_sum3A_33 = vector.multi_reduction <add>, %mul3A, %reduce_sum3A_32 [0, 1] : vector<1000x16x128xf32> to vector<128xf32>
    %broadcast_in_dim3A_34 = vector.shape_cast %reduce_sum3A_33 : vector<128xf32> to vector<1x128xf32>
    %eq3A = arith.constant 0 : i32
    %eq3A_35 = arith.cmpi eq, %arg0, %eq3A : i32
    %convert_element_type3A_36 = arith.extui %eq3A_35 : i1 to i32
    %cond3A = arith.constant 0 : i32
    %cond3A_37 = arith.cmpi ne, %convert_element_type3A_36, %cond3A : i32
    scf.if %cond3A_37 {
      %broadcast_in_dim3A_49 = arith.constant 0.000000e+00 : f32
      %broadcast_in_dim3A_50 = vector.broadcast %broadcast_in_dim3A_49 : f32 to vector<2x128xf32>
      %swap3A_51 = arith.constant 0 : index
      %swap3A_52 = arith.constant 0 : index
      %swap3A_53 = vector.load %arg12[%swap3A_51, %swap3A_52] : memref<2x128xf32, #tpu.memory_space<vmem>>, vector<2x128xf32>
      tpu.vector_store %arg12[%swap3A_51, %swap3A_52], %broadcast_in_dim3A_50 {strides = array<i32>} : memref<2x128xf32, #tpu.memory_space<vmem>>, vector<2x128xf32>,
    } else {
    }
    %get3A_38 = arith.constant 0 : index
    %get3A_39 = arith.constant 0 : index
    %get3A_40 = vector.load %arg12[%get3A_38, %get3A_39] : memref<2x128xf32, #tpu.memory_space<vmem>>, vector<2x128xf32>
    %concatenate3A = tpu.concatenate %broadcast_in_dim3A_31, %broadcast_in_dim3A_34 in 0 : vector<1x128xf32>, vector<1x128xf32> -> vector<2x128xf32>
    %add3A_41 = arith.addf %get3A_40, %concatenate3A : vector<2x128xf32>
    %swap3A = arith.constant 0 : index
    %swap3A_42 = arith.constant 0 : index
    %swap3A_43 = vector.load %arg12[%swap3A, %swap3A_42] : memref<2x128xf32, #tpu.memory_space<vmem>>, vector<2x128xf32>
    tpu.vector_store %arg12[%swap3A, %swap3A_42], %add3A_41 {strides = array<i32>} : memref<2x128xf32, #tpu.memory_space<vmem>>, vector<2x128xf32>,
    %eq3A_44 = arith.constant 49 : i32
    %eq3A_45 = arith.cmpi eq, %arg0, %eq3A_44 : i32
    %convert_element_type3A_46 = arith.extui %eq3A_45 : i1 to i32
    %cond3A_47 = arith.constant 0 : i32
    %cond3A_48 = arith.cmpi ne, %convert_element_type3A_46, %cond3A_47 : i32
    scf.if %cond3A_48 {
      %get3A_49 = arith.constant 0 : index
      %get3A_50 = arith.constant 0 : index
      %get3A_51 = vector.load %arg12[%get3A_49, %get3A_50] : memref<2x128xf32, #tpu.memory_space<vmem>>, vector<2x128xf32>
      %swap3A_52 = arith.constant 0 : index
      %swap3A_53 = arith.constant 0 : index
      %swap3A_54 = vector.load %arg11[%swap3A_52, %swap3A_53] : memref<2x128xf32, #tpu.memory_space<vmem>>, vector<2x128xf32>
      tpu.vector_store %arg11[%swap3A_52, %swap3A_53], %get3A_51 {strides = array<i32>} : memref<2x128xf32, #tpu.memory_space<vmem>>, vector<2x128xf32>,
    } else {
    }
    return
  }
  func.func @transform_0(%arg0: i32) -> (i32, i32) {
    %c0_i32 = arith.constant 0 : i32
    %c0_i32_0 = arith.constant 0 : i32
    return %arg0, %c0_i32 : i32, i32
  }
  func.func @transform_1(%arg0: i32) -> (i32, i32) {
    %c0_i32 = arith.constant 0 : i32
    %c0_i32_0 = arith.constant 0 : i32
    return %arg0, %c0_i32 : i32, i32
  }
  func.func @transform_2(%arg0: i32) -> (i32, i32) {
    %c0_i32 = arith.constant 0 : i32
    %c0_i32_0 = arith.constant 0 : i32
    return %arg0, %c0_i32 : i32, i32
  }
  func.func @transform_3(%arg0: i32) -> (i32, i32) {
    %c0_i32 = arith.constant 0 : i32
    %c0_i32_0 = arith.constant 0 : i32
    %c0_i32_1 = arith.constant 0 : i32
    return %c0_i32, %c0_i32_0 : i32, i32
  }
  func.func @transform_4(%arg0: i32) -> (i32, i32) {
    %c0_i32 = arith.constant 0 : i32
    %c0_i32_0 = arith.constant 0 : i32
    %c0_i32_1 = arith.constant 0 : i32
    return %c0_i32, %c0_i32_0 : i32, i32
  }
  func.func @transform_5(%arg0: i32) -> (i32, i32) {
    %c0_i32 = arith.constant 0 : i32
    %c0_i32_0 = arith.constant 0 : i32
    %c0_i32_1 = arith.constant 0 : i32
    return %c0_i32, %c0_i32_0 : i32, i32
  }
  func.func @transform_6(%arg0: i32) -> (i32, i32) {
    %c0_i32 = arith.constant 0 : i32
    %c0_i32_0 = arith.constant 0 : i32
    %c0_i32_1 = arith.constant 0 : i32
    return %c0_i32, %c0_i32_0 : i32, i32
  }
  func.func @transform_7(%arg0: i32) -> (i32, i32) {
    %c0_i32 = arith.constant 0 : i32
    %c0_i32_0 = arith.constant 0 : i32
    %c0_i32_1 = arith.constant 0 : i32
    return %c0_i32, %c0_i32_0 : i32, i32
  }
  func.func @transform_8(%arg0: i32) -> (i32, i32) {
    %c0_i32 = arith.constant 0 : i32
    %c0_i32_0 = arith.constant 0 : i32
    %c0_i32_1 = arith.constant 0 : i32
    return %c0_i32, %c0_i32_0 : i32, i32
  }
  func.func @transform_9(%arg0: i32) -> (i32, i32) {
    %c0_i32 = arith.constant 0 : i32
    %c0_i32_0 = arith.constant 0 : i32
    %c0_i32_1 = arith.constant 0 : i32
    return %c0_i32, %c0_i32_0 : i32, i32
  }
  func.func @transform_10(%arg0: i32) -> (i32, i32) {
    %c0_i32 = arith.constant 0 : i32
    %c0_i32_0 = arith.constant 0 : i32
    %c0_i32_1 = arith.constant 0 : i32
    return %c0_i32, %c0_i32_0 : i32, i32
  }
}

module attributes {stable_mosaic.version = 14 : i64} {
  func.func @_pass2_k(%arg0: i32, %arg1: memref<1000x128xf32, #tpu.memory_space<vmem>>, %arg2: memref<16000x128xf32, #tpu.memory_space<vmem>>, %arg3: memref<16000x16xbf16, #tpu.memory_space<vmem>>, %arg4: memref<128x128xbf16, #tpu.memory_space<vmem>>, %arg5: memref<128x128xbf16, #tpu.memory_space<vmem>>, %arg6: memref<128x128xbf16, #tpu.memory_space<vmem>>, %arg7: memref<128x128xbf16, #tpu.memory_space<vmem>>, %arg8: memref<16x128xbf16, #tpu.memory_space<vmem>>, %arg9: memref<16x128xbf16, #tpu.memory_space<vmem>>, %arg10: memref<1x128xf32, #tpu.memory_space<vmem>>, %arg11: memref<1x128xf32, #tpu.memory_space<vmem>>, %arg12: memref<1x128xf32, #tpu.memory_space<vmem>>, %arg13: memref<1000x64xf32, #tpu.memory_space<vmem>>, %arg14: memref<2x64xf32, #tpu.memory_space<vmem>>, %arg15: memref<2x64xf32, #tpu.memory_space<vmem>>) attributes {dimension_semantics = [#tpu.dimension_semantics<arbitrary>], iteration_bounds = array<i64: 50>, scalar_prefetch = 0 : i64, scratch_operands = 1 : i64, tpu.core_type = #tpu.core_type<tc>, window_params = [{transform_indices = @transform_0, window_bounds = array<i64: 1000, 128>}, {transform_indices = @transform_1, window_bounds = array<i64: 16000, 128>}, {transform_indices = @transform_2, window_bounds = array<i64: 16000, 16>}, {pipeline_mode = #tpu.pipeline_mode<synchronous>, transform_indices = @transform_3, window_bounds = array<i64: 128, 128>}, {pipeline_mode = #tpu.pipeline_mode<synchronous>, transform_indices = @transform_4, window_bounds = array<i64: 128, 128>}, {pipeline_mode = #tpu.pipeline_mode<synchronous>, transform_indices = @transform_5, window_bounds = array<i64: 128, 128>}, {pipeline_mode = #tpu.pipeline_mode<synchronous>, transform_indices = @transform_6, window_bounds = array<i64: 128, 128>}, {pipeline_mode = #tpu.pipeline_mode<synchronous>, transform_indices = @transform_7, window_bounds = array<i64: 16, 128>}, {pipeline_mode = #tpu.pipeline_mode<synchronous>, transform_indices = @transform_8, window_bounds = array<i64: 16, 128>}, {pipeline_mode = #tpu.pipeline_mode<synchronous>, transform_indices = @transform_9, window_bounds = array<i64: 1, 128>}, {pipeline_mode = #tpu.pipeline_mode<synchronous>, transform_indices = @transform_10, window_bounds = array<i64: 1, 128>}, {pipeline_mode = #tpu.pipeline_mode<synchronous>, transform_indices = @transform_11, window_bounds = array<i64: 1, 128>}, {transform_indices = @transform_12, window_bounds = array<i64: 1000, 64>}, {pipeline_mode = #tpu.pipeline_mode<synchronous>, transform_indices = @transform_13, window_bounds = array<i64: 2, 64>}]} {
    %get3A = arith.constant 0 : index
    %get3A_0 = arith.constant 0 : index
    %get3A_1 = vector.load %arg1[%get3A, %get3A_0] : memref<1000x128xf32, #tpu.memory_space<vmem>>, vector<1000x128xf32>
    %convert_element_type3A = arith.truncf %get3A_1 : vector<1000x128xf32> to vector<1000x128xbf16>
    %get3A_2 = arith.constant 0 : index
    %get3A_3 = arith.constant 0 : index
    %get3A_4 = vector.load %arg4[%get3A_2, %get3A_3] : memref<128x128xbf16, #tpu.memory_space<vmem>>, vector<128x128xbf16>
    %dot_general3A = arith.constant dense<0.000000e+00> : vector<1000x128xf32>
    %dot_general3A_5 = tpu.matmul %convert_element_type3A, %get3A_4, %dot_general3A {dimension_numbers = #tpu.dot_dimension_numbers<[1], [0], [0], [1], [0, 0, 1, 1], [], []>, transpose_lhs_hint = false} : vector<1000x128xbf16>, vector<128x128xbf16>, vector<1000x128xf32> -> vector<1000x128xf32>
    %get3A_6 = arith.constant 0 : index
    %get3A_7 = arith.constant 0 : index
    %get3A_8 = vector.load %arg10[%get3A_6, %get3A_7] : memref<1x128xf32, #tpu.memory_space<vmem>>, vector<1x128xf32>
    %add3A = vector.broadcast %get3A_8 : vector<1x128xf32> to vector<1000x128xf32>
    %add3A_9 = arith.addf %dot_general3A_5, %add3A : vector<1000x128xf32>
    %get3A_10 = arith.constant 0 : index
    %get3A_11 = arith.constant 0 : index
    %get3A_12 = vector.load %arg2[%get3A_10, %get3A_11] : memref<16000x128xf32, #tpu.memory_space<vmem>>, vector<16000x128xf32>
    %convert_element_type3A_13 = arith.truncf %get3A_12 : vector<16000x128xf32> to vector<16000x128xbf16>
    %get3A_14 = arith.constant 0 : index
    %get3A_15 = arith.constant 0 : index
    %get3A_16 = vector.load %arg6[%get3A_14, %get3A_15] : memref<128x128xbf16, #tpu.memory_space<vmem>>, vector<128x128xbf16>
    %dot_general3A_17 = arith.constant dense<0.000000e+00> : vector<16000x128xf32>
    %dot_general3A_18 = tpu.matmul %convert_element_type3A_13, %get3A_16, %dot_general3A_17 {dimension_numbers = #tpu.dot_dimension_numbers<[1], [0], [0], [1], [0, 0, 1, 1], [], []>, transpose_lhs_hint = false} : vector<16000x128xbf16>, vector<128x128xbf16>, vector<16000x128xf32> -> vector<16000x128xf32>
    %get3A_19 = arith.constant 0 : index
    %get3A_20 = arith.constant 0 : index
    %get3A_21 = vector.load %arg3[%get3A_19, %get3A_20] : memref<16000x16xbf16, #tpu.memory_space<vmem>>, vector<16000x16xbf16>
    %get3A_22 = arith.constant 0 : index
    %get3A_23 = arith.constant 0 : index
    %get3A_24 = vector.load %arg8[%get3A_22, %get3A_23] : memref<16x128xbf16, #tpu.memory_space<vmem>>, vector<16x128xbf16>
    %dot_general3A_25 = arith.constant dense<0.000000e+00> : vector<16000x128xf32>
    %dot_general3A_26 = tpu.matmul %get3A_21, %get3A_24, %dot_general3A_25 {dimension_numbers = #tpu.dot_dimension_numbers<[1], [0], [0], [1], [0, 0, 1, 1], [], []>, transpose_lhs_hint = false} : vector<16000x16xbf16>, vector<16x128xbf16>, vector<16000x128xf32> -> vector<16000x128xf32>
    %add3A_27 = arith.addf %dot_general3A_18, %dot_general3A_26 : vector<16000x128xf32>
    %reshape3A = vector.shape_cast %add3A_27 : vector<16000x128xf32> to vector<1000x16x128xf32>
    %broadcast_in_dim3A = vector.shape_cast %add3A_9 : vector<1000x128xf32> to vector<1000x1x128xf32>
    %add3A_28 = vector.broadcast %broadcast_in_dim3A : vector<1000x1x128xf32> to vector<1000x16x128xf32>
    %add3A_29 = arith.addf %reshape3A, %add3A_28 : vector<1000x16x128xf32>
    %get3A_30 = arith.constant 0 : index
    %get3A_31 = arith.constant 0 : index
    %get3A_32 = vector.load %arg11[%get3A_30, %get3A_31] : memref<1x128xf32, #tpu.memory_space<vmem>>, vector<1x128xf32>
    %broadcast_in_dim3A_33 = vector.shape_cast %get3A_32 : vector<1x128xf32> to vector<1x1x128xf32>
    %mul3A = vector.broadcast %broadcast_in_dim3A_33 : vector<1x1x128xf32> to vector<1000x16x128xf32>
    %mul3A_34 = arith.mulf %add3A_29, %mul3A : vector<1000x16x128xf32>
    %get3A_35 = arith.constant 0 : index
    %get3A_36 = arith.constant 0 : index
    %get3A_37 = vector.load %arg12[%get3A_35, %get3A_36] : memref<1x128xf32, #tpu.memory_space<vmem>>, vector<1x128xf32>
    %broadcast_in_dim3A_38 = vector.shape_cast %get3A_37 : vector<1x128xf32> to vector<1x1x128xf32>
    %add3A_39 = vector.broadcast %broadcast_in_dim3A_38 : vector<1x1x128xf32> to vector<1000x16x128xf32>
    %add3A_40 = arith.addf %mul3A_34, %add3A_39 : vector<1000x16x128xf32>
    %slice3A = vector.extract_strided_slice %add3A_40 {offsets = [0, 0, 0], sizes = [1000, 16, 64], strides = [1, 1, 1]} : vector<1000x16x128xf32> to vector<1000x16x64xf32>
    %logistic3A = arith.negf %slice3A : vector<1000x16x64xf32>
    %logistic3A_41 = math.exp %logistic3A : vector<1000x16x64xf32>
    %logistic3A_42 = arith.constant 1.000000e+00 : f32
    %logistic3A_43 = vector.broadcast %logistic3A_42 : f32 to vector<1000x16x64xf32>
    %logistic3A_44 = arith.addf %logistic3A_43, %logistic3A_41 : vector<1000x16x64xf32>
    %logistic3A_45 = arith.divf %logistic3A_43, %logistic3A_44 : vector<1000x16x64xf32>
    %slice3A_46 = vector.extract_strided_slice %add3A_40 {offsets = [0, 0, 64], sizes = [1000, 16, 64], strides = [1, 1, 1]} : vector<1000x16x128xf32> to vector<1000x16x64xf32>
    %custom_jvp_call3A = arith.constant 0.000000e+00 : f32
    %max3A = vector.broadcast %custom_jvp_call3A : f32 to vector<1000x16x64xf32>
    %max3A_47 = arith.maximumf %slice3A_46, %max3A : vector<1000x16x64xf32>
    %sub3A = vector.broadcast %custom_jvp_call3A : f32 to vector<1000x16x64xf32>
    %sub3A_48 = arith.subf %slice3A_46, %sub3A : vector<1000x16x64xf32>
    %ne3A = arith.cmpf one, %sub3A_48, %sub3A_48 : vector<1000x16x64xf32>
    %add3A_49 = vector.broadcast %custom_jvp_call3A : f32 to vector<1000x16x64xf32>
    %add3A_50 = arith.addf %slice3A_46, %add3A_49 : vector<1000x16x64xf32>
    %abs3A = math.absf %sub3A_48 : vector<1000x16x64xf32>
    %neg3A = arith.constant 0.000000e+00 : f32
    %neg3A_51 = vector.broadcast %neg3A : f32 to vector<1000x16x64xf32>
    %neg3A_52 = arith.subf %neg3A_51, %abs3A : vector<1000x16x64xf32>
    %exp3A = math.exp %neg3A_52 : vector<1000x16x64xf32>
    %log1p3A = math.log1p %exp3A : vector<1000x16x64xf32>
    %add3A_53 = arith.addf %max3A_47, %log1p3A : vector<1000x16x64xf32>
    %select_n3A = arith.select %ne3A, %add3A_50, %add3A_53 : vector<1000x16x64xi1>, vector<1000x16x64xf32>
    %mul3A_54 = arith.mulf %logistic3A_45, %select_n3A : vector<1000x16x64xf32>
    %reduce_sum3A = arith.constant dense<0.000000e+00> : vector<1000x64xf32>
    %reduce_sum3A_55 = vector.multi_reduction <add>, %mul3A_54, %reduce_sum3A [1] : vector<1000x16x64xf32> to vector<1000x64xf32>
    %swap3A = arith.constant 0 : index
    %swap3A_56 = arith.constant 0 : index
    %swap3A_57 = vector.load %arg13[%swap3A, %swap3A_56] : memref<1000x64xf32, #tpu.memory_space<vmem>>, vector<1000x64xf32>
    tpu.vector_store %arg13[%swap3A, %swap3A_56], %reduce_sum3A_55 {strides = array<i32>} : memref<1000x64xf32, #tpu.memory_space<vmem>>, vector<1000x64xf32>,
    %reduce_sum3A_58 = arith.constant dense<0.000000e+00> : vector<64xf32>
    %reduce_sum3A_59 = vector.multi_reduction <add>, %reduce_sum3A_55, %reduce_sum3A_58 [0] : vector<1000x64xf32> to vector<64xf32>
    %broadcast_in_dim3A_60 = vector.shape_cast %reduce_sum3A_59 : vector<64xf32> to vector<1x64xf32>
    %mul3A_61 = arith.mulf %reduce_sum3A_55, %reduce_sum3A_55 : vector<1000x64xf32>
    %reduce_sum3A_62 = arith.constant dense<0.000000e+00> : vector<64xf32>
    %reduce_sum3A_63 = vector.multi_reduction <add>, %mul3A_61, %reduce_sum3A_62 [0] : vector<1000x64xf32> to vector<64xf32>
    %broadcast_in_dim3A_64 = vector.shape_cast %reduce_sum3A_63 : vector<64xf32> to vector<1x64xf32>
    %eq3A = arith.constant 0 : i32
    %eq3A_65 = arith.cmpi eq, %arg0, %eq3A : i32
    %convert_element_type3A_66 = arith.extui %eq3A_65 : i1 to i32
    %cond3A = arith.constant 0 : i32
    %cond3A_67 = arith.cmpi ne, %convert_element_type3A_66, %cond3A : i32
    scf.if %cond3A_67 {
      %broadcast_in_dim3A_80 = arith.constant 0.000000e+00 : f32
      %broadcast_in_dim3A_81 = vector.broadcast %broadcast_in_dim3A_80 : f32 to vector<2x64xf32>
      %swap3A_82 = arith.constant 0 : index
      %swap3A_83 = arith.constant 0 : index
      %swap3A_84 = vector.load %arg15[%swap3A_82, %swap3A_83] : memref<2x64xf32, #tpu.memory_space<vmem>>, vector<2x64xf32>
      tpu.vector_store %arg15[%swap3A_82, %swap3A_83], %broadcast_in_dim3A_81 {strides = array<i32>} : memref<2x64xf32, #tpu.memory_space<vmem>>, vector<2x64xf32>,
    } else {
    }
    %get3A_68 = arith.constant 0 : index
    %get3A_69 = arith.constant 0 : index
    %get3A_70 = vector.load %arg15[%get3A_68, %get3A_69] : memref<2x64xf32, #tpu.memory_space<vmem>>, vector<2x64xf32>
    %concatenate3A = tpu.concatenate %broadcast_in_dim3A_60, %broadcast_in_dim3A_64 in 0 : vector<1x64xf32>, vector<1x64xf32> -> vector<2x64xf32>
    %add3A_71 = arith.addf %get3A_70, %concatenate3A : vector<2x64xf32>
    %swap3A_72 = arith.constant 0 : index
    %swap3A_73 = arith.constant 0 : index
    %swap3A_74 = vector.load %arg15[%swap3A_72, %swap3A_73] : memref<2x64xf32, #tpu.memory_space<vmem>>, vector<2x64xf32>
    tpu.vector_store %arg15[%swap3A_72, %swap3A_73], %add3A_71 {strides = array<i32>} : memref<2x64xf32, #tpu.memory_space<vmem>>, vector<2x64xf32>,
    %eq3A_75 = arith.constant 49 : i32
    %eq3A_76 = arith.cmpi eq, %arg0, %eq3A_75 : i32
    %convert_element_type3A_77 = arith.extui %eq3A_76 : i1 to i32
    %cond3A_78 = arith.constant 0 : i32
    %cond3A_79 = arith.cmpi ne, %convert_element_type3A_77, %cond3A_78 : i32
    scf.if %cond3A_79 {
      %get3A_80 = arith.constant 0 : index
      %get3A_81 = arith.constant 0 : index
      %get3A_82 = vector.load %arg15[%get3A_80, %get3A_81] : memref<2x64xf32, #tpu.memory_space<vmem>>, vector<2x64xf32>
      %swap3A_83 = arith.constant 0 : index
      %swap3A_84 = arith.constant 0 : index
      %swap3A_85 = vector.load %arg14[%swap3A_83, %swap3A_84] : memref<2x64xf32, #tpu.memory_space<vmem>>, vector<2x64xf32>
      tpu.vector_store %arg14[%swap3A_83, %swap3A_84], %get3A_82 {strides = array<i32>} : memref<2x64xf32, #tpu.memory_space<vmem>>, vector<2x64xf32>,
    } else {
    }
    return
  }
  func.func @transform_0(%arg0: i32) -> (i32, i32) {
    %c0_i32 = arith.constant 0 : i32
    %c0_i32_0 = arith.constant 0 : i32
    return %arg0, %c0_i32 : i32, i32
  }
  func.func @transform_1(%arg0: i32) -> (i32, i32) {
    %c0_i32 = arith.constant 0 : i32
    %c0_i32_0 = arith.constant 0 : i32
    return %arg0, %c0_i32 : i32, i32
  }
  func.func @transform_2(%arg0: i32) -> (i32, i32) {
    %c0_i32 = arith.constant 0 : i32
    %c0_i32_0 = arith.constant 0 : i32
    return %arg0, %c0_i32 : i32, i32
  }
  func.func @transform_3(%arg0: i32) -> (i32, i32) {
    %c0_i32 = arith.constant 0 : i32
    %c0_i32_0 = arith.constant 0 : i32
    %c0_i32_1 = arith.constant 0 : i32
    return %c0_i32, %c0_i32_0 : i32, i32
  }
  func.func @transform_4(%arg0: i32) -> (i32, i32) {
    %c0_i32 = arith.constant 0 : i32
    %c0_i32_0 = arith.constant 0 : i32
    %c0_i32_1 = arith.constant 0 : i32
    return %c0_i32, %c0_i32_0 : i32, i32
  }
  func.func @transform_5(%arg0: i32) -> (i32, i32) {
    %c0_i32 = arith.constant 0 : i32
    %c0_i32_0 = arith.constant 0 : i32
    %c0_i32_1 = arith.constant 0 : i32
    return %c0_i32, %c0_i32_0 : i32, i32
  }
  func.func @transform_6(%arg0: i32) -> (i32, i32) {
    %c0_i32 = arith.constant 0 : i32
    %c0_i32_0 = arith.constant 0 : i32
    %c0_i32_1 = arith.constant 0 : i32
    return %c0_i32, %c0_i32_0 : i32, i32
  }
  func.func @transform_7(%arg0: i32) -> (i32, i32) {
    %c0_i32 = arith.constant 0 : i32
    %c0_i32_0 = arith.constant 0 : i32
    %c0_i32_1 = arith.constant 0 : i32
    return %c0_i32, %c0_i32_0 : i32, i32
  }
  func.func @transform_8(%arg0: i32) -> (i32, i32) {
    %c0_i32 = arith.constant 0 : i32
    %c0_i32_0 = arith.constant 0 : i32
    %c0_i32_1 = arith.constant 0 : i32
    return %c0_i32, %c0_i32_0 : i32, i32
  }
  func.func @transform_9(%arg0: i32) -> (i32, i32) {
    %c0_i32 = arith.constant 0 : i32
    %c0_i32_0 = arith.constant 0 : i32
    %c0_i32_1 = arith.constant 0 : i32
    return %c0_i32, %c0_i32_0 : i32, i32
  }
  func.func @transform_10(%arg0: i32) -> (i32, i32) {
    %c0_i32 = arith.constant 0 : i32
    %c0_i32_0 = arith.constant 0 : i32
    %c0_i32_1 = arith.constant 0 : i32
    return %c0_i32, %c0_i32_0 : i32, i32
  }
  func.func @transform_11(%arg0: i32) -> (i32, i32) {
    %c0_i32 = arith.constant 0 : i32
    %c0_i32_0 = arith.constant 0 : i32
    %c0_i32_1 = arith.constant 0 : i32
    return %c0_i32, %c0_i32_0 : i32, i32
  }
  func.func @transform_12(%arg0: i32) -> (i32, i32) {
    %c0_i32 = arith.constant 0 : i32
    %c0_i32_0 = arith.constant 0 : i32
    return %arg0, %c0_i32 : i32, i32
  }
  func.func @transform_13(%arg0: i32) -> (i32, i32) {
    %c0_i32 = arith.constant 0 : i32
    %c0_i32_0 = arith.constant 0 : i32
    %c0_i32_1 = arith.constant 0 : i32
    return %c0_i32, %c0_i32_0 : i32, i32
  }
}

module attributes {stable_mosaic.version = 14 : i64} {
  func.func @_pass3_k(%arg0: i32, %arg1: memref<1000x128xf32, #tpu.memory_space<vmem>>, %arg2: memref<1000x64xf32, #tpu.memory_space<vmem>>, %arg3: memref<1x64xf32, #tpu.memory_space<vmem>>, %arg4: memref<1x64xf32, #tpu.memory_space<vmem>>, %arg5: memref<1000x128xf32, #tpu.memory_space<vmem>>) attributes {dimension_semantics = [#tpu.dimension_semantics<arbitrary>], iteration_bounds = array<i64: 50>, scalar_prefetch = 0 : i64, scratch_operands = 0 : i64, tpu.core_type = #tpu.core_type<tc>, window_params = [{transform_indices = @transform_0, window_bounds = array<i64: 1000, 128>}, {transform_indices = @transform_1, window_bounds = array<i64: 1000, 64>}, {pipeline_mode = #tpu.pipeline_mode<synchronous>, transform_indices = @transform_2, window_bounds = array<i64: 1, 64>}, {pipeline_mode = #tpu.pipeline_mode<synchronous>, transform_indices = @transform_3, window_bounds = array<i64: 1, 64>}, {transform_indices = @transform_4, window_bounds = array<i64: 1000, 128>}]} {
    %get3A = arith.constant 0 : index
    %get3A_0 = arith.constant 0 : index
    %get3A_1 = vector.load %arg1[%get3A, %get3A_0] : memref<1000x128xf32, #tpu.memory_space<vmem>>, vector<1000x64xf32>
    %get3A_2 = arith.constant 0 : index
    %get3A_3 = arith.constant 0 : index
    %get3A_4 = vector.load %arg2[%get3A_2, %get3A_3] : memref<1000x64xf32, #tpu.memory_space<vmem>>, vector<1000x64xf32>
    %get3A_5 = arith.constant 0 : index
    %get3A_6 = arith.constant 0 : index
    %get3A_7 = vector.load %arg3[%get3A_5, %get3A_6] : memref<1x64xf32, #tpu.memory_space<vmem>>, vector<1x64xf32>
    %mul3A = vector.broadcast %get3A_7 : vector<1x64xf32> to vector<1000x64xf32>
    %mul3A_8 = arith.mulf %get3A_4, %mul3A : vector<1000x64xf32>
    %add3A = arith.addf %get3A_1, %mul3A_8 : vector<1000x64xf32>
    %get3A_9 = arith.constant 0 : index
    %get3A_10 = arith.constant 0 : index
    %get3A_11 = vector.load %arg4[%get3A_9, %get3A_10] : memref<1x64xf32, #tpu.memory_space<vmem>>, vector<1x64xf32>
    %add3A_12 = vector.broadcast %get3A_11 : vector<1x64xf32> to vector<1000x64xf32>
    %add3A_13 = arith.addf %add3A, %add3A_12 : vector<1000x64xf32>
    %custom_jvp_call3A = arith.constant 0.000000e+00 : f32
    %max3A = vector.broadcast %custom_jvp_call3A : f32 to vector<1000x64xf32>
    %max3A_14 = arith.maximumf %add3A_13, %max3A : vector<1000x64xf32>
    %sub3A = vector.broadcast %custom_jvp_call3A : f32 to vector<1000x64xf32>
    %sub3A_15 = arith.subf %add3A_13, %sub3A : vector<1000x64xf32>
    %ne3A = arith.cmpf one, %sub3A_15, %sub3A_15 : vector<1000x64xf32>
    %add3A_16 = vector.broadcast %custom_jvp_call3A : f32 to vector<1000x64xf32>
    %add3A_17 = arith.addf %add3A_13, %add3A_16 : vector<1000x64xf32>
    %abs3A = math.absf %sub3A_15 : vector<1000x64xf32>
    %neg3A = arith.constant 0.000000e+00 : f32
    %neg3A_18 = vector.broadcast %neg3A : f32 to vector<1000x64xf32>
    %neg3A_19 = arith.subf %neg3A_18, %abs3A : vector<1000x64xf32>
    %exp3A = math.exp %neg3A_19 : vector<1000x64xf32>
    %log1p3A = math.log1p %exp3A : vector<1000x64xf32>
    %add3A_20 = arith.addf %max3A_14, %log1p3A : vector<1000x64xf32>
    %select_n3A = arith.select %ne3A, %add3A_17, %add3A_20 : vector<1000x64xi1>, vector<1000x64xf32>
    %broadcast_in_dim3A = arith.constant 0.000000e+00 : f32
    %broadcast_in_dim3A_21 = vector.broadcast %broadcast_in_dim3A : f32 to vector<1000x64xf32>
    %concatenate3A = tpu.concatenate %select_n3A, %broadcast_in_dim3A_21 in 1 : vector<1000x64xf32>, vector<1000x64xf32> -> vector<1000x128xf32>
    %swap3A = arith.constant 0 : index
    %swap3A_22 = arith.constant 0 : index
    %swap3A_23 = vector.load %arg5[%swap3A, %swap3A_22] : memref<1000x128xf32, #tpu.memory_space<vmem>>, vector<1000x128xf32>
    tpu.vector_store %arg5[%swap3A, %swap3A_22], %concatenate3A {strides = array<i32>} : memref<1000x128xf32, #tpu.memory_space<vmem>>, vector<1000x128xf32>,
    return
  }
  func.func @transform_0(%arg0: i32) -> (i32, i32) {
    %c0_i32 = arith.constant 0 : i32
    %c0_i32_0 = arith.constant 0 : i32
    return %arg0, %c0_i32 : i32, i32
  }
  func.func @transform_1(%arg0: i32) -> (i32, i32) {
    %c0_i32 = arith.constant 0 : i32
    %c0_i32_0 = arith.constant 0 : i32
    return %arg0, %c0_i32 : i32, i32
  }
  func.func @transform_2(%arg0: i32) -> (i32, i32) {
    %c0_i32 = arith.constant 0 : i32
    %c0_i32_0 = arith.constant 0 : i32
    %c0_i32_1 = arith.constant 0 : i32
    return %c0_i32, %c0_i32_0 : i32, i32
  }
  func.func @transform_3(%arg0: i32) -> (i32, i32) {
    %c0_i32 = arith.constant 0 : i32
    %c0_i32_0 = arith.constant 0 : i32
    %c0_i32_1 = arith.constant 0 : i32
    return %c0_i32, %c0_i32_0 : i32, i32
  }
  func.func @transform_4(%arg0: i32) -> (i32, i32) {
    %c0_i32 = arith.constant 0 : i32
    %c0_i32_0 = arith.constant 0 : i32
    return %arg0, %c0_i32 : i32, i32
  }
}

module attributes {stable_mosaic.version = 14 : i64} {
  func.func @_final_k(%arg0: i32, %arg1: memref<10000x128xf32, #tpu.memory_space<vmem>>, %arg2: memref<64x128xf32, #tpu.memory_space<vmem>>, %arg3: memref<1x128xf32, #tpu.memory_space<vmem>>, %arg4: memref<128x1xf32, #tpu.memory_space<vmem>>, %arg5: memref<1x1xf32, #tpu.memory_space<vmem>>, %arg6: memref<200x1xf32, #tpu.memory_space<vmem>>, %arg7: memref<200x64xf32, #tpu.memory_space<vmem>>) attributes {dimension_semantics = [#tpu.dimension_semantics<arbitrary>], iteration_bounds = array<i64: 5>, scalar_prefetch = 0 : i64, scratch_operands = 0 : i64, tpu.core_type = #tpu.core_type<tc>, window_params = [{transform_indices = @transform_0, window_bounds = array<i64: 10000, 128>}, {pipeline_mode = #tpu.pipeline_mode<synchronous>, transform_indices = @transform_1, window_bounds = array<i64: 64, 128>}, {pipeline_mode = #tpu.pipeline_mode<synchronous>, transform_indices = @transform_2, window_bounds = array<i64: 1, 128>}, {pipeline_mode = #tpu.pipeline_mode<synchronous>, transform_indices = @transform_3, window_bounds = array<i64: 128, 1>}, {pipeline_mode = #tpu.pipeline_mode<synchronous>, transform_indices = @transform_4, window_bounds = array<i64: 1, 1>}, {transform_indices = @transform_5, window_bounds = array<i64: 200, 1>}, {transform_indices = @transform_6, window_bounds = array<i64: 200, 64>}]} {
    %get3A = arith.constant 0 : index
    %get3A_0 = arith.constant 0 : index
    %get3A_1 = vector.load %arg1[%get3A, %get3A_0] : memref<10000x128xf32, #tpu.memory_space<vmem>>, vector<10000x64xf32>
    %reshape3A = vector.shape_cast %get3A_1 : vector<10000x64xf32> to vector<200x50x64xf32>
    %reduce_sum3A = arith.constant dense<0.000000e+00> : vector<200x64xf32>
    %reduce_sum3A_2 = vector.multi_reduction <add>, %reshape3A, %reduce_sum3A [1] : vector<200x50x64xf32> to vector<200x64xf32>
    %div3A = arith.constant 5.000000e+01 : f32
    %div3A_3 = vector.broadcast %div3A : f32 to vector<200x64xf32>
    %div3A_4 = arith.divf %reduce_sum3A_2, %div3A_3 : vector<200x64xf32>
    %swap3A = arith.constant 0 : index
    %swap3A_5 = arith.constant 0 : index
    %swap3A_6 = vector.load %arg7[%swap3A, %swap3A_5] : memref<200x64xf32, #tpu.memory_space<vmem>>, vector<200x64xf32>
    tpu.vector_store %arg7[%swap3A, %swap3A_5], %div3A_4 {strides = array<i32>} : memref<200x64xf32, #tpu.memory_space<vmem>>, vector<200x64xf32>,
    %custom_jvp_call3A = arith.constant 0.000000e+00 : f32
    %max3A = vector.broadcast %custom_jvp_call3A : f32 to vector<200x64xf32>
    %max3A_7 = arith.maximumf %div3A_4, %max3A : vector<200x64xf32>
    %sub3A = vector.broadcast %custom_jvp_call3A : f32 to vector<200x64xf32>
    %sub3A_8 = arith.subf %div3A_4, %sub3A : vector<200x64xf32>
    %ne3A = arith.cmpf one, %sub3A_8, %sub3A_8 : vector<200x64xf32>
    %add3A = vector.broadcast %custom_jvp_call3A : f32 to vector<200x64xf32>
    %add3A_9 = arith.addf %div3A_4, %add3A : vector<200x64xf32>
    %abs3A = math.absf %sub3A_8 : vector<200x64xf32>
    %neg3A = arith.constant 0.000000e+00 : f32
    %neg3A_10 = vector.broadcast %neg3A : f32 to vector<200x64xf32>
    %neg3A_11 = arith.subf %neg3A_10, %abs3A : vector<200x64xf32>
    %exp3A = math.exp %neg3A_11 : vector<200x64xf32>
    %log1p3A = math.log1p %exp3A : vector<200x64xf32>
    %add3A_12 = arith.addf %max3A_7, %log1p3A : vector<200x64xf32>
    %select_n3A = arith.select %ne3A, %add3A_9, %add3A_12 : vector<200x64xi1>, vector<200x64xf32>
    %get3A_13 = arith.constant 0 : index
    %get3A_14 = arith.constant 0 : index
    %get3A_15 = vector.load %arg2[%get3A_13, %get3A_14] : memref<64x128xf32, #tpu.memory_space<vmem>>, vector<64x128xf32>
    %dot_general3A = arith.constant dense<0.000000e+00> : vector<200x128xf32>
    %dot_general3A_16 = tpu.matmul %select_n3A, %get3A_15, %dot_general3A {dimension_numbers = #tpu.dot_dimension_numbers<[1], [0], [0], [1], [0, 0, 1, 1], [], []>, transpose_lhs_hint = false} : vector<200x64xf32>, vector<64x128xf32>, vector<200x128xf32> -> vector<200x128xf32>
    %get3A_17 = arith.constant 0 : index
    %get3A_18 = arith.constant 0 : index
    %get3A_19 = vector.load %arg3[%get3A_17, %get3A_18] : memref<1x128xf32, #tpu.memory_space<vmem>>, vector<1x128xf32>
    %add3A_20 = vector.broadcast %get3A_19 : vector<1x128xf32> to vector<200x128xf32>
    %add3A_21 = arith.addf %dot_general3A_16, %add3A_20 : vector<200x128xf32>
    %custom_jvp_call3A_22 = arith.constant 0.000000e+00 : f32
    %max3A_23 = vector.broadcast %custom_jvp_call3A_22 : f32 to vector<200x128xf32>
    %max3A_24 = arith.maximumf %add3A_21, %max3A_23 : vector<200x128xf32>
    %sub3A_25 = vector.broadcast %custom_jvp_call3A_22 : f32 to vector<200x128xf32>
    %sub3A_26 = arith.subf %add3A_21, %sub3A_25 : vector<200x128xf32>
    %ne3A_27 = arith.cmpf one, %sub3A_26, %sub3A_26 : vector<200x128xf32>
    %add3A_28 = vector.broadcast %custom_jvp_call3A_22 : f32 to vector<200x128xf32>
    %add3A_29 = arith.addf %add3A_21, %add3A_28 : vector<200x128xf32>
    %abs3A_30 = math.absf %sub3A_26 : vector<200x128xf32>
    %neg3A_31 = arith.constant 0.000000e+00 : f32
    %neg3A_32 = vector.broadcast %neg3A_31 : f32 to vector<200x128xf32>
    %neg3A_33 = arith.subf %neg3A_32, %abs3A_30 : vector<200x128xf32>
    %exp3A_34 = math.exp %neg3A_33 : vector<200x128xf32>
    %log1p3A_35 = math.log1p %exp3A_34 : vector<200x128xf32>
    %add3A_36 = arith.addf %max3A_24, %log1p3A_35 : vector<200x128xf32>
    %select_n3A_37 = arith.select %ne3A_27, %add3A_29, %add3A_36 : vector<200x128xi1>, vector<200x128xf32>
    %get3A_38 = arith.constant 0 : index
    %get3A_39 = arith.constant 0 : index
    %get3A_40 = vector.load %arg4[%get3A_38, %get3A_39] : memref<128x1xf32, #tpu.memory_space<vmem>>, vector<128x1xf32>
    %dot_general3A_41 = arith.constant dense<0.000000e+00> : vector<200x1xf32>
    %dot_general3A_42 = tpu.matmul %select_n3A_37, %get3A_40, %dot_general3A_41 {dimension_numbers = #tpu.dot_dimension_numbers<[1], [0], [0], [1], [0, 0, 1, 1], [], []>, transpose_lhs_hint = false} : vector<200x128xf32>, vector<128x1xf32>, vector<200x1xf32> -> vector<200x1xf32>
    %get3A_43 = arith.constant 0 : index
    %get3A_44 = arith.constant 0 : index
    %get3A_45 = vector.load %arg5[%get3A_43, %get3A_44] : memref<1x1xf32, #tpu.memory_space<vmem>>, vector<1x1xf32>
    %add3A_46 = vector.broadcast %get3A_45 : vector<1x1xf32> to vector<200x1xf32>
    %add3A_47 = arith.addf %dot_general3A_42, %add3A_46 : vector<200x1xf32>
    %swap3A_48 = arith.constant 0 : index
    %swap3A_49 = arith.constant 0 : index
    %swap3A_50 = vector.load %arg6[%swap3A_48, %swap3A_49] : memref<200x1xf32, #tpu.memory_space<vmem>>, vector<200x1xf32>
    tpu.vector_store %arg6[%swap3A_48, %swap3A_49], %add3A_47 {strides = array<i32>} : memref<200x1xf32, #tpu.memory_space<vmem>>, vector<200x1xf32>,
    return
  }
  func.func @transform_0(%arg0: i32) -> (i32, i32) {
    %c0_i32 = arith.constant 0 : i32
    %c0_i32_0 = arith.constant 0 : i32
    return %arg0, %c0_i32 : i32, i32
  }
  func.func @transform_1(%arg0: i32) -> (i32, i32) {
    %c0_i32 = arith.constant 0 : i32
    %c0_i32_0 = arith.constant 0 : i32
    %c0_i32_1 = arith.constant 0 : i32
    return %c0_i32, %c0_i32_0 : i32, i32
  }
  func.func @transform_2(%arg0: i32) -> (i32, i32) {
    %c0_i32 = arith.constant 0 : i32
    %c0_i32_0 = arith.constant 0 : i32
    %c0_i32_1 = arith.constant 0 : i32
    return %c0_i32, %c0_i32_0 : i32, i32
  }
  func.func @transform_3(%arg0: i32) -> (i32, i32) {
    %c0_i32 = arith.constant 0 : i32
    %c0_i32_0 = arith.constant 0 : i32
    %c0_i32_1 = arith.constant 0 : i32
    return %c0_i32, %c0_i32_0 : i32, i32
  }
  func.func @transform_4(%arg0: i32) -> (i32, i32) {
    %c0_i32 = arith.constant 0 : i32
    %c0_i32_0 = arith.constant 0 : i32
    %c0_i32_1 = arith.constant 0 : i32
    return %c0_i32, %c0_i32_0 : i32, i32
  }
  func.func @transform_5(%arg0: i32) -> (i32, i32) {
    %c0_i32 = arith.constant 0 : i32
    %c0_i32_0 = arith.constant 0 : i32
    return %arg0, %c0_i32 : i32, i32
  }
  func.func @transform_6(%arg0: i32) -> (i32, i32) {
    %c0_i32 = arith.constant 0 : i32
    %c0_i32_0 = arith.constant 0 : i32
    return %arg0, %c0_i32 : i32, i32
  }
}

</mosaic_0001>

<sc_bundles>
// kernel: kernel.17.cloned.1.call-start
scs
__scs_entry_jumppad:
0x0: {  	(pc) =	sbr.rel $0x88, $3  }
0x1: {  	(tag) =	ssettag $0x0;
	lr =	simm.s32 $0x1  }
0x2: {  	[smem:$0x3F91] =	sst lr;
	_ =	strace $0xD0000000  }
0x3: {  	_ = 	snop  }
0x4: {  	_ = 	snop  }
0x5: {  	_ = 	snop  }
0x6: {  	_ = 	snop  }
0x7: {  	_ = 	snop  }
__scs_overlays_trampoline_lowered:
0x8: {  	[smem:$0x3FA0] =	sst s0  }
0x9: {  	[smem:$0x3FA1] =	sst s1  }
0xa: {  	[smem:$0x3FA2] =	sst s2  }
0xb: {  	[smem:$0x3FA3] =	sst s3  }
0xc: {  	[smem:$0x3FA4] =	sst s4  }
0xd: {  	[smem:$0x3FA5] =	sst s5  }
0xe: {  	[smem:$0x3FA6] =	sst s6  }
0xf: {  	[smem:$0x3FA7] =	sst s7  }
0x10: {  	[smem:$0x3FA8] =	sst s8  }
0x11: {  	[smem:$0x3FA9] =	sst s9;
	s0 =	simm.s32 @!p0 $0x0  }
0x12: {  	s1 =	sld [smem:$0x3F8F];
	s0 =	simm.s32 @p0 $0x1  }
0x13: {  	[smem:$0x3FAA] =	sst s0;
	s0 =	simm.s32 @!p1 $0x0  }
0x14: {  	s2 =	sld [smem:$0x3F8E];
	s0 =	simm.s32 @p1 $0x1  }
0x15: {  	[smem:$0x3FAB] =	sst s0;
	s0 =	simm.s32 @!p2 $0x0  }
0x16: {  	s3 =	sld [smem:$0x3FDB];
	s0 =	simm.s32 @p2 $0x1  }
0x17: {  	s4 =	simm.s32 $0x1BF5;
	[smem:$0x3FAD] =	sst s0  }
0x18: {  	s0 =	sld [smem:$0x3F90];
	_ =	swait.ge [sflag:s4], $0x0  }
0x19: {  	s7 =	sld [smem:$0x3F91]  }
0x1a: {  	s8 =	sadd.s32 $0xFFFFE003, lr  }
0x1b: {  	s9 =	sadd.s32 $0xFFFFFEF7, lr;
	s5 =	simm.s32 $0xFFFFFFFF;
	p2 =	slt.u32 s8, $0xFFFFF086  }
0x1c: {  	p1 =	slt.u32 s9, $0xF7A;
	s5 =	simm.s32 @!p2 $0x0  }
0x1d: {  	s5 =	simm.s32 @p1 $0x1;
	p0 =	seq.s32 s7, s2  }
0x1e: {  	s7 =	smul.u32 @!p0 $0xF7A, s2;
	p2 =	seq.s32 @!p0 s5, $0x0  }
0x1f: {  	s9 =	smul.u32 $0xF7A, s1;
	s8 =	simm.s32 @!p0 $0x1BF5;
	p2 =	por !p2, p0  }
0x20: {  	[sflag:s8] =	ssyncset.s32 @!p0 $0xFFFFF086;
	s6 =	sadd.s32 @!p0 s3, s7;
	s7 =	simm.s32 @!p0 $0x108  }
0x21: {  	s3 =	sadd.s32 s3, s9;
	s6 =	sadd.s32 @!p0 $0x88, s6;
	s7 =	simm.s32 @p2 $0x1082  }
0x22: {  	[simem:s7], [sflag:s8] =	dma.local @!p0 [hbm:s6], $0xF7A  }
0x23: {  	s9 =	sor.u32 $0xD0000000, s2;
	s6 =	simm.s32 $0x108;
	_ =	swait.ge @!p0 [sflag:s8], $0x0  }
0x24: {  	s3 =	sadd.s32 $0x88, s3;
	s6 =	simm.s32 @!p1 $0x1082;
	[sflag:s4] =	ssyncset.s32 $0xFFFFF086  }
0x25: {  	[simem:s6], [sflag:s4] =	dma.local [hbm:s3], $0xF7A  }
0x26: {  	[smem:$0x3F91] =	sst s1;
	(tag) =	ssettag s2;
	_ =	strace s9  }
0x27: {  	s1 =	sld [smem:$0x3FA1]  }
0x28: {  	s2 =	sld [smem:$0x3FA2]  }
0x29: {  	s4 =	sld [smem:$0x3FA4]  }
0x2a: {  	p0 =	seq.s32 s5, $0x0;
	s5 =	sld [smem:$0x3FA5]  }
0x2b: {  	s6 =	sld [smem:$0x3FA6]  }
0x2c: {  	s7 =	sld [smem:$0x3FA7]  }
0x2d: {  	s3 =	simm.s32 $0x108;
	s8 =	sld [smem:$0x3FA8]  }
0x2e: {  	s3 =	simm.s32 @!p0 $0x1082;
	s9 =	sld [smem:$0x3FA9]  }
0x2f: {  	lr =	sadd.s32 s0, s3;
	s0 =	sld [smem:$0x3FA0]  }
0x30: {  	s3 =	sld [smem:$0x3FA3]  }
0x31: {  	[smem:$0x3FAC] =	sst s10  }
0x32: {  	s10 =	sld [smem:$0x3FAA];
	_ =	sdelay $0x3  }
0x33: {  	p0 =	seq.s32 s10, $0x1;
	s10 =	sld [smem:$0x3FAC];
	_ =	sdelay $0x3  }
0x34: {  	[smem:$0x3FAC] =	sst s10  }
0x35: {  	s10 =	sld [smem:$0x3FAB];
	_ =	sdelay $0x3  }
0x36: {  	p1 =	seq.s32 s10, $0x1;
	s10 =	sld [smem:$0x3FAC];
	_ =	sdelay $0x3  }
0x37: {  	[smem:$0x3FAC] =	sst s10  }
0x38: {  	s10 =	sld [smem:$0x3FAD]  }
0x39: {  	_ = 	snop;
	(pc) =	sbr.ind lr, $3  }
0x3a: {  	_ = 	snop  }
0x3b: {  	_ = 	snop  }
0x3c: {  	p2 =	seq.s32 s10, $0x1;
	s10 =	sld [smem:$0x3FAC]  }
0x3d: {  	_ =	shalt  }
0x3e: {  	_ =	shalt  }
0x3f: {  	_ =	shalt  }
0x40: {  	_ =	shalt  }
0x41: {  	_ =	shalt  }
0x42: {  	_ =	shalt  }
0x43: {  	_ =	shalt  }
0x44: {  	_ =	shalt  }
0x45: {  	_ =	shalt  }
0x46: {  	_ =	shalt  }
0x47: {  	_ =	shalt  }
0x48: {  	_ =	shalt  }
0x49: {  	_ =	shalt  }
0x4a: {  	_ =	shalt  }
0x4b: {  	_ =	shalt  }
0x4c: {  	_ =	shalt  }
0x4d: {  	_ =	shalt  }
0x4e: {  	_ =	shalt  }
0x4f: {  	_ =	shalt  }
0x50: {  	_ =	shalt  }
0x51: {  	_ =	shalt  }
0x52: {  	_ =	shalt  }
0x53: {  	_ =	shalt  }
0x54: {  	_ =	shalt  }
0x55: {  	_ =	shalt  }
0x56: {  	_ =	shalt  }
0x57: {  	_ =	shalt  }
0x58: {  	_ =	shalt  }
0x59: {  	_ =	shalt  }
0x5a: {  	_ =	shalt  }
0x5b: {  	_ =	shalt  }
0x5c: {  	_ =	shalt  }
0x5d: {  	_ =	shalt  }
0x5e: {  	_ =	shalt  }
0x5f: {  	_ =	shalt  }
0x60: {  	_ =	shalt  }
0x61: {  	_ =	shalt  }
0x62: {  	_ =	shalt  }
0x63: {  	_ =	shalt  }
0x64: {  	_ =	shalt  }
0x65: {  	_ =	shalt  }
0x66: {  	_ =	shalt  }
0x67: {  	_ =	shalt  }
0x68: {  	_ =	shalt  }
0x69: {  	_ =	shalt  }
0x6a: {  	_ =	shalt  }
0x6b: {  	_ =	shalt  }
0x6c: {  	_ =	shalt  }
0x6d: {  	_ =	shalt  }
0x6e: {  	_ =	shalt  }
0x6f: {  	_ =	shalt  }
0x70: {  	_ =	shalt  }
0x71: {  	_ =	shalt  }
0x72: {  	_ =	shalt  }
0x73: {  	_ =	shalt  }
0x74: {  	_ =	shalt  }
0x75: {  	_ =	shalt  }
0x76: {  	_ =	shalt  }
0x77: {  	_ =	shalt  }
0x78: {  	_ =	shalt  }
0x79: {  	_ =	shalt  }
0x7a: {  	_ =	shalt  }
0x7b: {  	_ =	shalt  }
0x7c: {  	_ =	shalt  }
0x7d: {  	_ =	shalt  }
0x7e: {  	_ =	shalt  }
0x7f: {  	_ =	shalt  }
0x80: {  	_ =	shalt  }
0x81: {  	_ =	shalt  }
0x82: {  	_ =	shalt  }
0x83: {  	_ =	shalt  }
0x84: {  	_ =	shalt  }
0x85: {  	_ =	shalt  }
0x86: {  	_ =	shalt  }
0x87: {  	_ =	shalt  }
.Lfunc_end0:
.L_simem_size_0:
called_computation_lowered:
.L_overlay_start_0:
0x88: {  	s2 =	sld [smem:$0x3FD9]  }
0x89: {  	s3 =	sld [smem:$0x3FFE];
	_ =	sdelay $0x1  }
0x8a: {  	s1 =	srdreg.scid  }
0x8b: {  	s0 =	sand.u32 $0x1, s1  }
0x8c: {  	s16 =	sshll.u32 s0, $0xA;
	s2 =	sadd.s32 s3, s2  }
0x8d: {  	s2 =	sadd.s32 s2, s16  }
0x8e: {  	[smem:$0x3FB8] =	sst s2  }
0x8f: {  	_ = 	snop  }
0x90: {  	(tm) =	ssettm $0x1  }
0x91: {  	s17 =	sld [smem:$0x3FFB];
	_ =	sdelay $0x3  }
0x92: {  	_ =	strace s17  }
0x93: {  	s2 =	sld [smem:$0x3FFC];
	_ =	sdelay $0x3  }
0x94: {  	_ =	strace s2  }
0x95: {  	s2 =	sld [smem:$0x3FFD];
	_ =	sdelay $0x3  }
0x96: {  	_ =	strace s2  }
0x97: {  	_ =	strace $0x8FFFFFFF  }
0x98: {  	s18 =	sld [smem:$0x3FDB];
	_ =	sdelay $0x1  }
0x99: {  	s19 =	simm.s32 $_scs_section_size  }
0x9a: {  	s4 =	simm.s32 $_size__tile_overlayer_lowered;
	s5 =	simm.s32 $_tile_overlayer_lowered  }
0x9b: {  	s22 =	simm.s32 $0x1BFF;
	s21 =	sshll.u32 s5, $0x1;
	s2 =	sadd.s32 s19, s18  }
0x9c: {  	s6 =	simm.s32 $0x0;
	s20 =	sshll.u32 s4, $0x1;
	s4 =	sadd.s32 s21, s2  }
0x9d: {  	[timem:s6], [sflag:s22] =	dma.local [hbm:s4], s20  }
0x9e: {  	_ =	swait.ge [sflag:s22], s20  }
0x9f: {  	s3 =	ssub.s32 $0x0, s20;
	[sflag:s22] =	ssyncset.done $0x0  }
0xa0: {  	[sflag:s22] =	ssyncadd.s32 s3;
	_ =	sdelay $0x1  }
0xa1: {  	s23 =	simm.s32 $0x1B8B  }
0xa2: {  	_ =	swait.ge [sflag:s23], $0x1  }
0xa3: {  	[sflag:s23] =	ssyncset.done $0x0  }
0xa4: {  	s25 =	simm.s32 $0x1B8E;
	s24 =	sld [smem:$0x3FFE];
	[sflag:s23] =	ssyncadd.s32 $0xFFFFFFFF  }
0xa5: {  	s26 =	simm.s32 $execute0_lowered;
	[smem:$0x3FD2] =	sst s25  }
0xa6: {  	s4 =	sshll.u32 s26, $0x1;
	_ =	strace $0x80000046;
	[dreg:$0x1] =	wrdreg $0xFFFFFFFF  }
0xa7: {  	s28 =	simm.s32 $_size_execute0_lowered;
	s2 =	sadd.s32 s2, s4;
	[dreg:$0x0] =	wrdreg $0x0  }
0xa8: {  	s4 =	sshll.u32 s28, $0x1;
	[dreg:$0x2] =	wrdreg s2  }
0xa9: {  	[dreg:$0x3] =	wrdreg s4  }
0xaa: {  	[dreg:$0x4] =	wrdreg $0xC0  }
0xab: {  	_ =	task [dreg:s6], $0x5FFFF  }
0xac: {  	[dreg:$0x1] =	wrdreg $0xFFFFFFFF  }
0xad: {  	[dreg:$0x0] =	wrdreg $0x60  }
0xae: {  	[dreg:$0x2] =	wrdreg s24  }
0xaf: {  	[dreg:$0x3] =	wrdreg $0x9  }
0xb0: {  	_ =	task.clear_ibuf [dreg:s6], $0x4FFFF;
	_ =	strace $0x90000046  }
0xb1: {  	s29 =	simm.s32 $0x9;
	_ =	strace $0x80000048  }
0xb2: {  	_ =	swait.ge [sflag:s29], $0x1  }
0xb3: {  	[sflag:s29] =	ssyncadd.s32 $0xFFFFFFFF  }
0xb4: {  	_ =	strace $0x90000048  }
0xb5: {  	_ =	sfence  }
0xb6: {  	s30 =	sld [smem:$0x0];
	_ =	sdelay $0x2  }
0xb7: {  	s31 =	sshll.u32 s1, $0xD;
	s1 =	sshrl.u32 s1, $0x2  }
0xb8: {  	s3 =	sand.u32 $0x4000, s31;
	s1 =	sadd.s32 s1, s30  }
0xb9: {  	s0 =	sor.u32 s3, s0;
	s1 =	sshll.u32 s1, $0x11  }
0xba: {  	s0 =	sor.u32 s1, s0  }
0xbb: {  	s0 =	sadd.s32 $0x8F2B, s0  }
0xbc: {  	[sflag:s0] =	ssyncadd.remote.s32 $0x1  }
0xbd: {  	_ =	sfence.sel $0xFFFF  }
0xbe: {  	[dreg:$0x0] =	wrdreg $0xFFFFFFFF;
	(pc) =	sbr.abs _section_cstart, $3  }
0xbf: {  	[dreg:$0x1] =	wrdreg $0xFFFFFFFF  }
0xc0: {  	_ =	task.clear_ibuf [dreg:s6], $0x2FFFF;
	_ =	strace $0x9FFFFFFF  }
0xc1: {  	(tm) =	ssettm $0x7FFFFFFF  }
tec
execute0_lowered:
.L_overlay_start_1:
0x0: {  	(tag) =	ssettag $0x1  }
0x1: {  	s1 =	srdreg.scid;
	s0 =	stileid.u32  }
0x2: {  	s4 =	rddreg [dreg:$0x0];
	s2 =	simm.s32 $0x0;
	s14 =	simm.s32 $0x100  }
0x3: {  	s15 =	simm.s32 $0xE400;
	s16 =	simm.s32 $0x180;
	s17 =	simm.s32 $0x12400  }
0x4: {  	s18 =	simm.s32 $0x1;
	s19 =	simm.s32 $0x2;
	s20 =	simm.s32 $0x3  }
0x5: {  	s21 =	simm.s32 $0x4;
	s22 =	simm.s32 $0x0;
	s9 =	smul.u32 $0x640000, s0  }
0x6: {  	s5 =	sand.u32 $0x1, s1;
	s1 =	rddreg [dreg:$0x1];
	s13 =	smul.u32 $0x190, s0  }
0x7: {  	s23 =	sshll.u32 s0, $0x1;
	[smem:$0x7FF] =	sst s2;
	s11 =	smul.u32 $0x320000, s5  }
0x8: {  	s3 =	sadd.s32 $0x1E000, s4;
	s6 =	sor.u32 s5, s23;
	s25 =	smul.u32 $0xC8, s5  }
0x9: {  	s12 =	sadd.s32 $0xE1600, s4;
	s10 =	ssub.s32 $0x2, s5;
	s7 =	smul.u32 $0xC80, s6  }
0xa: {  	_ =	strace $0x80000047;
	s8 =	smul.u32 $0x320000, s6;
	s24 =	sshrl.u32 s10, $0x1  }
0xb: {  	s26 =	smul.u32 $0x64000, s6;
	s10 =	ssub.s32 s10, s24;
	s28 =	sadd.s32 s11, s9  }
0xc: {  	s11 =	simm.s32 $0x80;
	s7 =	sadd.s32 s7, s4;
	s5 =	smax.u32 s10, $0x1  }
0xd: {  	s8 =	sshrl.u32 s8, $0x3;
	s29 =	sadd.s32 s26, s12;
	s10 =	simm.s32 $0x5  }
0xe: {  	s4 =	sadd.s32 $0x5000, s7;
	s6 =	sadd.s32 s12, s8;
	s7 =	sadd.s32 s25, s13  }
0xf: {  	s8 =	sor.u32 $0x10000, s28;
	s13 =	simm.s32 $0xA400;
	s30 =	sshll.u32 s7, $0xB  }
0x10: {  	s7 =	sadd.s32 $0x1000, s29;
	s8 =	sshrl.u32 s8, $0x3;
	s31 =	sadd.s32 s30, s12  }
0x11: {  	s8 =	sadd.s32 s8, s12;
	s12 =	simm.s32 $0x6400;
	s9 =	sadd.s32 $0x3000, s31  }
.LBB2_1:
0x12: {  	[tilespmem:s2], [sflag:$0x5] =	stream.linear.gather [hbm4b:s4+s2], $0x6400, $0x38;
	[tilespmem:$0x16400] =	vst v63  }
0x13: {  	_ =	swait.ge [sflag:s10], $0x6400  }
0x14: {  	[sflag:s10] =	ssyncset.done $0x0  }
0x15: {  	[sflag:s10] =	ssyncadd.s32 $0xFFFF9C00  }
0x16: {  	[tilespmem:s12], [sflag:$0x1] =	stream.indirect.gather [hbm4b:s3+s11], $0x80, s2, s11, $0xb8;
	[tilespmem:$0x16400] =	vst v63  }
0x17: {  	_ = 	snop  }
0x18: {  	[tilespmem:s13], [sflag:$0x1] =	stream.indirect.gather [hbm4b:s3+s11], $0x80, s11, s11, $0xb8;
	[tilespmem:$0x16400] =	vst v63  }
0x19: {  	_ = 	snop  }
0x1a: {  	[tilespmem:s15], [sflag:$0x2] =	stream.indirect.gather [hbm4b:s3+s11], $0x80, s14, s11, $0xb8;
	[tilespmem:$0x16400] =	vst v63  }
0x1b: {  	_ = 	snop  }
0x1c: {  	[tilespmem:s17], [sflag:$0x2] =	stream.indirect.gather [hbm4b:s3+s11], $0x80, s16, s11, $0xb8;
	[tilespmem:$0x16400] =	vst v63  }
0x1d: {  	_ =	swait.ge [sflag:s18], $0x4000  }
0x1e: {  	[sflag:s18] =	ssyncset.done $0x0  }
0x1f: {  	[sflag:s18] =	ssyncadd.s32 $0xFFFFC000  }
0x20: {  	_ =	swait.ge [sflag:s18], $0x4000  }
0x21: {  	[sflag:s18] =	ssyncset.done $0x0  }
0x22: {  	[sflag:s18] =	ssyncadd.s32 $0xFFFFC000  }
0x23: {  	[hbm4b:s6+s2] =	stream.linear.scatter [tilespmem:s12], [sflag:$0x3], $0x8000, $0x38;
	[tilespmem:$0x16400] =	vst v63  }
0x24: {  	_ =	swait.ge [sflag:s19], $0x4000  }
0x25: {  	[sflag:s19] =	ssyncset.done $0x0  }
0x26: {  	[sflag:s19] =	ssyncadd.s32 $0xFFFFC000  }
0x27: {  	_ =	swait.ge [sflag:s19], $0x4000  }
0x28: {  	[sflag:s19] =	ssyncset.done $0x0  }
0x29: {  	[sflag:s19] =	ssyncadd.s32 $0xFFFFC000  }
0x2a: {  	[hbm4b:s7+s2] =	stream.linear.scatter [tilespmem:s15], [sflag:$0x4], $0x8000, $0x38;
	[tilespmem:$0x16400] =	vst v63  }
0x2b: {  	_ =	swait.ge [sflag:s20], $0x8000  }
0x2c: {  	[sflag:s20] =	ssyncset.done $0x0  }
0x2d: {  	s23 =	simm.s32 $0x200;
	[sflag:s20] =	ssyncadd.s32 $0xFFFF8000  }
0x2e: {  	[tilespmem:s12], [sflag:$0x1] =	stream.indirect.gather [hbm4b:s3+s11], $0x80, s23, s11, $0xb8;
	[tilespmem:$0x16400] =	vst v63  }
0x2f: {  	s29 =	simm.s32 $0x280  }
0x30: {  	[tilespmem:s13], [sflag:$0x1] =	stream.indirect.gather [hbm4b:s3+s11], $0x80, s29, s11, $0xb8;
	[tilespmem:$0x16400] =	vst v63  }
0x31: {  	_ =	swait.ge [sflag:s21], $0x8000  }
0x32: {  	[sflag:s21] =	ssyncset.done $0x0  }
0x33: {  	s30 =	simm.s32 $0x300;
	[sflag:s21] =	ssyncadd.s32 $0xFFFF8000  }
0x34: {  	[tilespmem:s15], [sflag:$0x2] =	stream.indirect.gather [hbm4b:s3+s11], $0x80, s30, s11, $0xb8;
	[tilespmem:$0x16400] =	vst v63  }
0x35: {  	s31 =	simm.s32 $0x380  }
0x36: {  	[tilespmem:s17], [sflag:$0x2] =	stream.indirect.gather [hbm4b:s3+s11], $0x80, s31, s11, $0xb8;
	[tilespmem:$0x16400] =	vst v63  }
0x37: {  	_ =	swait.ge [sflag:s18], $0x4000  }
0x38: {  	[sflag:s18] =	ssyncset.done $0x0  }
0x39: {  	[sflag:s18] =	ssyncadd.s32 $0xFFFFC000  }
0x3a: {  	_ =	swait.ge [sflag:s18], $0x4000  }
0x3b: {  	[sflag:s18] =	ssyncset.done $0x0  }
0x3c: {  	[sflag:s18] =	ssyncadd.s32 $0xFFFFC000  }
0x3d: {  	[hbm4b:s8+s2] =	stream.linear.scatter [tilespmem:s12], [sflag:$0x3], $0x8000, $0x38;
	[tilespmem:$0x16400] =	vst v63  }
0x3e: {  	_ =	swait.ge [sflag:s19], $0x4000  }
0x3f: {  	[sflag:s19] =	ssyncset.done $0x0  }
0x40: {  	[sflag:s19] =	ssyncadd.s32 $0xFFFFC000  }
0x41: {  	_ =	swait.ge [sflag:s19], $0x4000  }
0x42: {  	s24 =	sadd.s32 $0x2000, s8;
	s25 =	sadd.s32 $0x2000, s9;
	[sflag:s19] =	ssyncset.done $0x0  }
0x43: {  	s26 =	smov.u32 s9;
	s23 =	simm.s32 $0x800;
	[sflag:s19] =	ssyncadd.s32 $0xFFFFC000  }
.LBB2_2:
0x44: {  	[hbm4b:s26+s2] =	stream.linear.scatter [tilespmem:s15], [sflag:$0x4], $0x8000, $0x38;
	[tilespmem:$0x16400] =	vst v63  }
0x45: {  	s28 =	smov.u32 s23;
	s26 =	smov.u32 s25  }
0x46: {  	p0 =	sne.s32 s23, $0x18000;
	s23 =	sadd.s32 $0x800, s23;
	_ =	swait.ge [sflag:s20], $0x8000  }
0x47: {  	s28 =	sshra.s32 s28, $0x2;
	[sflag:s20] =	ssyncset.done $0x0  }
0x48: {  	s29 =	sadd.s32 $0x200, s28;
	[sflag:s20] =	ssyncadd.s32 $0xFFFF8000  }
0x49: {  	[tilespmem:s12], [sflag:$0x1] =	stream.indirect.gather [hbm4b:s3+s11], $0x80, s29, s11, $0xb8;
	[tilespmem:$0x16400] =	vst v63  }
0x4a: {  	s29 =	sadd.s32 $0x280, s28  }
0x4b: {  	[tilespmem:s13], [sflag:$0x1] =	stream.indirect.gather [hbm4b:s3+s11], $0x80, s29, s11, $0xb8;
	[tilespmem:$0x16400] =	vst v63  }
0x4c: {  	_ =	swait.ge [sflag:s21], $0x8000  }
0x4d: {  	[sflag:s21] =	ssyncset.done $0x0  }
0x4e: {  	s29 =	sadd.s32 $0x300, s28;
	[sflag:s21] =	ssyncadd.s32 $0xFFFF8000  }
0x4f: {  	[tilespmem:s15], [sflag:$0x2] =	stream.indirect.gather [hbm4b:s3+s11], $0x80, s29, s11, $0xb8;
	[tilespmem:$0x16400] =	vst v63  }
0x50: {  	s28 =	sadd.s32 $0x380, s28  }
0x51: {  	[tilespmem:s17], [sflag:$0x2] =	stream.indirect.gather [hbm4b:s3+s11], $0x80, s28, s11, $0xb8;
	[tilespmem:$0x16400] =	vst v63  }
0x52: {  	_ =	swait.ge [sflag:s18], $0x4000  }
0x53: {  	[sflag:s18] =	ssyncset.done $0x0  }
0x54: {  	[sflag:s18] =	ssyncadd.s32 $0xFFFFC000  }
0x55: {  	_ =	swait.ge [sflag:s18], $0x4000  }
0x56: {  	[sflag:s18] =	ssyncset.done $0x0  }
0x57: {  	[sflag:s18] =	ssyncadd.s32 $0xFFFFC000  }
0x58: {  	[hbm4b:s24+s2] =	stream.linear.scatter [tilespmem:s12], [sflag:$0x3], $0x8000, $0x38;
	[tilespmem:$0x16400] =	vst v63  }
0x59: {  	_ =	swait.ge [sflag:s19], $0x4000  }
.Ltmp0:
0x5a: {  	[sflag:s19] =	ssyncset.done $0x0;
	(pc) =	sbr.rel @p0 .LBB2_2-.Ltmp0, $4  }
0x5b: {  	[sflag:s19] =	ssyncadd.s32 $0xFFFFC000  }
0x5c: {  	_ =	swait.ge [sflag:s19], $0x4000  }
0x5d: {  	[sflag:s19] =	ssyncset.done $0x0  }
0x5e: {  	s25 =	sadd.s32 $0x2000, s25;
	s24 =	sadd.s32 $0x2000, s24;
	[sflag:s19] =	ssyncadd.s32 $0xFFFFC000  }
0x5f: {  	[hbm4b:s26+s2] =	stream.linear.scatter [tilespmem:s15], [sflag:$0x4], $0x8000, $0x38;
	[tilespmem:$0x16400] =	vst v63  }
0x60: {  	s22 =	sadd.s32 $0x1, s22  }
0x61: {  	_ =	swait.ge [sflag:s20], $0x8000;
	p0 =	sne.s32 s22, s5  }
.Ltmp1:
0x62: {  	[sflag:s20] =	ssyncset.done $0x0;
	(pc) =	sbr.rel @p0 .LBB2_1-.Ltmp1, $4  }
0x63: {  	[sflag:s20] =	ssyncadd.s32 $0xFFFF8000  }
0x64: {  	_ =	swait.ge [sflag:s21], $0x8000  }
0x65: {  	[sflag:s21] =	ssyncset.done $0x0  }
0x66: {  	[sflag:s21] =	ssyncadd.s32 $0xFFFF8000  }
0x67: {  	_ =	sfence.sel $0x180000  }
0x68: {  	[bflag:$0x0] =	sbarrier.arrive $0xFFFF  }
0x69: {  	p0 =	sne.s32 s0, $0x0;
	_ =	strace $0x90000047  }
0x6a: {  	s0 =	sadd.s32 @!p0 $0x100000, s1;
	[bflag:$0x2] =	sbarrier.arrive $0xFFFF  }
0x6b: {  	[sflag:s0] =	ssyncadd.tile.s32 @!p0 $0x1;
	_ =	shalt  }
.Lfunc_end2:
_tile_overlayer_lowered:
.L_overlay_start_2:
0x6c: {  	(tag) =	ssettag $0x2  }
0x6d: {  	s0 =	rddreg [dreg:$0x0];
	s2 =	stileid.u32  }
0x6e: {  	s1 =	rddreg [dreg:$0x1];
	p0 =	sne.s32 s2, $0x0  }
0x6f: {  	s3 =	rddreg [dreg:$0x2];
	[bflag:$0x3] =	sbarrier.arrive $0xFFFF;
	s2 =	simm.s32 @!p0 $0x1C05  }
0x70: {  	[timem:s3], [sflag:s2] =	dma.local @!p0 [hbm:s0], s1  }
0x71: {  	s0 =	simm.s32 @!p0 $0x5  }
0x72: {  	_ =	swait.ge @!p0 [sflag:s0], s1  }
0x73: {  	s1 =	ssub.s32 @!p0 $0x0, s1;
	[sflag:s0] =	ssyncset.done @!p0 $0x0  }
0x74: {  	[sflag:s0] =	ssyncadd.s32 @!p0 s1  }
0x75: {  	[bflag:$0x3] =	sbarrier.arrive $0xFFFF  }
0x76: {  	_ =	shalt  }

// kernel: kernel.20.cloned.1.call-start
scs
__scs_entry_jumppad:
0x0: {  	(pc) =	sbr.rel $0x88, $3  }
0x1: {  	(tag) =	ssettag $0x0;
	lr =	simm.s32 $0x1  }
0x2: {  	[smem:$0x3F91] =	sst lr;
	_ =	strace $0xD0000000  }
0x3: {  	_ = 	snop  }
0x4: {  	_ = 	snop  }
0x5: {  	_ = 	snop  }
0x6: {  	_ = 	snop  }
0x7: {  	_ = 	snop  }
__scs_overlays_trampoline_lowered:
0x8: {  	[smem:$0x3FA0] =	sst s0  }
0x9: {  	[smem:$0x3FA1] =	sst s1  }
0xa: {  	[smem:$0x3FA2] =	sst s2  }
0xb: {  	[smem:$0x3FA3] =	sst s3  }
0xc: {  	[smem:$0x3FA4] =	sst s4  }
0xd: {  	[smem:$0x3FA5] =	sst s5  }
0xe: {  	[smem:$0x3FA6] =	sst s6  }
0xf: {  	[smem:$0x3FA7] =	sst s7  }
0x10: {  	[smem:$0x3FA8] =	sst s8  }
0x11: {  	[smem:$0x3FA9] =	sst s9;
	s0 =	simm.s32 @!p0 $0x0  }
0x12: {  	s1 =	sld [smem:$0x3F8F];
	s0 =	simm.s32 @p0 $0x1  }
0x13: {  	[smem:$0x3FAA] =	sst s0;
	s0 =	simm.s32 @!p1 $0x0  }
0x14: {  	s2 =	sld [smem:$0x3F8E];
	s0 =	simm.s32 @p1 $0x1  }
0x15: {  	[smem:$0x3FAB] =	sst s0;
	s0 =	simm.s32 @!p2 $0x0  }
0x16: {  	s3 =	sld [smem:$0x3FDB];
	s0 =	simm.s32 @p2 $0x1  }
0x17: {  	s4 =	simm.s32 $0x1BF5;
	[smem:$0x3FAD] =	sst s0  }
0x18: {  	s0 =	sld [smem:$0x3F90];
	_ =	swait.ge [sflag:s4], $0x0  }
0x19: {  	s7 =	sld [smem:$0x3F91]  }
0x1a: {  	s8 =	sadd.s32 $0xFFFFE003, lr  }
0x1b: {  	s9 =	sadd.s32 $0xFFFFFEF7, lr;
	s5 =	simm.s32 $0xFFFFFFFF;
	p2 =	slt.u32 s8, $0xFFFFF086  }
0x1c: {  	p1 =	slt.u32 s9, $0xF7A;
	s5 =	simm.s32 @!p2 $0x0  }
0x1d: {  	s5 =	simm.s32 @p1 $0x1;
	p0 =	seq.s32 s7, s2  }
0x1e: {  	s7 =	smul.u32 @!p0 $0xF7A, s2;
	p2 =	seq.s32 @!p0 s5, $0x0  }
0x1f: {  	s9 =	smul.u32 $0xF7A, s1;
	s8 =	simm.s32 @!p0 $0x1BF5;
	p2 =	por !p2, p0  }
0x20: {  	[sflag:s8] =	ssyncset.s32 @!p0 $0xFFFFF086;
	s6 =	sadd.s32 @!p0 s3, s7;
	s7 =	simm.s32 @!p0 $0x108  }
0x21: {  	s3 =	sadd.s32 s3, s9;
	s6 =	sadd.s32 @!p0 $0x88, s6;
	s7 =	simm.s32 @p2 $0x1082  }
0x22: {  	[simem:s7], [sflag:s8] =	dma.local @!p0 [hbm:s6], $0xF7A  }
0x23: {  	s9 =	sor.u32 $0xD0000000, s2;
	s6 =	simm.s32 $0x108;
	_ =	swait.ge @!p0 [sflag:s8], $0x0  }
0x24: {  	s3 =	sadd.s32 $0x88, s3;
	s6 =	simm.s32 @!p1 $0x1082;
	[sflag:s4] =	ssyncset.s32 $0xFFFFF086  }
0x25: {  	[simem:s6], [sflag:s4] =	dma.local [hbm:s3], $0xF7A  }
0x26: {  	[smem:$0x3F91] =	sst s1;
	(tag) =	ssettag s2;
	_ =	strace s9  }
0x27: {  	s1 =	sld [smem:$0x3FA1]  }
0x28: {  	s2 =	sld [smem:$0x3FA2]  }
0x29: {  	s4 =	sld [smem:$0x3FA4]  }
0x2a: {  	p0 =	seq.s32 s5, $0x0;
	s5 =	sld [smem:$0x3FA5]  }
0x2b: {  	s6 =	sld [smem:$0x3FA6]  }
0x2c: {  	s7 =	sld [smem:$0x3FA7]  }
0x2d: {  	s3 =	simm.s32 $0x108;
	s8 =	sld [smem:$0x3FA8]  }
0x2e: {  	s3 =	simm.s32 @!p0 $0x1082;
	s9 =	sld [smem:$0x3FA9]  }
0x2f: {  	lr =	sadd.s32 s0, s3;
	s0 =	sld [smem:$0x3FA0]  }
0x30: {  	s3 =	sld [smem:$0x3FA3]  }
0x31: {  	[smem:$0x3FAC] =	sst s10  }
0x32: {  	s10 =	sld [smem:$0x3FAA];
	_ =	sdelay $0x3  }
0x33: {  	p0 =	seq.s32 s10, $0x1;
	s10 =	sld [smem:$0x3FAC];
	_ =	sdelay $0x3  }
0x34: {  	[smem:$0x3FAC] =	sst s10  }
0x35: {  	s10 =	sld [smem:$0x3FAB];
	_ =	sdelay $0x3  }
0x36: {  	p1 =	seq.s32 s10, $0x1;
	s10 =	sld [smem:$0x3FAC];
	_ =	sdelay $0x3  }
0x37: {  	[smem:$0x3FAC] =	sst s10  }
0x38: {  	s10 =	sld [smem:$0x3FAD]  }
0x39: {  	_ = 	snop;
	(pc) =	sbr.ind lr, $3  }
0x3a: {  	_ = 	snop  }
0x3b: {  	_ = 	snop  }
0x3c: {  	p2 =	seq.s32 s10, $0x1;
	s10 =	sld [smem:$0x3FAC]  }
0x3d: {  	_ =	shalt  }
0x3e: {  	_ =	shalt  }
0x3f: {  	_ =	shalt  }
0x40: {  	_ =	shalt  }
0x41: {  	_ =	shalt  }
0x42: {  	_ =	shalt  }
0x43: {  	_ =	shalt  }
0x44: {  	_ =	shalt  }
0x45: {  	_ =	shalt  }
0x46: {  	_ =	shalt  }
0x47: {  	_ =	shalt  }
0x48: {  	_ =	shalt  }
0x49: {  	_ =	shalt  }
0x4a: {  	_ =	shalt  }
0x4b: {  	_ =	shalt  }
0x4c: {  	_ =	shalt  }
0x4d: {  	_ =	shalt  }
0x4e: {  	_ =	shalt  }
0x4f: {  	_ =	shalt  }
0x50: {  	_ =	shalt  }
0x51: {  	_ =	shalt  }
0x52: {  	_ =	shalt  }
0x53: {  	_ =	shalt  }
0x54: {  	_ =	shalt  }
0x55: {  	_ =	shalt  }
0x56: {  	_ =	shalt  }
0x57: {  	_ =	shalt  }
0x58: {  	_ =	shalt  }
0x59: {  	_ =	shalt  }
0x5a: {  	_ =	shalt  }
0x5b: {  	_ =	shalt  }
0x5c: {  	_ =	shalt  }
0x5d: {  	_ =	shalt  }
0x5e: {  	_ =	shalt  }
0x5f: {  	_ =	shalt  }
0x60: {  	_ =	shalt  }
0x61: {  	_ =	shalt  }
0x62: {  	_ =	shalt  }
0x63: {  	_ =	shalt  }
0x64: {  	_ =	shalt  }
0x65: {  	_ =	shalt  }
0x66: {  	_ =	shalt  }
0x67: {  	_ =	shalt  }
0x68: {  	_ =	shalt  }
0x69: {  	_ =	shalt  }
0x6a: {  	_ =	shalt  }
0x6b: {  	_ =	shalt  }
0x6c: {  	_ =	shalt  }
0x6d: {  	_ =	shalt  }
0x6e: {  	_ =	shalt  }
0x6f: {  	_ =	shalt  }
0x70: {  	_ =	shalt  }
0x71: {  	_ =	shalt  }
0x72: {  	_ =	shalt  }
0x73: {  	_ =	shalt  }
0x74: {  	_ =	shalt  }
0x75: {  	_ =	shalt  }
0x76: {  	_ =	shalt  }
0x77: {  	_ =	shalt  }
0x78: {  	_ =	shalt  }
0x79: {  	_ =	shalt  }
0x7a: {  	_ =	shalt  }
0x7b: {  	_ =	shalt  }
0x7c: {  	_ =	shalt  }
0x7d: {  	_ =	shalt  }
0x7e: {  	_ =	shalt  }
0x7f: {  	_ =	shalt  }
0x80: {  	_ =	shalt  }
0x81: {  	_ =	shalt  }
0x82: {  	_ =	shalt  }
0x83: {  	_ =	shalt  }
0x84: {  	_ =	shalt  }
0x85: {  	_ =	shalt  }
0x86: {  	_ =	shalt  }
0x87: {  	_ =	shalt  }
.Lfunc_end0:
.L_simem_size_0:
called_computation.1_lowered:
.L_overlay_start_0:
0x88: {  	s2 =	sld [smem:$0x3FD9]  }
0x89: {  	s3 =	sld [smem:$0x3FFE];
	_ =	sdelay $0x1  }
0x8a: {  	s1 =	srdreg.scid  }
0x8b: {  	s0 =	sand.u32 $0x1, s1  }
0x8c: {  	s16 =	sshll.u32 s0, $0xA;
	s2 =	sadd.s32 s3, s2  }
0x8d: {  	s2 =	sadd.s32 s2, s16  }
0x8e: {  	[smem:$0x3FB8] =	sst s2  }
0x8f: {  	_ = 	snop  }
0x90: {  	(tm) =	ssettm $0x1  }
0x91: {  	s17 =	sld [smem:$0x3FFB];
	_ =	sdelay $0x3  }
0x92: {  	_ =	strace s17  }
0x93: {  	s2 =	sld [smem:$0x3FFC];
	_ =	sdelay $0x3  }
0x94: {  	_ =	strace s2  }
0x95: {  	s2 =	sld [smem:$0x3FFD];
	_ =	sdelay $0x3  }
0x96: {  	_ =	strace s2  }
0x97: {  	_ =	strace $0x8FFFFFFF  }
0x98: {  	s18 =	sld [smem:$0x3FDB];
	_ =	sdelay $0x1  }
0x99: {  	s19 =	simm.s32 $_scs_section_size  }
0x9a: {  	s4 =	simm.s32 $_size__tile_overlayer_lowered;
	s5 =	simm.s32 $_tile_overlayer_lowered  }
0x9b: {  	s22 =	simm.s32 $0x1BFF;
	s21 =	sshll.u32 s5, $0x1;
	s2 =	sadd.s32 s19, s18  }
0x9c: {  	s6 =	simm.s32 $0x0;
	s20 =	sshll.u32 s4, $0x1;
	s4 =	sadd.s32 s21, s2  }
0x9d: {  	[timem:s6], [sflag:s22] =	dma.local [hbm:s4], s20  }
0x9e: {  	_ =	swait.ge [sflag:s22], s20  }
0x9f: {  	s3 =	ssub.s32 $0x0, s20;
	[sflag:s22] =	ssyncset.done $0x0  }
0xa0: {  	[sflag:s22] =	ssyncadd.s32 s3;
	_ =	sdelay $0x1  }
0xa1: {  	s23 =	simm.s32 $0x1B8B  }
0xa2: {  	_ =	swait.ge [sflag:s23], $0x1  }
0xa3: {  	[sflag:s23] =	ssyncset.done $0x0  }
0xa4: {  	s25 =	simm.s32 $0x1B8E;
	s24 =	sld [smem:$0x3FFE];
	[sflag:s23] =	ssyncadd.s32 $0xFFFFFFFF  }
0xa5: {  	s26 =	simm.s32 $execute0_lowered;
	[smem:$0x3FD2] =	sst s25  }
0xa6: {  	s4 =	sshll.u32 s26, $0x1;
	_ =	strace $0x80000049;
	[dreg:$0x1] =	wrdreg $0xFFFFFFFF  }
0xa7: {  	s28 =	simm.s32 $_size_execute0_lowered;
	s2 =	sadd.s32 s2, s4;
	[dreg:$0x0] =	wrdreg $0x0  }
0xa8: {  	s4 =	sshll.u32 s28, $0x1;
	[dreg:$0x2] =	wrdreg s2  }
0xa9: {  	[dreg:$0x3] =	wrdreg s4  }
0xaa: {  	[dreg:$0x4] =	wrdreg $0xC0  }
0xab: {  	_ =	task [dreg:s6], $0x5FFFF  }
0xac: {  	[dreg:$0x1] =	wrdreg $0xFFFFFFFF  }
0xad: {  	[dreg:$0x0] =	wrdreg $0x60  }
0xae: {  	[dreg:$0x2] =	wrdreg s24  }
0xaf: {  	[dreg:$0x3] =	wrdreg $0x9  }
0xb0: {  	_ =	task.clear_ibuf [dreg:s6], $0x4FFFF;
	_ =	strace $0x90000049  }
0xb1: {  	s29 =	simm.s32 $0x9;
	_ =	strace $0x8000004B  }
0xb2: {  	_ =	swait.ge [sflag:s29], $0x1  }
0xb3: {  	[sflag:s29] =	ssyncadd.s32 $0xFFFFFFFF  }
0xb4: {  	_ =	strace $0x9000004B  }
0xb5: {  	_ =	sfence  }
0xb6: {  	s30 =	sld [smem:$0x0];
	_ =	sdelay $0x2  }
0xb7: {  	s31 =	sshll.u32 s1, $0xD;
	s1 =	sshrl.u32 s1, $0x2  }
0xb8: {  	s3 =	sand.u32 $0x4000, s31;
	s1 =	sadd.s32 s1, s30  }
0xb9: {  	s0 =	sor.u32 s3, s0;
	s1 =	sshll.u32 s1, $0x11  }
0xba: {  	s0 =	sor.u32 s1, s0  }
0xbb: {  	s0 =	sadd.s32 $0x8F2B, s0  }
0xbc: {  	[sflag:s0] =	ssyncadd.remote.s32 $0x1  }
0xbd: {  	_ =	sfence.sel $0xFFFF  }
0xbe: {  	[dreg:$0x0] =	wrdreg $0xFFFFFFFF;
	(pc) =	sbr.abs _section_cstart, $3  }
0xbf: {  	[dreg:$0x1] =	wrdreg $0xFFFFFFFF  }
0xc0: {  	_ =	task.clear_ibuf [dreg:s6], $0x2FFFF;
	_ =	strace $0x9FFFFFFF  }
0xc1: {  	(tm) =	ssettm $0x7FFFFFFF  }
tec
execute0_lowered:
.L_overlay_start_1:
0x0: {  	(tag) =	ssettag $0x1  }
0x1: {  	s1 =	srdreg.scid;
	s0 =	stileid.u32  }
0x2: {  	s4 =	rddreg [dreg:$0x0];
	s2 =	simm.s32 $0x0;
	s14 =	simm.s32 $0x100  }
0x3: {  	s15 =	simm.s32 $0xE400;
	s16 =	simm.s32 $0x180;
	s17 =	simm.s32 $0x12400  }
0x4: {  	s18 =	simm.s32 $0x1;
	s19 =	simm.s32 $0x2;
	s20 =	simm.s32 $0x3  }
0x5: {  	s21 =	simm.s32 $0x4;
	s22 =	simm.s32 $0x0;
	s9 =	smul.u32 $0x640000, s0  }
0x6: {  	s5 =	sand.u32 $0x1, s1;
	s1 =	rddreg [dreg:$0x1];
	s13 =	smul.u32 $0x190, s0  }
0x7: {  	s23 =	sshll.u32 s0, $0x1;
	[smem:$0x7FF] =	sst s2;
	s11 =	smul.u32 $0x320000, s5  }
0x8: {  	s3 =	sadd.s32 $0xE1600, s4;
	s6 =	sor.u32 s5, s23;
	s25 =	smul.u32 $0xC8, s5  }
0x9: {  	s12 =	sadd.s32 $0x137CC00, s4;
	s10 =	ssub.s32 $0x2, s5;
	s7 =	smul.u32 $0xC80, s6  }
0xa: {  	_ =	strace $0x8000004A;
	s8 =	smul.u32 $0x320000, s6;
	s24 =	sshrl.u32 s10, $0x1  }
0xb: {  	s26 =	smul.u32 $0x64000, s6;
	s10 =	ssub.s32 s10, s24;
	s28 =	sadd.s32 s11, s9  }
0xc: {  	s11 =	simm.s32 $0x80;
	s7 =	sadd.s32 s7, s4;
	s5 =	smax.u32 s10, $0x1  }
0xd: {  	s8 =	sshrl.u32 s8, $0x3;
	s29 =	sadd.s32 s26, s12;
	s10 =	simm.s32 $0x5  }
0xe: {  	s4 =	sadd.s32 $0x5000, s7;
	s6 =	sadd.s32 s12, s8;
	s7 =	sadd.s32 s25, s13  }
0xf: {  	s8 =	sor.u32 $0x10000, s28;
	s13 =	simm.s32 $0xA400;
	s30 =	sshll.u32 s7, $0xB  }
0x10: {  	s7 =	sadd.s32 $0x1000, s29;
	s8 =	sshrl.u32 s8, $0x3;
	s31 =	sadd.s32 s30, s12  }
0x11: {  	s8 =	sadd.s32 s8, s12;
	s12 =	simm.s32 $0x6400;
	s9 =	sadd.s32 $0x3000, s31  }
.LBB2_1:
0x12: {  	[tilespmem:s2], [sflag:$0x5] =	stream.linear.gather [hbm4b:s4+s2], $0x6400, $0x38;
	[tilespmem:$0x16400] =	vst v63  }
0x13: {  	_ =	swait.ge [sflag:s10], $0x6400  }
0x14: {  	[sflag:s10] =	ssyncset.done $0x0  }
0x15: {  	[sflag:s10] =	ssyncadd.s32 $0xFFFF9C00  }
0x16: {  	[tilespmem:s12], [sflag:$0x1] =	stream.indirect.gather [hbm4b:s3+s11], $0x80, s2, s11, $0xb8;
	[tilespmem:$0x16400] =	vst v63  }
0x17: {  	_ = 	snop  }
0x18: {  	[tilespmem:s13], [sflag:$0x1] =	stream.indirect.gather [hbm4b:s3+s11], $0x80, s11, s11, $0xb8;
	[tilespmem:$0x16400] =	vst v63  }
0x19: {  	_ = 	snop  }
0x1a: {  	[tilespmem:s15], [sflag:$0x2] =	stream.indirect.gather [hbm4b:s3+s11], $0x80, s14, s11, $0xb8;
	[tilespmem:$0x16400] =	vst v63  }
0x1b: {  	_ = 	snop  }
0x1c: {  	[tilespmem:s17], [sflag:$0x2] =	stream.indirect.gather [hbm4b:s3+s11], $0x80, s16, s11, $0xb8;
	[tilespmem:$0x16400] =	vst v63  }
0x1d: {  	_ =	swait.ge [sflag:s18], $0x4000  }
0x1e: {  	[sflag:s18] =	ssyncset.done $0x0  }
0x1f: {  	[sflag:s18] =	ssyncadd.s32 $0xFFFFC000  }
0x20: {  	_ =	swait.ge [sflag:s18], $0x4000  }
0x21: {  	[sflag:s18] =	ssyncset.done $0x0  }
0x22: {  	[sflag:s18] =	ssyncadd.s32 $0xFFFFC000  }
0x23: {  	[hbm4b:s6+s2] =	stream.linear.scatter [tilespmem:s12], [sflag:$0x3], $0x8000, $0x38;
	[tilespmem:$0x16400] =	vst v63  }
0x24: {  	_ =	swait.ge [sflag:s19], $0x4000  }
0x25: {  	[sflag:s19] =	ssyncset.done $0x0  }
0x26: {  	[sflag:s19] =	ssyncadd.s32 $0xFFFFC000  }
0x27: {  	_ =	swait.ge [sflag:s19], $0x4000  }
0x28: {  	[sflag:s19] =	ssyncset.done $0x0  }
0x29: {  	[sflag:s19] =	ssyncadd.s32 $0xFFFFC000  }
0x2a: {  	[hbm4b:s7+s2] =	stream.linear.scatter [tilespmem:s15], [sflag:$0x4], $0x8000, $0x38;
	[tilespmem:$0x16400] =	vst v63  }
0x2b: {  	_ =	swait.ge [sflag:s20], $0x8000  }
0x2c: {  	[sflag:s20] =	ssyncset.done $0x0  }
0x2d: {  	s23 =	simm.s32 $0x200;
	[sflag:s20] =	ssyncadd.s32 $0xFFFF8000  }
0x2e: {  	[tilespmem:s12], [sflag:$0x1] =	stream.indirect.gather [hbm4b:s3+s11], $0x80, s23, s11, $0xb8;
	[tilespmem:$0x16400] =	vst v63  }
0x2f: {  	s29 =	simm.s32 $0x280  }
0x30: {  	[tilespmem:s13], [sflag:$0x1] =	stream.indirect.gather [hbm4b:s3+s11], $0x80, s29, s11, $0xb8;
	[tilespmem:$0x16400] =	vst v63  }
0x31: {  	_ =	swait.ge [sflag:s21], $0x8000  }
0x32: {  	[sflag:s21] =	ssyncset.done $0x0  }
0x33: {  	s30 =	simm.s32 $0x300;
	[sflag:s21] =	ssyncadd.s32 $0xFFFF8000  }
0x34: {  	[tilespmem:s15], [sflag:$0x2] =	stream.indirect.gather [hbm4b:s3+s11], $0x80, s30, s11, $0xb8;
	[tilespmem:$0x16400] =	vst v63  }
0x35: {  	s31 =	simm.s32 $0x380  }
0x36: {  	[tilespmem:s17], [sflag:$0x2] =	stream.indirect.gather [hbm4b:s3+s11], $0x80, s31, s11, $0xb8;
	[tilespmem:$0x16400] =	vst v63  }
0x37: {  	_ =	swait.ge [sflag:s18], $0x4000  }
0x38: {  	[sflag:s18] =	ssyncset.done $0x0  }
0x39: {  	[sflag:s18] =	ssyncadd.s32 $0xFFFFC000  }
0x3a: {  	_ =	swait.ge [sflag:s18], $0x4000  }
0x3b: {  	[sflag:s18] =	ssyncset.done $0x0  }
0x3c: {  	[sflag:s18] =	ssyncadd.s32 $0xFFFFC000  }
0x3d: {  	[hbm4b:s8+s2] =	stream.linear.scatter [tilespmem:s12], [sflag:$0x3], $0x8000, $0x38;
	[tilespmem:$0x16400] =	vst v63  }
0x3e: {  	_ =	swait.ge [sflag:s19], $0x4000  }
0x3f: {  	[sflag:s19] =	ssyncset.done $0x0  }
0x40: {  	[sflag:s19] =	ssyncadd.s32 $0xFFFFC000  }
0x41: {  	_ =	swait.ge [sflag:s19], $0x4000  }
0x42: {  	s24 =	sadd.s32 $0x2000, s8;
	s25 =	sadd.s32 $0x2000, s9;
	[sflag:s19] =	ssyncset.done $0x0  }
0x43: {  	s26 =	smov.u32 s9;
	s23 =	simm.s32 $0x800;
	[sflag:s19] =	ssyncadd.s32 $0xFFFFC000  }
.LBB2_2:
0x44: {  	[hbm4b:s26+s2] =	stream.linear.scatter [tilespmem:s15], [sflag:$0x4], $0x8000, $0x38;
	[tilespmem:$0x16400] =	vst v63  }
0x45: {  	s28 =	smov.u32 s23;
	s26 =	smov.u32 s25  }
0x46: {  	p0 =	sne.s32 s23, $0x18000;
	s23 =	sadd.s32 $0x800, s23;
	_ =	swait.ge [sflag:s20], $0x8000  }
0x47: {  	s28 =	sshra.s32 s28, $0x2;
	[sflag:s20] =	ssyncset.done $0x0  }
0x48: {  	s29 =	sadd.s32 $0x200, s28;
	[sflag:s20] =	ssyncadd.s32 $0xFFFF8000  }
0x49: {  	[tilespmem:s12], [sflag:$0x1] =	stream.indirect.gather [hbm4b:s3+s11], $0x80, s29, s11, $0xb8;
	[tilespmem:$0x16400] =	vst v63  }
0x4a: {  	s29 =	sadd.s32 $0x280, s28  }
0x4b: {  	[tilespmem:s13], [sflag:$0x1] =	stream.indirect.gather [hbm4b:s3+s11], $0x80, s29, s11, $0xb8;
	[tilespmem:$0x16400] =	vst v63  }
0x4c: {  	_ =	swait.ge [sflag:s21], $0x8000  }
0x4d: {  	[sflag:s21] =	ssyncset.done $0x0  }
0x4e: {  	s29 =	sadd.s32 $0x300, s28;
	[sflag:s21] =	ssyncadd.s32 $0xFFFF8000  }
0x4f: {  	[tilespmem:s15], [sflag:$0x2] =	stream.indirect.gather [hbm4b:s3+s11], $0x80, s29, s11, $0xb8;
	[tilespmem:$0x16400] =	vst v63  }
0x50: {  	s28 =	sadd.s32 $0x380, s28  }
0x51: {  	[tilespmem:s17], [sflag:$0x2] =	stream.indirect.gather [hbm4b:s3+s11], $0x80, s28, s11, $0xb8;
	[tilespmem:$0x16400] =	vst v63  }
0x52: {  	_ =	swait.ge [sflag:s18], $0x4000  }
0x53: {  	[sflag:s18] =	ssyncset.done $0x0  }
0x54: {  	[sflag:s18] =	ssyncadd.s32 $0xFFFFC000  }
0x55: {  	_ =	swait.ge [sflag:s18], $0x4000  }
0x56: {  	[sflag:s18] =	ssyncset.done $0x0  }
0x57: {  	[sflag:s18] =	ssyncadd.s32 $0xFFFFC000  }
0x58: {  	[hbm4b:s24+s2] =	stream.linear.scatter [tilespmem:s12], [sflag:$0x3], $0x8000, $0x38;
	[tilespmem:$0x16400] =	vst v63  }
0x59: {  	_ =	swait.ge [sflag:s19], $0x4000  }
.Ltmp0:
0x5a: {  	[sflag:s19] =	ssyncset.done $0x0;
	(pc) =	sbr.rel @p0 .LBB2_2-.Ltmp0, $4  }
0x5b: {  	[sflag:s19] =	ssyncadd.s32 $0xFFFFC000  }
0x5c: {  	_ =	swait.ge [sflag:s19], $0x4000  }
0x5d: {  	[sflag:s19] =	ssyncset.done $0x0  }
0x5e: {  	s25 =	sadd.s32 $0x2000, s25;
	s24 =	sadd.s32 $0x2000, s24;
	[sflag:s19] =	ssyncadd.s32 $0xFFFFC000  }
0x5f: {  	[hbm4b:s26+s2] =	stream.linear.scatter [tilespmem:s15], [sflag:$0x4], $0x8000, $0x38;
	[tilespmem:$0x16400] =	vst v63  }
0x60: {  	s22 =	sadd.s32 $0x1, s22  }
0x61: {  	_ =	swait.ge [sflag:s20], $0x8000;
	p0 =	sne.s32 s22, s5  }
.Ltmp1:
0x62: {  	[sflag:s20] =	ssyncset.done $0x0;
	(pc) =	sbr.rel @p0 .LBB2_1-.Ltmp1, $4  }
0x63: {  	[sflag:s20] =	ssyncadd.s32 $0xFFFF8000  }
0x64: {  	_ =	swait.ge [sflag:s21], $0x8000  }
0x65: {  	[sflag:s21] =	ssyncset.done $0x0  }
0x66: {  	[sflag:s21] =	ssyncadd.s32 $0xFFFF8000  }
0x67: {  	_ =	sfence.sel $0x180000  }
0x68: {  	[bflag:$0x0] =	sbarrier.arrive $0xFFFF  }
0x69: {  	p0 =	sne.s32 s0, $0x0;
	_ =	strace $0x9000004A  }
0x6a: {  	s0 =	sadd.s32 @!p0 $0x100000, s1;
	[bflag:$0x2] =	sbarrier.arrive $0xFFFF  }
0x6b: {  	[sflag:s0] =	ssyncadd.tile.s32 @!p0 $0x1;
	_ =	shalt  }
.Lfunc_end2:
_tile_overlayer_lowered:
.L_overlay_start_2:
0x6c: {  	(tag) =	ssettag $0x2  }
0x6d: {  	s0 =	rddreg [dreg:$0x0];
	s2 =	stileid.u32  }
0x6e: {  	s1 =	rddreg [dreg:$0x1];
	p0 =	sne.s32 s2, $0x0  }
0x6f: {  	s3 =	rddreg [dreg:$0x2];
	[bflag:$0x3] =	sbarrier.arrive $0xFFFF;
	s2 =	simm.s32 @!p0 $0x1C05  }
0x70: {  	[timem:s3], [sflag:s2] =	dma.local @!p0 [hbm:s0], s1  }
0x71: {  	s0 =	simm.s32 @!p0 $0x5  }
0x72: {  	_ =	swait.ge @!p0 [sflag:s0], s1  }
0x73: {  	s1 =	ssub.s32 @!p0 $0x0, s1;
	[sflag:s0] =	ssyncset.done @!p0 $0x0  }
0x74: {  	[sflag:s0] =	ssyncadd.s32 @!p0 s1  }
0x75: {  	[bflag:$0x3] =	sbarrier.arrive $0xFFFF  }
0x76: {  	_ =	shalt  }

// kernel: kernel.23.cloned.1.call-start
scs
__scs_entry_jumppad:
0x0: {  	(pc) =	sbr.rel $0x88, $3  }
0x1: {  	(tag) =	ssettag $0x0;
	lr =	simm.s32 $0x1  }
0x2: {  	[smem:$0x3F91] =	sst lr;
	_ =	strace $0xD0000000  }
0x3: {  	_ = 	snop  }
0x4: {  	_ = 	snop  }
0x5: {  	_ = 	snop  }
0x6: {  	_ = 	snop  }
0x7: {  	_ = 	snop  }
__scs_overlays_trampoline_lowered:
0x8: {  	[smem:$0x3FA0] =	sst s0  }
0x9: {  	[smem:$0x3FA1] =	sst s1  }
0xa: {  	[smem:$0x3FA2] =	sst s2  }
0xb: {  	[smem:$0x3FA3] =	sst s3  }
0xc: {  	[smem:$0x3FA4] =	sst s4  }
0xd: {  	[smem:$0x3FA5] =	sst s5  }
0xe: {  	[smem:$0x3FA6] =	sst s6  }
0xf: {  	[smem:$0x3FA7] =	sst s7  }
0x10: {  	[smem:$0x3FA8] =	sst s8  }
0x11: {  	[smem:$0x3FA9] =	sst s9;
	s0 =	simm.s32 @!p0 $0x0  }
0x12: {  	s1 =	sld [smem:$0x3F8F];
	s0 =	simm.s32 @p0 $0x1  }
0x13: {  	[smem:$0x3FAA] =	sst s0;
	s0 =	simm.s32 @!p1 $0x0  }
0x14: {  	s2 =	sld [smem:$0x3F8E];
	s0 =	simm.s32 @p1 $0x1  }
0x15: {  	[smem:$0x3FAB] =	sst s0;
	s0 =	simm.s32 @!p2 $0x0  }
0x16: {  	s3 =	sld [smem:$0x3FDB];
	s0 =	simm.s32 @p2 $0x1  }
0x17: {  	s4 =	simm.s32 $0x1BF5;
	[smem:$0x3FAD] =	sst s0  }
0x18: {  	s0 =	sld [smem:$0x3F90];
	_ =	swait.ge [sflag:s4], $0x0  }
0x19: {  	s7 =	sld [smem:$0x3F91]  }
0x1a: {  	s8 =	sadd.s32 $0xFFFFE003, lr  }
0x1b: {  	s9 =	sadd.s32 $0xFFFFFEF7, lr;
	s5 =	simm.s32 $0xFFFFFFFF;
	p2 =	slt.u32 s8, $0xFFFFF086  }
0x1c: {  	p1 =	slt.u32 s9, $0xF7A;
	s5 =	simm.s32 @!p2 $0x0  }
0x1d: {  	s5 =	simm.s32 @p1 $0x1;
	p0 =	seq.s32 s7, s2  }
0x1e: {  	s7 =	smul.u32 @!p0 $0xF7A, s2;
	p2 =	seq.s32 @!p0 s5, $0x0  }
0x1f: {  	s9 =	smul.u32 $0xF7A, s1;
	s8 =	simm.s32 @!p0 $0x1BF5;
	p2 =	por !p2, p0  }
0x20: {  	[sflag:s8] =	ssyncset.s32 @!p0 $0xFFFFF086;
	s6 =	sadd.s32 @!p0 s3, s7;
	s7 =	simm.s32 @!p0 $0x108  }
0x21: {  	s3 =	sadd.s32 s3, s9;
	s6 =	sadd.s32 @!p0 $0x88, s6;
	s7 =	simm.s32 @p2 $0x1082  }
0x22: {  	[simem:s7], [sflag:s8] =	dma.local @!p0 [hbm:s6], $0xF7A  }
0x23: {  	s9 =	sor.u32 $0xD0000000, s2;
	s6 =	simm.s32 $0x108;
	_ =	swait.ge @!p0 [sflag:s8], $0x0  }
0x24: {  	s3 =	sadd.s32 $0x88, s3;
	s6 =	simm.s32 @!p1 $0x1082;
	[sflag:s4] =	ssyncset.s32 $0xFFFFF086  }
0x25: {  	[simem:s6], [sflag:s4] =	dma.local [hbm:s3], $0xF7A  }
0x26: {  	[smem:$0x3F91] =	sst s1;
	(tag) =	ssettag s2;
	_ =	strace s9  }
0x27: {  	s1 =	sld [smem:$0x3FA1]  }
0x28: {  	s2 =	sld [smem:$0x3FA2]  }
0x29: {  	s4 =	sld [smem:$0x3FA4]  }
0x2a: {  	p0 =	seq.s32 s5, $0x0;
	s5 =	sld [smem:$0x3FA5]  }
0x2b: {  	s6 =	sld [smem:$0x3FA6]  }
0x2c: {  	s7 =	sld [smem:$0x3FA7]  }
0x2d: {  	s3 =	simm.s32 $0x108;
	s8 =	sld [smem:$0x3FA8]  }
0x2e: {  	s3 =	simm.s32 @!p0 $0x1082;
	s9 =	sld [smem:$0x3FA9]  }
0x2f: {  	lr =	sadd.s32 s0, s3;
	s0 =	sld [smem:$0x3FA0]  }
0x30: {  	s3 =	sld [smem:$0x3FA3]  }
0x31: {  	[smem:$0x3FAC] =	sst s10  }
0x32: {  	s10 =	sld [smem:$0x3FAA];
	_ =	sdelay $0x3  }
0x33: {  	p0 =	seq.s32 s10, $0x1;
	s10 =	sld [smem:$0x3FAC];
	_ =	sdelay $0x3  }
0x34: {  	[smem:$0x3FAC] =	sst s10  }
0x35: {  	s10 =	sld [smem:$0x3FAB];
	_ =	sdelay $0x3  }
0x36: {  	p1 =	seq.s32 s10, $0x1;
	s10 =	sld [smem:$0x3FAC];
	_ =	sdelay $0x3  }
0x37: {  	[smem:$0x3FAC] =	sst s10  }
0x38: {  	s10 =	sld [smem:$0x3FAD]  }
0x39: {  	_ = 	snop;
	(pc) =	sbr.ind lr, $3  }
0x3a: {  	_ = 	snop  }
0x3b: {  	_ = 	snop  }
0x3c: {  	p2 =	seq.s32 s10, $0x1;
	s10 =	sld [smem:$0x3FAC]  }
0x3d: {  	_ =	shalt  }
0x3e: {  	_ =	shalt  }
0x3f: {  	_ =	shalt  }
0x40: {  	_ =	shalt  }
0x41: {  	_ =	shalt  }
0x42: {  	_ =	shalt  }
0x43: {  	_ =	shalt  }
0x44: {  	_ =	shalt  }
0x45: {  	_ =	shalt  }
0x46: {  	_ =	shalt  }
0x47: {  	_ =	shalt  }
0x48: {  	_ =	shalt  }
0x49: {  	_ =	shalt  }
0x4a: {  	_ =	shalt  }
0x4b: {  	_ =	shalt  }
0x4c: {  	_ =	shalt  }
0x4d: {  	_ =	shalt  }
0x4e: {  	_ =	shalt  }
0x4f: {  	_ =	shalt  }
0x50: {  	_ =	shalt  }
0x51: {  	_ =	shalt  }
0x52: {  	_ =	shalt  }
0x53: {  	_ =	shalt  }
0x54: {  	_ =	shalt  }
0x55: {  	_ =	shalt  }
0x56: {  	_ =	shalt  }
0x57: {  	_ =	shalt  }
0x58: {  	_ =	shalt  }
0x59: {  	_ =	shalt  }
0x5a: {  	_ =	shalt  }
0x5b: {  	_ =	shalt  }
0x5c: {  	_ =	shalt  }
0x5d: {  	_ =	shalt  }
0x5e: {  	_ =	shalt  }
0x5f: {  	_ =	shalt  }
0x60: {  	_ =	shalt  }
0x61: {  	_ =	shalt  }
0x62: {  	_ =	shalt  }
0x63: {  	_ =	shalt  }
0x64: {  	_ =	shalt  }
0x65: {  	_ =	shalt  }
0x66: {  	_ =	shalt  }
0x67: {  	_ =	shalt  }
0x68: {  	_ =	shalt  }
0x69: {  	_ =	shalt  }
0x6a: {  	_ =	shalt  }
0x6b: {  	_ =	shalt  }
0x6c: {  	_ =	shalt  }
0x6d: {  	_ =	shalt  }
0x6e: {  	_ =	shalt  }
0x6f: {  	_ =	shalt  }
0x70: {  	_ =	shalt  }
0x71: {  	_ =	shalt  }
0x72: {  	_ =	shalt  }
0x73: {  	_ =	shalt  }
0x74: {  	_ =	shalt  }
0x75: {  	_ =	shalt  }
0x76: {  	_ =	shalt  }
0x77: {  	_ =	shalt  }
0x78: {  	_ =	shalt  }
0x79: {  	_ =	shalt  }
0x7a: {  	_ =	shalt  }
0x7b: {  	_ =	shalt  }
0x7c: {  	_ =	shalt  }
0x7d: {  	_ =	shalt  }
0x7e: {  	_ =	shalt  }
0x7f: {  	_ =	shalt  }
0x80: {  	_ =	shalt  }
0x81: {  	_ =	shalt  }
0x82: {  	_ =	shalt  }
0x83: {  	_ =	shalt  }
0x84: {  	_ =	shalt  }
0x85: {  	_ =	shalt  }
0x86: {  	_ =	shalt  }
0x87: {  	_ =	shalt  }
.Lfunc_end0:
.L_simem_size_0:
called_computation.2_lowered:
.L_overlay_start_0:
0x88: {  	s2 =	sld [smem:$0x3FD9]  }
0x89: {  	s3 =	sld [smem:$0x3FFE];
	_ =	sdelay $0x1  }
0x8a: {  	s1 =	srdreg.scid  }
0x8b: {  	s0 =	sand.u32 $0x1, s1  }
0x8c: {  	s16 =	sshll.u32 s0, $0xA;
	s2 =	sadd.s32 s3, s2  }
0x8d: {  	s2 =	sadd.s32 s2, s16  }
0x8e: {  	[smem:$0x3FB8] =	sst s2  }
0x8f: {  	_ = 	snop  }
0x90: {  	(tm) =	ssettm $0x1  }
0x91: {  	s17 =	sld [smem:$0x3FFB];
	_ =	sdelay $0x3  }
0x92: {  	_ =	strace s17  }
0x93: {  	s2 =	sld [smem:$0x3FFC];
	_ =	sdelay $0x3  }
0x94: {  	_ =	strace s2  }
0x95: {  	s2 =	sld [smem:$0x3FFD];
	_ =	sdelay $0x3  }
0x96: {  	_ =	strace s2  }
0x97: {  	_ =	strace $0x8FFFFFFF  }
0x98: {  	s18 =	sld [smem:$0x3FDB];
	_ =	sdelay $0x1  }
0x99: {  	s19 =	simm.s32 $_scs_section_size  }
0x9a: {  	s4 =	simm.s32 $_size__tile_overlayer_lowered;
	s5 =	simm.s32 $_tile_overlayer_lowered  }
0x9b: {  	s22 =	simm.s32 $0x1BFF;
	s21 =	sshll.u32 s5, $0x1;
	s2 =	sadd.s32 s19, s18  }
0x9c: {  	s6 =	simm.s32 $0x0;
	s20 =	sshll.u32 s4, $0x1;
	s4 =	sadd.s32 s21, s2  }
0x9d: {  	[timem:s6], [sflag:s22] =	dma.local [hbm:s4], s20  }
0x9e: {  	_ =	swait.ge [sflag:s22], s20  }
0x9f: {  	s3 =	ssub.s32 $0x0, s20;
	[sflag:s22] =	ssyncset.done $0x0  }
0xa0: {  	[sflag:s22] =	ssyncadd.s32 s3;
	_ =	sdelay $0x1  }
0xa1: {  	s23 =	simm.s32 $0x1B8B  }
0xa2: {  	_ =	swait.ge [sflag:s23], $0x1  }
0xa3: {  	[sflag:s23] =	ssyncset.done $0x0  }
0xa4: {  	s25 =	simm.s32 $0x1B8E;
	s24 =	sld [smem:$0x3FFE];
	[sflag:s23] =	ssyncadd.s32 $0xFFFFFFFF  }
0xa5: {  	s26 =	simm.s32 $execute0_lowered;
	[smem:$0x3FD2] =	sst s25  }
0xa6: {  	s4 =	sshll.u32 s26, $0x1;
	_ =	strace $0x8000004C;
	[dreg:$0x1] =	wrdreg $0xFFFFFFFF  }
0xa7: {  	s28 =	simm.s32 $_size_execute0_lowered;
	s2 =	sadd.s32 s2, s4;
	[dreg:$0x0] =	wrdreg $0x0  }
0xa8: {  	s4 =	sshll.u32 s28, $0x1;
	[dreg:$0x2] =	wrdreg s2  }
0xa9: {  	[dreg:$0x3] =	wrdreg s4  }
0xaa: {  	[dreg:$0x4] =	wrdreg $0xC0  }
0xab: {  	_ =	task [dreg:s6], $0x5FFFF  }
0xac: {  	[dreg:$0x1] =	wrdreg $0xFFFFFFFF  }
0xad: {  	[dreg:$0x0] =	wrdreg $0x60  }
0xae: {  	[dreg:$0x2] =	wrdreg s24  }
0xaf: {  	[dreg:$0x3] =	wrdreg $0x9  }
0xb0: {  	_ =	task.clear_ibuf [dreg:s6], $0x4FFFF;
	_ =	strace $0x9000004C  }
0xb1: {  	s29 =	simm.s32 $0x9;
	_ =	strace $0x8000004E  }
0xb2: {  	_ =	swait.ge [sflag:s29], $0x1  }
0xb3: {  	[sflag:s29] =	ssyncadd.s32 $0xFFFFFFFF  }
0xb4: {  	_ =	strace $0x9000004E  }
0xb5: {  	_ =	sfence  }
0xb6: {  	s30 =	sld [smem:$0x0];
	_ =	sdelay $0x2  }
0xb7: {  	s31 =	sshll.u32 s1, $0xD;
	s1 =	sshrl.u32 s1, $0x2  }
0xb8: {  	s3 =	sand.u32 $0x4000, s31;
	s1 =	sadd.s32 s1, s30  }
0xb9: {  	s0 =	sor.u32 s3, s0;
	s1 =	sshll.u32 s1, $0x11  }
0xba: {  	s0 =	sor.u32 s1, s0  }
0xbb: {  	s0 =	sadd.s32 $0x8F2B, s0  }
0xbc: {  	[sflag:s0] =	ssyncadd.remote.s32 $0x1  }
0xbd: {  	_ =	sfence.sel $0xFFFF  }
0xbe: {  	[dreg:$0x0] =	wrdreg $0xFFFFFFFF;
	(pc) =	sbr.abs _section_cstart, $3  }
0xbf: {  	[dreg:$0x1] =	wrdreg $0xFFFFFFFF  }
0xc0: {  	_ =	task.clear_ibuf [dreg:s6], $0x2FFFF;
	_ =	strace $0x9FFFFFFF  }
0xc1: {  	(tm) =	ssettm $0x7FFFFFFF  }
tec
execute0_lowered:
.L_overlay_start_1:
0x0: {  	(tag) =	ssettag $0x1  }
0x1: {  	s1 =	srdreg.scid;
	s0 =	stileid.u32  }
0x2: {  	s4 =	rddreg [dreg:$0x0];
	s2 =	simm.s32 $0x0;
	s14 =	simm.s32 $0x100  }
0x3: {  	s15 =	simm.s32 $0xE400;
	s16 =	simm.s32 $0x180;
	s17 =	simm.s32 $0x12400  }
0x4: {  	s18 =	simm.s32 $0x1;
	s19 =	simm.s32 $0x2;
	s20 =	simm.s32 $0x3  }
0x5: {  	s21 =	simm.s32 $0x4;
	s22 =	simm.s32 $0x0;
	s9 =	smul.u32 $0x640000, s0  }
0x6: {  	s5 =	sand.u32 $0x1, s1;
	s1 =	rddreg [dreg:$0x1];
	s13 =	smul.u32 $0x190, s0  }
0x7: {  	s3 =	sshll.u32 s0, $0x1;
	[smem:$0x7FF] =	sst s2;
	s11 =	smul.u32 $0x320000, s5  }
0x8: {  	s12 =	sadd.s32 $0x137CC00, s4;
	s6 =	sor.u32 s5, s3;
	s25 =	smul.u32 $0xC8, s5  }
0x9: {  	_ =	strace $0x8000004D;
	s10 =	ssub.s32 $0x2, s5;
	s7 =	smul.u32 $0xC80, s6  }
0xa: {  	s3 =	sadd.s32 $0x1A4C00, s4;
	s8 =	smul.u32 $0x320000, s6;
	s24 =	sshrl.u32 s10, $0x1  }
0xb: {  	s26 =	smul.u32 $0x64000, s6;
	s10 =	ssub.s32 s10, s24;
	s28 =	sadd.s32 s11, s9  }
0xc: {  	s11 =	simm.s32 $0x80;
	s7 =	sadd.s32 s7, s4;
	s5 =	smax.u32 s10, $0x1  }
0xd: {  	s8 =	sshrl.u32 s8, $0x3;
	s29 =	sadd.s32 s26, s12;
	s10 =	simm.s32 $0x5  }
0xe: {  	s4 =	sadd.s32 $0x5000, s7;
	s6 =	sadd.s32 s12, s8;
	s7 =	sadd.s32 s25, s13  }
0xf: {  	s8 =	sor.u32 $0x10000, s28;
	s13 =	simm.s32 $0xA400;
	s30 =	sshll.u32 s7, $0xB  }
0x10: {  	s7 =	sadd.s32 $0x1000, s29;
	s8 =	sshrl.u32 s8, $0x3;
	s31 =	sadd.s32 s30, s12  }
0x11: {  	s8 =	sadd.s32 s8, s12;
	s12 =	simm.s32 $0x6400;
	s9 =	sadd.s32 $0x3000, s31  }
.LBB2_1:
0x12: {  	[tilespmem:s2], [sflag:$0x5] =	stream.linear.gather [hbm4b:s4+s2], $0x6400, $0x38;
	[tilespmem:$0x16400] =	vst v63  }
0x13: {  	_ =	swait.ge [sflag:s10], $0x6400  }
0x14: {  	[sflag:s10] =	ssyncset.done $0x0  }
0x15: {  	[sflag:s10] =	ssyncadd.s32 $0xFFFF9C00  }
0x16: {  	[tilespmem:s12], [sflag:$0x1] =	stream.indirect.gather [hbm4b:s3+s11], $0x80, s2, s11, $0xb8;
	[tilespmem:$0x16400] =	vst v63  }
0x17: {  	_ = 	snop  }
0x18: {  	[tilespmem:s13], [sflag:$0x1] =	stream.indirect.gather [hbm4b:s3+s11], $0x80, s11, s11, $0xb8;
	[tilespmem:$0x16400] =	vst v63  }
0x19: {  	_ = 	snop  }
0x1a: {  	[tilespmem:s15], [sflag:$0x2] =	stream.indirect.gather [hbm4b:s3+s11], $0x80, s14, s11, $0xb8;
	[tilespmem:$0x16400] =	vst v63  }
0x1b: {  	_ = 	snop  }
0x1c: {  	[tilespmem:s17], [sflag:$0x2] =	stream.indirect.gather [hbm4b:s3+s11], $0x80, s16, s11, $0xb8;
	[tilespmem:$0x16400] =	vst v63  }
0x1d: {  	_ =	swait.ge [sflag:s18], $0x4000  }
0x1e: {  	[sflag:s18] =	ssyncset.done $0x0  }
0x1f: {  	[sflag:s18] =	ssyncadd.s32 $0xFFFFC000  }
0x20: {  	_ =	swait.ge [sflag:s18], $0x4000  }
0x21: {  	[sflag:s18] =	ssyncset.done $0x0  }
0x22: {  	[sflag:s18] =	ssyncadd.s32 $0xFFFFC000  }
0x23: {  	[hbm4b:s6+s2] =	stream.linear.scatter [tilespmem:s12], [sflag:$0x3], $0x8000, $0x38;
	[tilespmem:$0x16400] =	vst v63  }
0x24: {  	_ =	swait.ge [sflag:s19], $0x4000  }
0x25: {  	[sflag:s19] =	ssyncset.done $0x0  }
0x26: {  	[sflag:s19] =	ssyncadd.s32 $0xFFFFC000  }
0x27: {  	_ =	swait.ge [sflag:s19], $0x4000  }
0x28: {  	[sflag:s19] =	ssyncset.done $0x0  }
0x29: {  	[sflag:s19] =	ssyncadd.s32 $0xFFFFC000  }
0x2a: {  	[hbm4b:s7+s2] =	stream.linear.scatter [tilespmem:s15], [sflag:$0x4], $0x8000, $0x38;
	[tilespmem:$0x16400] =	vst v63  }
0x2b: {  	_ =	swait.ge [sflag:s20], $0x8000  }
0x2c: {  	[sflag:s20] =	ssyncset.done $0x0  }
0x2d: {  	s23 =	simm.s32 $0x200;
	[sflag:s20] =	ssyncadd.s32 $0xFFFF8000  }
0x2e: {  	[tilespmem:s12], [sflag:$0x1] =	stream.indirect.gather [hbm4b:s3+s11], $0x80, s23, s11, $0xb8;
	[tilespmem:$0x16400] =	vst v63  }
0x2f: {  	s29 =	simm.s32 $0x280  }
0x30: {  	[tilespmem:s13], [sflag:$0x1] =	stream.indirect.gather [hbm4b:s3+s11], $0x80, s29, s11, $0xb8;
	[tilespmem:$0x16400] =	vst v63  }
0x31: {  	_ =	swait.ge [sflag:s21], $0x8000  }
0x32: {  	[sflag:s21] =	ssyncset.done $0x0  }
0x33: {  	s30 =	simm.s32 $0x300;
	[sflag:s21] =	ssyncadd.s32 $0xFFFF8000  }
0x34: {  	[tilespmem:s15], [sflag:$0x2] =	stream.indirect.gather [hbm4b:s3+s11], $0x80, s30, s11, $0xb8;
	[tilespmem:$0x16400] =	vst v63  }
0x35: {  	s31 =	simm.s32 $0x380  }
0x36: {  	[tilespmem:s17], [sflag:$0x2] =	stream.indirect.gather [hbm4b:s3+s11], $0x80, s31, s11, $0xb8;
	[tilespmem:$0x16400] =	vst v63  }
0x37: {  	_ =	swait.ge [sflag:s18], $0x4000  }
0x38: {  	[sflag:s18] =	ssyncset.done $0x0  }
0x39: {  	[sflag:s18] =	ssyncadd.s32 $0xFFFFC000  }
0x3a: {  	_ =	swait.ge [sflag:s18], $0x4000  }
0x3b: {  	[sflag:s18] =	ssyncset.done $0x0  }
0x3c: {  	[sflag:s18] =	ssyncadd.s32 $0xFFFFC000  }
0x3d: {  	[hbm4b:s8+s2] =	stream.linear.scatter [tilespmem:s12], [sflag:$0x3], $0x8000, $0x38;
	[tilespmem:$0x16400] =	vst v63  }
0x3e: {  	_ =	swait.ge [sflag:s19], $0x4000  }
0x3f: {  	[sflag:s19] =	ssyncset.done $0x0  }
0x40: {  	[sflag:s19] =	ssyncadd.s32 $0xFFFFC000  }
0x41: {  	_ =	swait.ge [sflag:s19], $0x4000  }
0x42: {  	s24 =	sadd.s32 $0x2000, s8;
	s25 =	sadd.s32 $0x2000, s9;
	[sflag:s19] =	ssyncset.done $0x0  }
0x43: {  	s26 =	smov.u32 s9;
	s23 =	simm.s32 $0x800;
	[sflag:s19] =	ssyncadd.s32 $0xFFFFC000  }
.LBB2_2:
0x44: {  	[hbm4b:s26+s2] =	stream.linear.scatter [tilespmem:s15], [sflag:$0x4], $0x8000, $0x38;
	[tilespmem:$0x16400] =	vst v63  }
0x45: {  	s28 =	smov.u32 s23;
	s26 =	smov.u32 s25  }
0x46: {  	p0 =	sne.s32 s23, $0x18000;
	s23 =	sadd.s32 $0x800, s23;
	_ =	swait.ge [sflag:s20], $0x8000  }
0x47: {  	s28 =	sshra.s32 s28, $0x2;
	[sflag:s20] =	ssyncset.done $0x0  }
0x48: {  	s29 =	sadd.s32 $0x200, s28;
	[sflag:s20] =	ssyncadd.s32 $0xFFFF8000  }
0x49: {  	[tilespmem:s12], [sflag:$0x1] =	stream.indirect.gather [hbm4b:s3+s11], $0x80, s29, s11, $0xb8;
	[tilespmem:$0x16400] =	vst v63  }
0x4a: {  	s29 =	sadd.s32 $0x280, s28  }
0x4b: {  	[tilespmem:s13], [sflag:$0x1] =	stream.indirect.gather [hbm4b:s3+s11], $0x80, s29, s11, $0xb8;
	[tilespmem:$0x16400] =	vst v63  }
0x4c: {  	_ =	swait.ge [sflag:s21], $0x8000  }
0x4d: {  	[sflag:s21] =	ssyncset.done $0x0  }
0x4e: {  	s29 =	sadd.s32 $0x300, s28;
	[sflag:s21] =	ssyncadd.s32 $0xFFFF8000  }
0x4f: {  	[tilespmem:s15], [sflag:$0x2] =	stream.indirect.gather [hbm4b:s3+s11], $0x80, s29, s11, $0xb8;
	[tilespmem:$0x16400] =	vst v63  }
0x50: {  	s28 =	sadd.s32 $0x380, s28  }
0x51: {  	[tilespmem:s17], [sflag:$0x2] =	stream.indirect.gather [hbm4b:s3+s11], $0x80, s28, s11, $0xb8;
	[tilespmem:$0x16400] =	vst v63  }
0x52: {  	_ =	swait.ge [sflag:s18], $0x4000  }
0x53: {  	[sflag:s18] =	ssyncset.done $0x0  }
0x54: {  	[sflag:s18] =	ssyncadd.s32 $0xFFFFC000  }
0x55: {  	_ =	swait.ge [sflag:s18], $0x4000  }
0x56: {  	[sflag:s18] =	ssyncset.done $0x0  }
0x57: {  	[sflag:s18] =	ssyncadd.s32 $0xFFFFC000  }
0x58: {  	[hbm4b:s24+s2] =	stream.linear.scatter [tilespmem:s12], [sflag:$0x3], $0x8000, $0x38;
	[tilespmem:$0x16400] =	vst v63  }
0x59: {  	_ =	swait.ge [sflag:s19], $0x4000  }
.Ltmp0:
0x5a: {  	[sflag:s19] =	ssyncset.done $0x0;
	(pc) =	sbr.rel @p0 .LBB2_2-.Ltmp0, $4  }
0x5b: {  	[sflag:s19] =	ssyncadd.s32 $0xFFFFC000  }
0x5c: {  	_ =	swait.ge [sflag:s19], $0x4000  }
0x5d: {  	[sflag:s19] =	ssyncset.done $0x0  }
0x5e: {  	s25 =	sadd.s32 $0x2000, s25;
	s24 =	sadd.s32 $0x2000, s24;
	[sflag:s19] =	ssyncadd.s32 $0xFFFFC000  }
0x5f: {  	[hbm4b:s26+s2] =	stream.linear.scatter [tilespmem:s15], [sflag:$0x4], $0x8000, $0x38;
	[tilespmem:$0x16400] =	vst v63  }
0x60: {  	s22 =	sadd.s32 $0x1, s22  }
0x61: {  	_ =	swait.ge [sflag:s20], $0x8000;
	p0 =	sne.s32 s22, s5  }
.Ltmp1:
0x62: {  	[sflag:s20] =	ssyncset.done $0x0;
	(pc) =	sbr.rel @p0 .LBB2_1-.Ltmp1, $4  }
0x63: {  	[sflag:s20] =	ssyncadd.s32 $0xFFFF8000  }
0x64: {  	_ =	swait.ge [sflag:s21], $0x8000  }
0x65: {  	[sflag:s21] =	ssyncset.done $0x0  }
0x66: {  	[sflag:s21] =	ssyncadd.s32 $0xFFFF8000  }
0x67: {  	_ =	sfence.sel $0x180000  }
0x68: {  	[bflag:$0x0] =	sbarrier.arrive $0xFFFF  }
0x69: {  	p0 =	sne.s32 s0, $0x0;
	_ =	strace $0x9000004D  }
0x6a: {  	s0 =	sadd.s32 @!p0 $0x100000, s1;
	[bflag:$0x2] =	sbarrier.arrive $0xFFFF  }
0x6b: {  	[sflag:s0] =	ssyncadd.tile.s32 @!p0 $0x1;
	_ =	shalt  }
.Lfunc_end2:
_tile_overlayer_lowered:
.L_overlay_start_2:
0x6c: {  	(tag) =	ssettag $0x2  }
0x6d: {  	s0 =	rddreg [dreg:$0x0];
	s2 =	stileid.u32  }
0x6e: {  	s1 =	rddreg [dreg:$0x1];
	p0 =	sne.s32 s2, $0x0  }
0x6f: {  	s3 =	rddreg [dreg:$0x2];
	[bflag:$0x3] =	sbarrier.arrive $0xFFFF;
	s2 =	simm.s32 @!p0 $0x1C05  }
0x70: {  	[timem:s3], [sflag:s2] =	dma.local @!p0 [hbm:s0], s1  }
0x71: {  	s0 =	simm.s32 @!p0 $0x5  }
0x72: {  	_ =	swait.ge @!p0 [sflag:s0], s1  }
0x73: {  	s1 =	ssub.s32 @!p0 $0x0, s1;
	[sflag:s0] =	ssyncset.done @!p0 $0x0  }
0x74: {  	[sflag:s0] =	ssyncadd.s32 @!p0 s1  }
0x75: {  	[bflag:$0x3] =	sbarrier.arrive $0xFFFF  }
0x76: {  	_ =	shalt  }

// kernel: kernel.26.cloned.1.call-start
scs
__scs_entry_jumppad:
0x0: {  	(pc) =	sbr.rel $0x88, $3  }
0x1: {  	(tag) =	ssettag $0x0;
	lr =	simm.s32 $0x1  }
0x2: {  	[smem:$0x3F91] =	sst lr;
	_ =	strace $0xD0000000  }
0x3: {  	_ = 	snop  }
0x4: {  	_ = 	snop  }
0x5: {  	_ = 	snop  }
0x6: {  	_ = 	snop  }
0x7: {  	_ = 	snop  }
__scs_overlays_trampoline_lowered:
0x8: {  	[smem:$0x3FA0] =	sst s0  }
0x9: {  	[smem:$0x3FA1] =	sst s1  }
0xa: {  	[smem:$0x3FA2] =	sst s2  }
0xb: {  	[smem:$0x3FA3] =	sst s3  }
0xc: {  	[smem:$0x3FA4] =	sst s4  }
0xd: {  	[smem:$0x3FA5] =	sst s5  }
0xe: {  	[smem:$0x3FA6] =	sst s6  }
0xf: {  	[smem:$0x3FA7] =	sst s7  }
0x10: {  	[smem:$0x3FA8] =	sst s8  }
0x11: {  	[smem:$0x3FA9] =	sst s9;
	s0 =	simm.s32 @!p0 $0x0  }
0x12: {  	s1 =	sld [smem:$0x3F8F];
	s0 =	simm.s32 @p0 $0x1  }
0x13: {  	[smem:$0x3FAA] =	sst s0;
	s0 =	simm.s32 @!p1 $0x0  }
0x14: {  	s2 =	sld [smem:$0x3F8E];
	s0 =	simm.s32 @p1 $0x1  }
0x15: {  	[smem:$0x3FAB] =	sst s0;
	s0 =	simm.s32 @!p2 $0x0  }
0x16: {  	s3 =	sld [smem:$0x3FDB];
	s0 =	simm.s32 @p2 $0x1  }
0x17: {  	s4 =	simm.s32 $0x1BF5;
	[smem:$0x3FAD] =	sst s0  }
0x18: {  	s0 =	sld [smem:$0x3F90];
	_ =	swait.ge [sflag:s4], $0x0  }
0x19: {  	s7 =	sld [smem:$0x3F91]  }
0x1a: {  	s8 =	sadd.s32 $0xFFFFE003, lr  }
0x1b: {  	s9 =	sadd.s32 $0xFFFFFEF7, lr;
	s5 =	simm.s32 $0xFFFFFFFF;
	p2 =	slt.u32 s8, $0xFFFFF086  }
0x1c: {  	p1 =	slt.u32 s9, $0xF7A;
	s5 =	simm.s32 @!p2 $0x0  }
0x1d: {  	s5 =	simm.s32 @p1 $0x1;
	p0 =	seq.s32 s7, s2  }
0x1e: {  	s7 =	smul.u32 @!p0 $0xF7A, s2;
	p2 =	seq.s32 @!p0 s5, $0x0  }
0x1f: {  	s9 =	smul.u32 $0xF7A, s1;
	s8 =	simm.s32 @!p0 $0x1BF5;
	p2 =	por !p2, p0  }
0x20: {  	[sflag:s8] =	ssyncset.s32 @!p0 $0xFFFFF086;
	s6 =	sadd.s32 @!p0 s3, s7;
	s7 =	simm.s32 @!p0 $0x108  }
0x21: {  	s3 =	sadd.s32 s3, s9;
	s6 =	sadd.s32 @!p0 $0x88, s6;
	s7 =	simm.s32 @p2 $0x1082  }
0x22: {  	[simem:s7], [sflag:s8] =	dma.local @!p0 [hbm:s6], $0xF7A  }
0x23: {  	s9 =	sor.u32 $0xD0000000, s2;
	s6 =	simm.s32 $0x108;
	_ =	swait.ge @!p0 [sflag:s8], $0x0  }
0x24: {  	s3 =	sadd.s32 $0x88, s3;
	s6 =	simm.s32 @!p1 $0x1082;
	[sflag:s4] =	ssyncset.s32 $0xFFFFF086  }
0x25: {  	[simem:s6], [sflag:s4] =	dma.local [hbm:s3], $0xF7A  }
0x26: {  	[smem:$0x3F91] =	sst s1;
	(tag) =	ssettag s2;
	_ =	strace s9  }
0x27: {  	s1 =	sld [smem:$0x3FA1]  }
0x28: {  	s2 =	sld [smem:$0x3FA2]  }
0x29: {  	s4 =	sld [smem:$0x3FA4]  }
0x2a: {  	p0 =	seq.s32 s5, $0x0;
	s5 =	sld [smem:$0x3FA5]  }
0x2b: {  	s6 =	sld [smem:$0x3FA6]  }
0x2c: {  	s7 =	sld [smem:$0x3FA7]  }
0x2d: {  	s3 =	simm.s32 $0x108;
	s8 =	sld [smem:$0x3FA8]  }
0x2e: {  	s3 =	simm.s32 @!p0 $0x1082;
	s9 =	sld [smem:$0x3FA9]  }
0x2f: {  	lr =	sadd.s32 s0, s3;
	s0 =	sld [smem:$0x3FA0]  }
0x30: {  	s3 =	sld [smem:$0x3FA3]  }
0x31: {  	[smem:$0x3FAC] =	sst s10  }
0x32: {  	s10 =	sld [smem:$0x3FAA];
	_ =	sdelay $0x3  }
0x33: {  	p0 =	seq.s32 s10, $0x1;
	s10 =	sld [smem:$0x3FAC];
	_ =	sdelay $0x3  }
0x34: {  	[smem:$0x3FAC] =	sst s10  }
0x35: {  	s10 =	sld [smem:$0x3FAB];
	_ =	sdelay $0x3  }
0x36: {  	p1 =	seq.s32 s10, $0x1;
	s10 =	sld [smem:$0x3FAC];
	_ =	sdelay $0x3  }
0x37: {  	[smem:$0x3FAC] =	sst s10  }
0x38: {  	s10 =	sld [smem:$0x3FAD]  }
0x39: {  	_ = 	snop;
	(pc) =	sbr.ind lr, $3  }
0x3a: {  	_ = 	snop  }
0x3b: {  	_ = 	snop  }
0x3c: {  	p2 =	seq.s32 s10, $0x1;
	s10 =	sld [smem:$0x3FAC]  }
0x3d: {  	_ =	shalt  }
0x3e: {  	_ =	shalt  }
0x3f: {  	_ =	shalt  }
0x40: {  	_ =	shalt  }
0x41: {  	_ =	shalt  }
0x42: {  	_ =	shalt  }
0x43: {  	_ =	shalt  }
0x44: {  	_ =	shalt  }
0x45: {  	_ =	shalt  }
0x46: {  	_ =	shalt  }
0x47: {  	_ =	shalt  }
0x48: {  	_ =	shalt  }
0x49: {  	_ =	shalt  }
0x4a: {  	_ =	shalt  }
0x4b: {  	_ =	shalt  }
0x4c: {  	_ =	shalt  }
0x4d: {  	_ =	shalt  }
0x4e: {  	_ =	shalt  }
0x4f: {  	_ =	shalt  }
0x50: {  	_ =	shalt  }
0x51: {  	_ =	shalt  }
0x52: {  	_ =	shalt  }
0x53: {  	_ =	shalt  }
0x54: {  	_ =	shalt  }
0x55: {  	_ =	shalt  }
0x56: {  	_ =	shalt  }
0x57: {  	_ =	shalt  }
0x58: {  	_ =	shalt  }
0x59: {  	_ =	shalt  }
0x5a: {  	_ =	shalt  }
0x5b: {  	_ =	shalt  }
0x5c: {  	_ =	shalt  }
0x5d: {  	_ =	shalt  }
0x5e: {  	_ =	shalt  }
0x5f: {  	_ =	shalt  }
0x60: {  	_ =	shalt  }
0x61: {  	_ =	shalt  }
0x62: {  	_ =	shalt  }
0x63: {  	_ =	shalt  }
0x64: {  	_ =	shalt  }
0x65: {  	_ =	shalt  }
0x66: {  	_ =	shalt  }
0x67: {  	_ =	shalt  }
0x68: {  	_ =	shalt  }
0x69: {  	_ =	shalt  }
0x6a: {  	_ =	shalt  }
0x6b: {  	_ =	shalt  }
0x6c: {  	_ =	shalt  }
0x6d: {  	_ =	shalt  }
0x6e: {  	_ =	shalt  }
0x6f: {  	_ =	shalt  }
0x70: {  	_ =	shalt  }
0x71: {  	_ =	shalt  }
0x72: {  	_ =	shalt  }
0x73: {  	_ =	shalt  }
0x74: {  	_ =	shalt  }
0x75: {  	_ =	shalt  }
0x76: {  	_ =	shalt  }
0x77: {  	_ =	shalt  }
0x78: {  	_ =	shalt  }
0x79: {  	_ =	shalt  }
0x7a: {  	_ =	shalt  }
0x7b: {  	_ =	shalt  }
0x7c: {  	_ =	shalt  }
0x7d: {  	_ =	shalt  }
0x7e: {  	_ =	shalt  }
0x7f: {  	_ =	shalt  }
0x80: {  	_ =	shalt  }
0x81: {  	_ =	shalt  }
0x82: {  	_ =	shalt  }
0x83: {  	_ =	shalt  }
0x84: {  	_ =	shalt  }
0x85: {  	_ =	shalt  }
0x86: {  	_ =	shalt  }
0x87: {  	_ =	shalt  }
.Lfunc_end0:
.L_simem_size_0:
called_computation.3_lowered:
.L_overlay_start_0:
0x88: {  	s2 =	sld [smem:$0x3FD9]  }
0x89: {  	s3 =	sld [smem:$0x3FFE];
	_ =	sdelay $0x1  }
0x8a: {  	s1 =	srdreg.scid  }
0x8b: {  	s0 =	sand.u32 $0x1, s1  }
0x8c: {  	s14 =	sshll.u32 s0, $0xA;
	s2 =	sadd.s32 s3, s2  }
0x8d: {  	s2 =	sadd.s32 s2, s14  }
0x8e: {  	[smem:$0x3FB8] =	sst s2  }
0x8f: {  	_ = 	snop  }
0x90: {  	s2 =	sld [smem:$0x3FD0];
	_ =	sdelay $0x2  }
0x91: {  	s15 =	simm.s32 $0xA;
	s4 =	simm.s32 $0x10  }
0x92: {  	[smem:s4], [sflag:s15] =	dma.local [hbm:s2], $0x1  }
0x93: {  	_ =	swait.eq [sflag:s15], $0x1  }
0x94: {  	[sflag:s15] =	ssyncset.done $0x0  }
0x95: {  	[sflag:s15] =	ssyncadd.s32 $0xFFFFFFFF  }
0x96: {  	s16 =	sld [smem:$0x11];
	(tm) =	ssettm $0x1  }
0x97: {  	s17 =	sld [smem:$0x3FFB];
	_ =	sdelay $0x3  }
0x98: {  	_ =	strace s17  }
0x99: {  	s3 =	sld [smem:$0x3FFC];
	_ =	sdelay $0x3  }
0x9a: {  	_ =	strace s3  }
0x9b: {  	s3 =	sld [smem:$0x3FFD];
	_ =	sdelay $0x3  }
0x9c: {  	_ =	strace s3  }
0x9d: {  	_ =	strace $0x8FFFFFFF  }
0x9e: {  	s18 =	sld [smem:$0x3FDB];
	_ =	sdelay $0x1  }
0x9f: {  	s19 =	simm.s32 $_scs_section_size  }
0xa0: {  	s5 =	simm.s32 $_size__tile_overlayer_lowered;
	s6 =	simm.s32 $_tile_overlayer_lowered  }
0xa1: {  	s22 =	simm.s32 $0x1BFF;
	s21 =	sshll.u32 s6, $0x1;
	s3 =	sadd.s32 s19, s18  }
0xa2: {  	s7 =	simm.s32 $0x0;
	s20 =	sshll.u32 s5, $0x1;
	s5 =	sadd.s32 s21, s3  }
0xa3: {  	[timem:s7], [sflag:s22] =	dma.local [hbm:s5], s20  }
0xa4: {  	_ =	swait.ge [sflag:s22], s20  }
0xa5: {  	s4 =	ssub.s32 $0x0, s20;
	[sflag:s22] =	ssyncset.done $0x0  }
0xa6: {  	[sflag:s22] =	ssyncadd.s32 s4;
	_ =	sdelay $0x1  }
0xa7: {  	s23 =	simm.s32 $0x1B8B  }
0xa8: {  	_ =	swait.ge [sflag:s23], $0x1  }
0xa9: {  	[sflag:s23] =	ssyncset.done $0x0  }
0xaa: {  	s25 =	simm.s32 $0x1B8E;
	s24 =	sld [smem:$0x3FFE];
	[sflag:s23] =	ssyncadd.s32 $0xFFFFFFFF  }
0xab: {  	s26 =	simm.s32 $execute0_lowered;
	[smem:$0x3FD2] =	sst s25  }
0xac: {  	s5 =	sshll.u32 s26, $0x1;
	_ =	strace $0x8000004F;
	[dreg:$0x1] =	wrdreg $0xFFFFFFFF  }
0xad: {  	s28 =	simm.s32 $_size_execute0_lowered;
	s3 =	sadd.s32 s3, s5;
	[dreg:$0x0] =	wrdreg $0x0  }
0xae: {  	s5 =	sshll.u32 s28, $0x1;
	[dreg:$0x2] =	wrdreg s3  }
0xaf: {  	[dreg:$0x3] =	wrdreg s5  }
0xb0: {  	[dreg:$0x4] =	wrdreg $0xC0  }
0xb1: {  	_ =	task [dreg:s7], $0x5FFFF  }
0xb2: {  	[dreg:$0x1] =	wrdreg $0xFFFFFFFF  }
0xb3: {  	[dreg:$0x0] =	wrdreg $0x60  }
0xb4: {  	[dreg:$0x2] =	wrdreg s24  }
0xb5: {  	[dreg:$0x3] =	wrdreg s16  }
0xb6: {  	[dreg:$0x4] =	wrdreg $0x9  }
0xb7: {  	_ =	task.clear_ibuf [dreg:s7], $0x5FFFF;
	_ =	strace $0x9000004F  }
0xb8: {  	s29 =	simm.s32 $0x9;
	_ =	strace $0x80000051  }
0xb9: {  	_ =	swait.ge [sflag:s29], $0x1  }
0xba: {  	[sflag:s29] =	ssyncadd.s32 $0xFFFFFFFF  }
0xbb: {  	_ =	strace $0x90000051  }
0xbc: {  	_ =	sfence  }
0xbd: {  	s30 =	sld [smem:$0x0];
	_ =	sdelay $0x2  }
0xbe: {  	s31 =	sshll.u32 s1, $0xD;
	s1 =	sshrl.u32 s1, $0x2  }
0xbf: {  	s3 =	sand.u32 $0x4000, s31;
	s1 =	sadd.s32 s1, s30  }
0xc0: {  	s0 =	sor.u32 s3, s0;
	s1 =	sshll.u32 s1, $0x11  }
0xc1: {  	s0 =	sor.u32 s1, s0  }
0xc2: {  	s0 =	sadd.s32 $0x8F2B, s0  }
0xc3: {  	[sflag:s0] =	ssyncadd.remote.s32 $0x1  }
0xc4: {  	_ =	sfence.sel $0xFFFF  }
0xc5: {  	[dreg:$0x0] =	wrdreg $0xFFFFFFFF;
	(pc) =	sbr.abs _section_cstart, $3  }
0xc6: {  	[dreg:$0x1] =	wrdreg $0xFFFFFFFF  }
0xc7: {  	_ =	task.clear_ibuf [dreg:s7], $0x2FFFF;
	_ =	strace $0x9FFFFFFF  }
0xc8: {  	(tm) =	ssettm $0x7FFFFFFF  }
0xc9: {  	_ =	shalt  }
tec
execute0_lowered:
.L_overlay_start_1:
0x0: {  	(tag) =	ssettag $0x1  }
0x1: {  	s0 =	srdreg.scid  }
0x2: {  	s1 =	rddreg [dreg:$0x0];
	s2 =	stileid.u32  }
0x3: {  	s3 =	rddreg [dreg:$0x1];
	s29 =	simm.s32 $0x5;
	s11 =	simm.s32 $0x80  }
0x4: {  	s9 =	simm.s32 $0x800;
	s15 =	simm.s32 $0x4800;
	s30 =	simm.s32 $0x100  }
0x5: {  	s31 =	simm.s32 $0x180;
	s14 =	simm.s32 $0xC800;
	s12 =	simm.s32 $0x1  }
0x6: {  	s10 =	simm.s32 $0x2;
	s7 =	simm.s32 $0x3;
	s28 =	simm.s32 $0x280  }
0x7: {  	s8 =	simm.s32 $0x4;
	s20 =	simm.s32 $0x400;
	p0 =	por $0x0, $0x0  }
0x8: {  	s18 =	simm.s32 $0x600;
	s19 =	simm.s32 $0x680;
	s16 =	simm.s32 $0x700  }
0x9: {  	s0 =	sand.u32 $0x1, s0;
	s4 =	sshll.u32 s2, $0x5;
	s2 =	simm.s32 $0x0  }
0xa: {  	s17 =	simm.s32 $0x780;
	s5 =	sshll.u32 s0, $0x4;
	[smem:$0x7FF] =	sst s2  }
0xb: {  	s0 =	ssub.s32 $0x2, s0;
	s4 =	sor.u32 s5, s4;
	_ =	strace $0x80000050  }
0xc: {  	s24 =	sshrl.u32 s0, $0x1;
	s5 =	sshll.u32 s4, $0xB;
	s4 =	sshll.u32 s4, $0x4  }
0xd: {  	s0 =	ssub.s32 s0, s24;
	s24 =	simm.s32 $0x300;
	s6 =	sadd.s32 s5, s1  }
0xe: {  	s3 =	sadd.s32 s3, s4;
	s0 =	smax.u32 s0, $0x1;
	s21 =	sadd.s32 $0x18BC00, s6  }
0xf: {  	[dreg:$0x3] =	wrdreg s3;
	s3 =	sadd.s32 $0xC8600, s1;
	s22 =	sadd.s32 $0x18CC00, s6  }
0x10: {  	s23 =	sadd.s32 $0x18DC00, s6;
	s25 =	sadd.s32 $0x18EC00, s6;
	[dreg:$0x4] =	wrdreg s21  }
0x11: {  	s26 =	sadd.s32 $0x18FC00, s6;
	p1 =	sne.s32 s0, $0x1;
	[dreg:$0x5] =	wrdreg s22  }
.Ltmp0:
0x12: {  	s13 =	sadd.s32 $0x190C00, s6;
	[dreg:$0x6] =	wrdreg s23;
	(pc) =	sbr.rel @!p1 .LBB2_3-.Ltmp0, $4  }
0x13: {  	s5 =	sadd.s32 $0x191C00, s6;
	s4 =	sadd.s32 $0x192C00, s6;
	[dreg:$0x7] =	wrdreg s25  }
0x14: {  	s6 =	simm.s32 $0x8800;
	s1 =	sadd.s32 $0xFFFFFFFF, s0;
	[dreg:$0x8] =	wrdreg s26  }
0x15: {  	s26 =	simm.s32 $0x200;
	s25 =	simm.s32 $0x380;
	s21 =	simm.s32 $0x480  }
0x16: {  	s22 =	simm.s32 $0x500;
	s23 =	simm.s32 $0x580;
	s0 =	rddreg [dreg:$0x3]  }
0x17: {  	[tilespmem:s2], [sflag:$0x5] =	stream.linear.gather [hbm4b:s0+s2], $0x800, $0x38;
	[tilespmem:$0x10800] =	vst v63  }
0x18: {  	_ =	swait.ge [sflag:s29], $0x800  }
0x19: {  	[sflag:s29] =	ssyncset.done $0x0  }
0x1a: {  	[sflag:s29] =	ssyncadd.s32 $0xFFFFF800  }
0x1b: {  	[tilespmem:s9], [sflag:$0x1] =	stream.indirect.gather [hbm4b:s3+s11], $0x80, s2, s11, $0xb8;
	[tilespmem:$0x10800] =	vst v63  }
0x1c: {  	_ = 	snop  }
0x1d: {  	[tilespmem:s15], [sflag:$0x1] =	stream.indirect.gather [hbm4b:s3+s11], $0x80, s11, s11, $0xb8;
	[tilespmem:$0x10800] =	vst v63  }
0x1e: {  	_ = 	snop  }
0x1f: {  	[tilespmem:s6], [sflag:$0x2] =	stream.indirect.gather [hbm4b:s3+s11], $0x80, s30, s11, $0xb8;
	[tilespmem:$0x10800] =	vst v63  }
0x20: {  	_ = 	snop  }
0x21: {  	[tilespmem:s14], [sflag:$0x2] =	stream.indirect.gather [hbm4b:s3+s11], $0x80, s31, s11, $0xb8;
	[tilespmem:$0x10800] =	vst v63  }
0x22: {  	_ =	swait.ge [sflag:s12], $0x4000  }
0x23: {  	[sflag:s12] =	ssyncset.done $0x0  }
0x24: {  	[sflag:s12] =	ssyncadd.s32 $0xFFFFC000  }
0x25: {  	_ =	swait.ge [sflag:s12], $0x4000  }
0x26: {  	[sflag:s12] =	ssyncset.done $0x0  }
0x27: {  	s0 =	rddreg [dreg:$0x4];
	[sflag:s12] =	ssyncadd.s32 $0xFFFFC000  }
0x28: {  	[hbm4b:s0+s2] =	stream.linear.scatter [tilespmem:s9], [sflag:$0x3], $0x8000, $0x38;
	[tilespmem:$0x10800] =	vst v63  }
0x29: {  	_ =	swait.ge [sflag:s10], $0x4000  }
0x2a: {  	[sflag:s10] =	ssyncset.done $0x0  }
0x2b: {  	[sflag:s10] =	ssyncadd.s32 $0xFFFFC000  }
0x2c: {  	_ =	swait.ge [sflag:s10], $0x4000  }
0x2d: {  	[sflag:s10] =	ssyncset.done $0x0  }
0x2e: {  	s0 =	rddreg [dreg:$0x5];
	[sflag:s10] =	ssyncadd.s32 $0xFFFFC000  }
0x2f: {  	[hbm4b:s0+s2] =	stream.linear.scatter [tilespmem:s6], [sflag:$0x4], $0x8000, $0x38;
	[tilespmem:$0x10800] =	vst v63  }
0x30: {  	_ =	swait.ge [sflag:s7], $0x8000  }
0x31: {  	[sflag:s7] =	ssyncset.done $0x0  }
0x32: {  	[sflag:s7] =	ssyncadd.s32 $0xFFFF8000  }
0x33: {  	[tilespmem:s9], [sflag:$0x1] =	stream.indirect.gather [hbm4b:s3+s11], $0x80, s26, s11, $0xb8;
	[tilespmem:$0x10800] =	vst v63  }
0x34: {  	_ = 	snop  }
0x35: {  	[tilespmem:s15], [sflag:$0x1] =	stream.indirect.gather [hbm4b:s3+s11], $0x80, s28, s11, $0xb8;
	[tilespmem:$0x10800] =	vst v63  }
0x36: {  	_ =	swait.ge [sflag:s8], $0x8000  }
0x37: {  	[sflag:s8] =	ssyncset.done $0x0  }
0x38: {  	[sflag:s8] =	ssyncadd.s32 $0xFFFF8000  }
0x39: {  	[tilespmem:s6], [sflag:$0x2] =	stream.indirect.gather [hbm4b:s3+s11], $0x80, s24, s11, $0xb8;
	[tilespmem:$0x10800] =	vst v63  }
0x3a: {  	_ = 	snop  }
0x3b: {  	[tilespmem:s14], [sflag:$0x2] =	stream.indirect.gather [hbm4b:s3+s11], $0x80, s25, s11, $0xb8;
	[tilespmem:$0x10800] =	vst v63  }
0x3c: {  	_ =	swait.ge [sflag:s12], $0x4000  }
0x3d: {  	[sflag:s12] =	ssyncset.done $0x0  }
0x3e: {  	[sflag:s12] =	ssyncadd.s32 $0xFFFFC000  }
0x3f: {  	_ =	swait.ge [sflag:s12], $0x4000  }
0x40: {  	[sflag:s12] =	ssyncset.done $0x0  }
0x41: {  	s0 =	rddreg [dreg:$0x6];
	[sflag:s12] =	ssyncadd.s32 $0xFFFFC000  }
0x42: {  	[hbm4b:s0+s2] =	stream.linear.scatter [tilespmem:s9], [sflag:$0x3], $0x8000, $0x38;
	[tilespmem:$0x10800] =	vst v63  }
0x43: {  	_ =	swait.ge [sflag:s10], $0x4000  }
0x44: {  	[sflag:s10] =	ssyncset.done $0x0  }
0x45: {  	[sflag:s10] =	ssyncadd.s32 $0xFFFFC000  }
0x46: {  	_ =	swait.ge [sflag:s10], $0x4000  }
0x47: {  	[sflag:s10] =	ssyncset.done $0x0  }
0x48: {  	s0 =	rddreg [dreg:$0x7];
	[sflag:s10] =	ssyncadd.s32 $0xFFFFC000  }
0x49: {  	[hbm4b:s0+s2] =	stream.linear.scatter [tilespmem:s6], [sflag:$0x4], $0x8000, $0x38;
	[tilespmem:$0x10800] =	vst v63  }
0x4a: {  	_ =	swait.ge [sflag:s7], $0x8000  }
0x4b: {  	[sflag:s7] =	ssyncset.done $0x0  }
0x4c: {  	[sflag:s7] =	ssyncadd.s32 $0xFFFF8000  }
0x4d: {  	[tilespmem:s9], [sflag:$0x1] =	stream.indirect.gather [hbm4b:s3+s11], $0x80, s20, s11, $0xb8;
	[tilespmem:$0x10800] =	vst v63  }
0x4e: {  	_ = 	snop  }
0x4f: {  	[tilespmem:s15], [sflag:$0x1] =	stream.indirect.gather [hbm4b:s3+s11], $0x80, s21, s11, $0xb8;
	[tilespmem:$0x10800] =	vst v63  }
0x50: {  	_ =	swait.ge [sflag:s8], $0x8000  }
0x51: {  	[sflag:s8] =	ssyncset.done $0x0  }
0x52: {  	[sflag:s8] =	ssyncadd.s32 $0xFFFF8000  }
0x53: {  	[tilespmem:s6], [sflag:$0x2] =	stream.indirect.gather [hbm4b:s3+s11], $0x80, s22, s11, $0xb8;
	[tilespmem:$0x10800] =	vst v63  }
0x54: {  	_ = 	snop  }
0x55: {  	[tilespmem:s14], [sflag:$0x2] =	stream.indirect.gather [hbm4b:s3+s11], $0x80, s23, s11, $0xb8;
	[tilespmem:$0x10800] =	vst v63  }
0x56: {  	_ =	swait.ge [sflag:s12], $0x4000  }
0x57: {  	[sflag:s12] =	ssyncset.done $0x0  }
0x58: {  	[sflag:s12] =	ssyncadd.s32 $0xFFFFC000  }
0x59: {  	_ =	swait.ge [sflag:s12], $0x4000  }
0x5a: {  	[sflag:s12] =	ssyncset.done $0x0  }
0x5b: {  	s0 =	rddreg [dreg:$0x8];
	[sflag:s12] =	ssyncadd.s32 $0xFFFFC000  }
0x5c: {  	[hbm4b:s0+s2] =	stream.linear.scatter [tilespmem:s9], [sflag:$0x3], $0x8000, $0x38;
	[tilespmem:$0x10800] =	vst v63  }
0x5d: {  	_ =	swait.ge [sflag:s10], $0x4000  }
0x5e: {  	[sflag:s10] =	ssyncset.done $0x0  }
0x5f: {  	[sflag:s10] =	ssyncadd.s32 $0xFFFFC000  }
0x60: {  	_ =	swait.ge [sflag:s10], $0x4000  }
0x61: {  	[sflag:s10] =	ssyncset.done $0x0  }
0x62: {  	[sflag:s10] =	ssyncadd.s32 $0xFFFFC000  }
0x63: {  	[hbm4b:s13+s2] =	stream.linear.scatter [tilespmem:s6], [sflag:$0x4], $0x8000, $0x38;
	[tilespmem:$0x10800] =	vst v63  }
0x64: {  	_ =	swait.ge [sflag:s7], $0x8000  }
0x65: {  	[sflag:s7] =	ssyncset.done $0x0  }
0x66: {  	[sflag:s7] =	ssyncadd.s32 $0xFFFF8000  }
0x67: {  	[tilespmem:s9], [sflag:$0x1] =	stream.indirect.gather [hbm4b:s3+s11], $0x80, s18, s11, $0xb8;
	[tilespmem:$0x10800] =	vst v63  }
0x68: {  	_ = 	snop  }
0x69: {  	[tilespmem:s15], [sflag:$0x1] =	stream.indirect.gather [hbm4b:s3+s11], $0x80, s19, s11, $0xb8;
	[tilespmem:$0x10800] =	vst v63  }
0x6a: {  	_ =	swait.ge [sflag:s8], $0x8000  }
0x6b: {  	[sflag:s8] =	ssyncset.done $0x0  }
0x6c: {  	[sflag:s8] =	ssyncadd.s32 $0xFFFF8000  }
0x6d: {  	[tilespmem:s6], [sflag:$0x2] =	stream.indirect.gather [hbm4b:s3+s11], $0x80, s16, s11, $0xb8;
	[tilespmem:$0x10800] =	vst v63  }
0x6e: {  	_ = 	snop  }
0x6f: {  	[tilespmem:s14], [sflag:$0x2] =	stream.indirect.gather [hbm4b:s3+s11], $0x80, s17, s11, $0xb8;
	[tilespmem:$0x10800] =	vst v63  }
0x70: {  	_ =	swait.ge [sflag:s12], $0x4000  }
0x71: {  	[sflag:s12] =	ssyncset.done $0x0  }
0x72: {  	[sflag:s12] =	ssyncadd.s32 $0xFFFFC000  }
0x73: {  	_ =	swait.ge [sflag:s12], $0x4000  }
0x74: {  	[sflag:s12] =	ssyncset.done $0x0  }
0x75: {  	[sflag:s12] =	ssyncadd.s32 $0xFFFFC000  }
0x76: {  	[hbm4b:s5+s2] =	stream.linear.scatter [tilespmem:s9], [sflag:$0x3], $0x8000, $0x38;
	[tilespmem:$0x10800] =	vst v63  }
0x77: {  	_ =	swait.ge [sflag:s10], $0x4000  }
0x78: {  	[sflag:s10] =	ssyncset.done $0x0  }
0x79: {  	[sflag:s10] =	ssyncadd.s32 $0xFFFFC000  }
0x7a: {  	_ =	swait.ge [sflag:s10], $0x4000  }
0x7b: {  	[sflag:s10] =	ssyncset.done $0x0  }
0x7c: {  	p1 =	sne.s32 s1, $0x1;
	[sflag:s10] =	ssyncadd.s32 $0xFFFFC000  }
0x7d: {  	[hbm4b:s4+s2] =	stream.linear.scatter [tilespmem:s6], [sflag:$0x4], $0x8000, $0x38;
	[tilespmem:$0x10800] =	vst v63  }
.Ltmp1:
0x7e: {  	_ =	swait.ge [sflag:s7], $0x8000;
	(pc) =	sbr.rel @!p1 .LBB2_3-.Ltmp1, $4  }
0x7f: {  	[sflag:s7] =	ssyncset.done $0x0  }
0x80: {  	[sflag:s7] =	ssyncadd.s32 $0xFFFF8000  }
0x81: {  	s1 =	sadd.s32 $0xFFFFFFFF, s1;
	_ =	swait.ge [sflag:s8], $0x8000  }
0x82: {  	p0 =	por $0x1, $0x1;
	s0 =	rddreg [dreg:$0x3];
	[sflag:s8] =	ssyncset.done $0x0  }
.LBB2_2:
0x83: {  	[sflag:s8] =	ssyncadd.s32 $0xFFFF8000  }
0x84: {  	[tilespmem:s2], [sflag:$0x5] =	stream.linear.gather [hbm4b:s0+s2], $0x800, $0x38;
	[tilespmem:$0x10800] =	vst v63  }
0x85: {  	_ =	swait.ge [sflag:s29], $0x800  }
0x86: {  	[sflag:s29] =	ssyncset.done $0x0  }
0x87: {  	[sflag:s29] =	ssyncadd.s32 $0xFFFFF800  }
0x88: {  	[tilespmem:s9], [sflag:$0x1] =	stream.indirect.gather [hbm4b:s3+s11], $0x80, s2, s11, $0xb8;
	[tilespmem:$0x10800] =	vst v63  }
0x89: {  	_ = 	snop  }
0x8a: {  	[tilespmem:s15], [sflag:$0x1] =	stream.indirect.gather [hbm4b:s3+s11], $0x80, s11, s11, $0xb8;
	[tilespmem:$0x10800] =	vst v63  }
0x8b: {  	_ = 	snop  }
0x8c: {  	[tilespmem:s6], [sflag:$0x2] =	stream.indirect.gather [hbm4b:s3+s11], $0x80, s30, s11, $0xb8;
	[tilespmem:$0x10800] =	vst v63  }
0x8d: {  	_ = 	snop  }
0x8e: {  	[tilespmem:s14], [sflag:$0x2] =	stream.indirect.gather [hbm4b:s3+s11], $0x80, s31, s11, $0xb8;
	[tilespmem:$0x10800] =	vst v63  }
0x8f: {  	_ =	swait.ge [sflag:s12], $0x4000  }
0x90: {  	[sflag:s12] =	ssyncset.done $0x0  }
0x91: {  	[sflag:s12] =	ssyncadd.s32 $0xFFFFC000  }
0x92: {  	_ =	swait.ge [sflag:s12], $0x4000  }
0x93: {  	[sflag:s12] =	ssyncset.done $0x0  }
0x94: {  	s0 =	rddreg [dreg:$0x4];
	[sflag:s12] =	ssyncadd.s32 $0xFFFFC000  }
0x95: {  	[hbm4b:s0+s2] =	stream.linear.scatter [tilespmem:s9], [sflag:$0x3], $0x8000, $0x38;
	[tilespmem:$0x10800] =	vst v63  }
0x96: {  	_ =	swait.ge [sflag:s10], $0x4000  }
0x97: {  	[sflag:s10] =	ssyncset.done $0x0  }
0x98: {  	[sflag:s10] =	ssyncadd.s32 $0xFFFFC000  }
0x99: {  	_ =	swait.ge [sflag:s10], $0x4000  }
0x9a: {  	[sflag:s10] =	ssyncset.done $0x0  }
0x9b: {  	s0 =	rddreg [dreg:$0x5];
	[sflag:s10] =	ssyncadd.s32 $0xFFFFC000  }
0x9c: {  	[hbm4b:s0+s2] =	stream.linear.scatter [tilespmem:s6], [sflag:$0x4], $0x8000, $0x38;
	[tilespmem:$0x10800] =	vst v63  }
0x9d: {  	_ =	swait.ge [sflag:s7], $0x8000  }
0x9e: {  	[sflag:s7] =	ssyncset.done $0x0  }
0x9f: {  	[sflag:s7] =	ssyncadd.s32 $0xFFFF8000  }
0xa0: {  	[tilespmem:s9], [sflag:$0x1] =	stream.indirect.gather [hbm4b:s3+s11], $0x80, s26, s11, $0xb8;
	[tilespmem:$0x10800] =	vst v63  }
0xa1: {  	_ = 	snop  }
0xa2: {  	[tilespmem:s15], [sflag:$0x1] =	stream.indirect.gather [hbm4b:s3+s11], $0x80, s28, s11, $0xb8;
	[tilespmem:$0x10800] =	vst v63  }
0xa3: {  	_ =	swait.ge [sflag:s8], $0x8000  }
0xa4: {  	[sflag:s8] =	ssyncset.done $0x0  }
0xa5: {  	[sflag:s8] =	ssyncadd.s32 $0xFFFF8000  }
0xa6: {  	[tilespmem:s6], [sflag:$0x2] =	stream.indirect.gather [hbm4b:s3+s11], $0x80, s24, s11, $0xb8;
	[tilespmem:$0x10800] =	vst v63  }
0xa7: {  	_ = 	snop  }
0xa8: {  	[tilespmem:s14], [sflag:$0x2] =	stream.indirect.gather [hbm4b:s3+s11], $0x80, s25, s11, $0xb8;
	[tilespmem:$0x10800] =	vst v63  }
0xa9: {  	_ =	swait.ge [sflag:s12], $0x4000  }
0xaa: {  	[sflag:s12] =	ssyncset.done $0x0  }
0xab: {  	[sflag:s12] =	ssyncadd.s32 $0xFFFFC000  }
0xac: {  	_ =	swait.ge [sflag:s12], $0x4000  }
0xad: {  	[sflag:s12] =	ssyncset.done $0x0  }
0xae: {  	s0 =	rddreg [dreg:$0x6];
	[sflag:s12] =	ssyncadd.s32 $0xFFFFC000  }
0xaf: {  	[hbm4b:s0+s2] =	stream.linear.scatter [tilespmem:s9], [sflag:$0x3], $0x8000, $0x38;
	[tilespmem:$0x10800] =	vst v63  }
0xb0: {  	_ =	swait.ge [sflag:s10], $0x4000  }
0xb1: {  	[sflag:s10] =	ssyncset.done $0x0  }
0xb2: {  	[sflag:s10] =	ssyncadd.s32 $0xFFFFC000  }
0xb3: {  	_ =	swait.ge [sflag:s10], $0x4000  }
0xb4: {  	[sflag:s10] =	ssyncset.done $0x0  }
0xb5: {  	s0 =	rddreg [dreg:$0x7];
	[sflag:s10] =	ssyncadd.s32 $0xFFFFC000  }
0xb6: {  	[hbm4b:s0+s2] =	stream.linear.scatter [tilespmem:s6], [sflag:$0x4], $0x8000, $0x38;
	[tilespmem:$0x10800] =	vst v63  }
0xb7: {  	_ =	swait.ge [sflag:s7], $0x8000  }
0xb8: {  	[sflag:s7] =	ssyncset.done $0x0  }
0xb9: {  	[sflag:s7] =	ssyncadd.s32 $0xFFFF8000  }
0xba: {  	[tilespmem:s9], [sflag:$0x1] =	stream.indirect.gather [hbm4b:s3+s11], $0x80, s20, s11, $0xb8;
	[tilespmem:$0x10800] =	vst v63  }
0xbb: {  	_ = 	snop  }
0xbc: {  	[tilespmem:s15], [sflag:$0x1] =	stream.indirect.gather [hbm4b:s3+s11], $0x80, s21, s11, $0xb8;
	[tilespmem:$0x10800] =	vst v63  }
0xbd: {  	_ =	swait.ge [sflag:s8], $0x8000  }
0xbe: {  	[sflag:s8] =	ssyncset.done $0x0  }
0xbf: {  	[sflag:s8] =	ssyncadd.s32 $0xFFFF8000  }
0xc0: {  	[tilespmem:s6], [sflag:$0x2] =	stream.indirect.gather [hbm4b:s3+s11], $0x80, s22, s11, $0xb8;
	[tilespmem:$0x10800] =	vst v63  }
0xc1: {  	_ = 	snop  }
0xc2: {  	[tilespmem:s14], [sflag:$0x2] =	stream.indirect.gather [hbm4b:s3+s11], $0x80, s23, s11, $0xb8;
	[tilespmem:$0x10800] =	vst v63  }
0xc3: {  	_ =	swait.ge [sflag:s12], $0x4000  }
0xc4: {  	[sflag:s12] =	ssyncset.done $0x0  }
0xc5: {  	[sflag:s12] =	ssyncadd.s32 $0xFFFFC000  }
0xc6: {  	_ =	swait.ge [sflag:s12], $0x4000  }
0xc7: {  	[sflag:s12] =	ssyncset.done $0x0  }
0xc8: {  	s0 =	rddreg [dreg:$0x8];
	[sflag:s12] =	ssyncadd.s32 $0xFFFFC000  }
0xc9: {  	[hbm4b:s0+s2] =	stream.linear.scatter [tilespmem:s9], [sflag:$0x3], $0x8000, $0x38;
	[tilespmem:$0x10800] =	vst v63  }
0xca: {  	_ =	swait.ge [sflag:s10], $0x4000  }
0xcb: {  	[sflag:s10] =	ssyncset.done $0x0  }
0xcc: {  	[sflag:s10] =	ssyncadd.s32 $0xFFFFC000  }
0xcd: {  	_ =	swait.ge [sflag:s10], $0x4000  }
0xce: {  	[sflag:s10] =	ssyncset.done $0x0  }
0xcf: {  	[sflag:s10] =	ssyncadd.s32 $0xFFFFC000  }
0xd0: {  	[hbm4b:s13+s2] =	stream.linear.scatter [tilespmem:s6], [sflag:$0x4], $0x8000, $0x38;
	[tilespmem:$0x10800] =	vst v63  }
0xd1: {  	_ =	swait.ge [sflag:s7], $0x8000  }
0xd2: {  	[sflag:s7] =	ssyncset.done $0x0  }
0xd3: {  	[sflag:s7] =	ssyncadd.s32 $0xFFFF8000  }
0xd4: {  	[tilespmem:s9], [sflag:$0x1] =	stream.indirect.gather [hbm4b:s3+s11], $0x80, s18, s11, $0xb8;
	[tilespmem:$0x10800] =	vst v63  }
0xd5: {  	_ = 	snop  }
0xd6: {  	[tilespmem:s15], [sflag:$0x1] =	stream.indirect.gather [hbm4b:s3+s11], $0x80, s19, s11, $0xb8;
	[tilespmem:$0x10800] =	vst v63  }
0xd7: {  	_ =	swait.ge [sflag:s8], $0x8000  }
0xd8: {  	[sflag:s8] =	ssyncset.done $0x0  }
0xd9: {  	[sflag:s8] =	ssyncadd.s32 $0xFFFF8000  }
0xda: {  	[tilespmem:s6], [sflag:$0x2] =	stream.indirect.gather [hbm4b:s3+s11], $0x80, s16, s11, $0xb8;
	[tilespmem:$0x10800] =	vst v63  }
0xdb: {  	_ = 	snop  }
0xdc: {  	[tilespmem:s14], [sflag:$0x2] =	stream.indirect.gather [hbm4b:s3+s11], $0x80, s17, s11, $0xb8;
	[tilespmem:$0x10800] =	vst v63  }
0xdd: {  	_ =	swait.ge [sflag:s12], $0x4000  }
0xde: {  	[sflag:s12] =	ssyncset.done $0x0  }
0xdf: {  	[sflag:s12] =	ssyncadd.s32 $0xFFFFC000  }
0xe0: {  	_ =	swait.ge [sflag:s12], $0x4000  }
0xe1: {  	[sflag:s12] =	ssyncset.done $0x0  }
0xe2: {  	[sflag:s12] =	ssyncadd.s32 $0xFFFFC000  }
0xe3: {  	[hbm4b:s5+s2] =	stream.linear.scatter [tilespmem:s9], [sflag:$0x3], $0x8000, $0x38;
	[tilespmem:$0x10800] =	vst v63  }
0xe4: {  	_ =	swait.ge [sflag:s10], $0x4000  }
0xe5: {  	[sflag:s10] =	ssyncset.done $0x0  }
0xe6: {  	[sflag:s10] =	ssyncadd.s32 $0xFFFFC000  }
0xe7: {  	_ =	swait.ge [sflag:s10], $0x4000  }
0xe8: {  	[sflag:s10] =	ssyncset.done $0x0  }
0xe9: {  	p1 =	sne.s32 s1, $0x1;
	[sflag:s10] =	ssyncadd.s32 $0xFFFFC000  }
0xea: {  	[hbm4b:s4+s2] =	stream.linear.scatter [tilespmem:s6], [sflag:$0x4], $0x8000, $0x38;
	[tilespmem:$0x10800] =	vst v63  }
.Ltmp2:
0xeb: {  	_ =	swait.ge [sflag:s7], $0x8000;
	(pc) =	sbr.rel @p1 .LBB2_2-.Ltmp2, $4  }
0xec: {  	[sflag:s7] =	ssyncset.done $0x0  }
0xed: {  	[sflag:s7] =	ssyncadd.s32 $0xFFFF8000  }
0xee: {  	_ =	swait.ge [sflag:s8], $0x8000  }
0xef: {  	s1 =	sadd.s32 $0xFFFFFFFF, s1;
	s0 =	rddreg [dreg:$0x3];
	[sflag:s8] =	ssyncset.done $0x0  }
.LBB2_3:
0xf0: {  	[sflag:s8] =	ssyncadd.s32 @p0 $0xFFFF8000  }
0xf1: {  	[tilespmem:s2], [sflag:$0x5] =	stream.linear.gather [hbm4b:s0+s2], $0x800, $0x38;
	[tilespmem:$0x10800] =	vst v63  }
0xf2: {  	_ =	swait.ge [sflag:s29], $0x800  }
0xf3: {  	[sflag:s29] =	ssyncset.done $0x0  }
0xf4: {  	[sflag:s29] =	ssyncadd.s32 $0xFFFFF800  }
0xf5: {  	[tilespmem:s9], [sflag:$0x1] =	stream.indirect.gather [hbm4b:s3+s11], $0x80, s2, s11, $0xb8;
	[tilespmem:$0x10800] =	vst v63  }
0xf6: {  	_ = 	snop  }
0xf7: {  	[tilespmem:s15], [sflag:$0x1] =	stream.indirect.gather [hbm4b:s3+s11], $0x80, s11, s11, $0xb8;
	[tilespmem:$0x10800] =	vst v63  }
0xf8: {  	_ = 	snop  }
0xf9: {  	[tilespmem:s6], [sflag:$0x2] =	stream.indirect.gather [hbm4b:s3+s11], $0x80, s30, s11, $0xb8;
	[tilespmem:$0x10800] =	vst v63  }
0xfa: {  	_ = 	snop  }
0xfb: {  	[tilespmem:s14], [sflag:$0x2] =	stream.indirect.gather [hbm4b:s3+s11], $0x80, s31, s11, $0xb8;
	[tilespmem:$0x10800] =	vst v63  }
0xfc: {  	_ =	swait.ge [sflag:s12], $0x4000  }
0xfd: {  	[sflag:s12] =	ssyncset.done $0x0  }
0xfe: {  	[sflag:s12] =	ssyncadd.s32 $0xFFFFC000  }
0xff: {  	_ =	swait.ge [sflag:s12], $0x4000  }
0x100: {  	[sflag:s12] =	ssyncset.done $0x0  }
0x101: {  	s31 =	rddreg [dreg:$0x4];
	[sflag:s12] =	ssyncadd.s32 $0xFFFFC000  }
0x102: {  	[hbm4b:s31+s2] =	stream.linear.scatter [tilespmem:s9], [sflag:$0x3], $0x8000, $0x38;
	[tilespmem:$0x10800] =	vst v63  }
0x103: {  	_ =	swait.ge [sflag:s10], $0x4000  }
0x104: {  	[sflag:s10] =	ssyncset.done $0x0  }
0x105: {  	[sflag:s10] =	ssyncadd.s32 $0xFFFFC000  }
0x106: {  	_ =	swait.ge [sflag:s10], $0x4000  }
0x107: {  	[sflag:s10] =	ssyncset.done $0x0  }
0x108: {  	s1 =	rddreg [dreg:$0x5];
	[sflag:s10] =	ssyncadd.s32 $0xFFFFC000  }
0x109: {  	[hbm4b:s1+s2] =	stream.linear.scatter [tilespmem:s6], [sflag:$0x4], $0x8000, $0x38;
	[tilespmem:$0x10800] =	vst v63  }
0x10a: {  	_ =	swait.ge [sflag:s7], $0x8000  }
0x10b: {  	[sflag:s7] =	ssyncset.done $0x0  }
0x10c: {  	[sflag:s7] =	ssyncadd.s32 $0xFFFF8000  }
0x10d: {  	[tilespmem:s9], [sflag:$0x1] =	stream.indirect.gather [hbm4b:s3+s11], $0x80, s26, s11, $0xb8;
	[tilespmem:$0x10800] =	vst v63  }
0x10e: {  	_ = 	snop  }
0x10f: {  	[tilespmem:s15], [sflag:$0x1] =	stream.indirect.gather [hbm4b:s3+s11], $0x80, s28, s11, $0xb8;
	[tilespmem:$0x10800] =	vst v63  }
0x110: {  	_ =	swait.ge [sflag:s8], $0x8000  }
0x111: {  	[sflag:s8] =	ssyncset.done $0x0  }
0x112: {  	[sflag:s8] =	ssyncadd.s32 $0xFFFF8000  }
0x113: {  	[tilespmem:s6], [sflag:$0x2] =	stream.indirect.gather [hbm4b:s3+s11], $0x80, s24, s11, $0xb8;
	[tilespmem:$0x10800] =	vst v63  }
0x114: {  	_ = 	snop  }
0x115: {  	[tilespmem:s14], [sflag:$0x2] =	stream.indirect.gather [hbm4b:s3+s11], $0x80, s25, s11, $0xb8;
	[tilespmem:$0x10800] =	vst v63  }
0x116: {  	_ =	swait.ge [sflag:s12], $0x4000  }
0x117: {  	[sflag:s12] =	ssyncset.done $0x0  }
0x118: {  	[sflag:s12] =	ssyncadd.s32 $0xFFFFC000  }
0x119: {  	_ =	swait.ge [sflag:s12], $0x4000  }
0x11a: {  	[sflag:s12] =	ssyncset.done $0x0  }
0x11b: {  	s28 =	rddreg [dreg:$0x6];
	[sflag:s12] =	ssyncadd.s32 $0xFFFFC000  }
0x11c: {  	[hbm4b:s28+s2] =	stream.linear.scatter [tilespmem:s9], [sflag:$0x3], $0x8000, $0x38;
	[tilespmem:$0x10800] =	vst v63  }
0x11d: {  	_ =	swait.ge [sflag:s10], $0x4000  }
0x11e: {  	[sflag:s10] =	ssyncset.done $0x0  }
0x11f: {  	[sflag:s10] =	ssyncadd.s32 $0xFFFFC000  }
0x120: {  	_ =	swait.ge [sflag:s10], $0x4000  }
0x121: {  	[sflag:s10] =	ssyncset.done $0x0  }
0x122: {  	s29 =	rddreg [dreg:$0x7];
	[sflag:s10] =	ssyncadd.s32 $0xFFFFC000  }
0x123: {  	[hbm4b:s29+s2] =	stream.linear.scatter [tilespmem:s6], [sflag:$0x4], $0x8000, $0x38;
	[tilespmem:$0x10800] =	vst v63  }
0x124: {  	_ =	swait.ge [sflag:s7], $0x8000  }
0x125: {  	[sflag:s7] =	ssyncset.done $0x0  }
0x126: {  	[sflag:s7] =	ssyncadd.s32 $0xFFFF8000  }
0x127: {  	[tilespmem:s9], [sflag:$0x1] =	stream.indirect.gather [hbm4b:s3+s11], $0x80, s20, s11, $0xb8;
	[tilespmem:$0x10800] =	vst v63  }
0x128: {  	_ = 	snop  }
0x129: {  	[tilespmem:s15], [sflag:$0x1] =	stream.indirect.gather [hbm4b:s3+s11], $0x80, s21, s11, $0xb8;
	[tilespmem:$0x10800] =	vst v63  }
0x12a: {  	_ =	swait.ge [sflag:s8], $0x8000  }
0x12b: {  	[sflag:s8] =	ssyncset.done $0x0  }
0x12c: {  	[sflag:s8] =	ssyncadd.s32 $0xFFFF8000  }
0x12d: {  	[tilespmem:s6], [sflag:$0x2] =	stream.indirect.gather [hbm4b:s3+s11], $0x80, s22, s11, $0xb8;
	[tilespmem:$0x10800] =	vst v63  }
0x12e: {  	_ = 	snop  }
0x12f: {  	[tilespmem:s14], [sflag:$0x2] =	stream.indirect.gather [hbm4b:s3+s11], $0x80, s23, s11, $0xb8;
	[tilespmem:$0x10800] =	vst v63  }
0x130: {  	_ =	swait.ge [sflag:s12], $0x4000  }
0x131: {  	[sflag:s12] =	ssyncset.done $0x0  }
0x132: {  	[sflag:s12] =	ssyncadd.s32 $0xFFFFC000  }
0x133: {  	_ =	swait.ge [sflag:s12], $0x4000  }
0x134: {  	[sflag:s12] =	ssyncset.done $0x0  }
0x135: {  	s30 =	rddreg [dreg:$0x8];
	[sflag:s12] =	ssyncadd.s32 $0xFFFFC000  }
0x136: {  	[hbm4b:s30+s2] =	stream.linear.scatter [tilespmem:s9], [sflag:$0x3], $0x8000, $0x38;
	[tilespmem:$0x10800] =	vst v63  }
0x137: {  	_ =	swait.ge [sflag:s10], $0x4000  }
0x138: {  	[sflag:s10] =	ssyncset.done $0x0  }
0x139: {  	[sflag:s10] =	ssyncadd.s32 $0xFFFFC000  }
0x13a: {  	_ =	swait.ge [sflag:s10], $0x4000  }
0x13b: {  	[sflag:s10] =	ssyncset.done $0x0  }
0x13c: {  	[sflag:s10] =	ssyncadd.s32 $0xFFFFC000  }
0x13d: {  	[hbm4b:s13+s2] =	stream.linear.scatter [tilespmem:s6], [sflag:$0x4], $0x8000, $0x38;
	[tilespmem:$0x10800] =	vst v63  }
0x13e: {  	_ =	swait.ge [sflag:s7], $0x8000  }
0x13f: {  	[sflag:s7] =	ssyncset.done $0x0  }
0x140: {  	[sflag:s7] =	ssyncadd.s32 $0xFFFF8000  }
0x141: {  	[tilespmem:s9], [sflag:$0x1] =	stream.indirect.gather [hbm4b:s3+s11], $0x80, s18, s11, $0xb8;
	[tilespmem:$0x10800] =	vst v63  }
0x142: {  	_ = 	snop  }
0x143: {  	[tilespmem:s15], [sflag:$0x1] =	stream.indirect.gather [hbm4b:s3+s11], $0x80, s19, s11, $0xb8;
	[tilespmem:$0x10800] =	vst v63  }
0x144: {  	_ =	swait.ge [sflag:s8], $0x8000  }
0x145: {  	[sflag:s8] =	ssyncset.done $0x0  }
0x146: {  	[sflag:s8] =	ssyncadd.s32 $0xFFFF8000  }
0x147: {  	[tilespmem:s6], [sflag:$0x2] =	stream.indirect.gather [hbm4b:s3+s11], $0x80, s16, s11, $0xb8;
	[tilespmem:$0x10800] =	vst v63  }
0x148: {  	_ = 	snop  }
0x149: {  	[tilespmem:s14], [sflag:$0x2] =	stream.indirect.gather [hbm4b:s3+s11], $0x80, s17, s11, $0xb8;
	[tilespmem:$0x10800] =	vst v63  }
0x14a: {  	_ =	swait.ge [sflag:s12], $0x4000  }
0x14b: {  	[sflag:s12] =	ssyncset.done $0x0  }
0x14c: {  	[sflag:s12] =	ssyncadd.s32 $0xFFFFC000  }
0x14d: {  	_ =	swait.ge [sflag:s12], $0x4000  }
0x14e: {  	[sflag:s12] =	ssyncset.done $0x0  }
0x14f: {  	[sflag:s12] =	ssyncadd.s32 $0xFFFFC000  }
0x150: {  	[hbm4b:s5+s2] =	stream.linear.scatter [tilespmem:s9], [sflag:$0x3], $0x8000, $0x38;
	[tilespmem:$0x10800] =	vst v63  }
0x151: {  	_ =	swait.ge [sflag:s10], $0x4000  }
0x152: {  	[sflag:s10] =	ssyncset.done $0x0  }
0x153: {  	[sflag:s10] =	ssyncadd.s32 $0xFFFFC000  }
0x154: {  	_ =	swait.ge [sflag:s10], $0x4000  }
0x155: {  	[sflag:s10] =	ssyncset.done $0x0  }
0x156: {  	[sflag:s10] =	ssyncadd.s32 $0xFFFFC000  }
0x157: {  	[hbm4b:s4+s2] =	stream.linear.scatter [tilespmem:s6], [sflag:$0x4], $0x8000, $0x38;
	[tilespmem:$0x10800] =	vst v63  }
0x158: {  	_ =	swait.ge [sflag:s7], $0x8000  }
0x159: {  	[sflag:s7] =	ssyncset.done $0x0  }
0x15a: {  	[sflag:s7] =	ssyncadd.s32 $0xFFFF8000  }
0x15b: {  	_ =	swait.ge [sflag:s8], $0x8000  }
0x15c: {  	[sflag:s8] =	ssyncset.done $0x0  }
0x15d: {  	[sflag:s8] =	ssyncadd.s32 $0xFFFF8000  }
0x15e: {  	_ =	sfence.sel $0x180000  }
0x15f: {  	[bflag:$0x0] =	sbarrier.arrive $0xFFFF  }
0x160: {  	_ =	strace $0x90000050  }
0x161: {  	s31 =	stileid.u32;
	[bflag:$0x2] =	sbarrier.arrive $0xFFFF  }
0x162: {  	p0 =	sne.s32 s31, $0x0;
	s0 =	rddreg [dreg:$0x2]  }
0x163: {  	s0 =	sadd.s32 @!p0 $0x100000, s0  }
0x164: {  	[sflag:s0] =	ssyncadd.tile.s32 @!p0 $0x1;
	_ =	shalt  }
.Lfunc_end2:
_tile_overlayer_lowered:
.L_overlay_start_2:
0x165: {  	(tag) =	ssettag $0x2  }
0x166: {  	s0 =	rddreg [dreg:$0x0];
	s2 =	stileid.u32  }
0x167: {  	s1 =	rddreg [dreg:$0x1];
	p0 =	sne.s32 s2, $0x0  }
0x168: {  	s3 =	rddreg [dreg:$0x2];
	[bflag:$0x3] =	sbarrier.arrive $0xFFFF;
	s2 =	simm.s32 @!p0 $0x1C05  }
0x169: {  	[timem:s3], [sflag:s2] =	dma.local @!p0 [hbm:s0], s1  }
0x16a: {  	s0 =	simm.s32 @!p0 $0x5  }
0x16b: {  	_ =	swait.ge @!p0 [sflag:s0], s1  }
0x16c: {  	s1 =	ssub.s32 @!p0 $0x0, s1;
	[sflag:s0] =	ssyncset.done @!p0 $0x0  }
0x16d: {  	[sflag:s0] =	ssyncadd.s32 @!p0 s1  }
0x16e: {  	[bflag:$0x3] =	sbarrier.arrive $0xFFFF  }
0x16f: {  	_ =	shalt  }

</sc_bundles>
